<compile_context>
chip_gen: v7x
topology: tpu7x:2x2x1
jax: 0.10.2.dev20260603
libtpu: 0.0.44.dev20260713+nightly
codegen_flags: <defaults>
</compile_context>

<pallas_src>
import functools

import jax
import jax.numpy as jnp
from jax import lax
from jax.experimental import pallas as pl
from jax.experimental.pallas import tpu as pltpu
from jax.experimental.pallas import tpu_sc as plsc

N_NODES = 10000
NP = 10240
D = 128
D3 = 64
D_OUT = 40
NE = 320000
CHUNK = 128
NC, NS = 2, 16
NW = NC * NS
NCH = 2560
CPW = NCH // NW
EPW = CPW * CHUNK
ROWS_PW = NP // NS
HBINS = NP // 16

_MESH = dict(core_axis_name="c", subcore_axis_name="s", num_cores=NC,
             num_subcores=NS)


def _wid():
    return lax.axis_index("s") * NC + lax.axis_index("c")


def _deg_body(src_hbm, dst_hbm, ones_hbm, zero_hbm, out_hbm,
              sidx_v, didx_v, ones_v, accs_sh, accd_sh):
    c = lax.axis_index("c")
    s = lax.axis_index("s")
    w = s * NC + c
    pltpu.sync_copy(src_hbm.at[pl.ds(w * CPW, CPW)], sidx_v)
    pltpu.sync_copy(dst_hbm.at[pl.ds(w * CPW, CPW)], didx_v)
    pltpu.sync_copy(ones_hbm, ones_v)
    r0 = s * ROWS_PW
    pltpu.sync_copy(zero_hbm.at[pl.ds(r0, ROWS_PW)], accs_sh.at[pl.ds(r0, ROWS_PW)])
    pltpu.sync_copy(zero_hbm.at[pl.ds(r0, ROWS_PW)], accd_sh.at[pl.ds(r0, ROWS_PW)])
    plsc.subcore_barrier()

    def step(j, _):
        pltpu.sync_copy(ones_v, accs_sh.at[sidx_v.at[j]], add=True)
        pltpu.sync_copy(ones_v, accd_sh.at[didx_v.at[j]], add=True)
        return _

    lax.fori_loop(0, CPW, step, 0)
    plsc.subcore_barrier()
    pltpu.sync_copy(accs_sh.at[pl.ds(r0, ROWS_PW)], out_hbm.at[c, 0, pl.ds(r0, ROWS_PW)])
    pltpu.sync_copy(accd_sh.at[pl.ds(r0, ROWS_PW)], out_hbm.at[c, 1, pl.ds(r0, ROWS_PW)])


def _sc_degrees(src2d, dst2d, ones_rows, zero_rows):
    k = pl.kernel(
        _deg_body,
        out_type=jax.ShapeDtypeStruct((NC, 2, NP, 16), jnp.float32),
        mesh=plsc.VectorSubcoreMesh(**_MESH),
        compiler_params=pltpu.CompilerParams(use_tc_tiling_on_sc=False),
        scratch_types=[
            pltpu.VMEM((CPW, CHUNK), jnp.int32),
            pltpu.VMEM((CPW, CHUNK), jnp.int32),
            pltpu.VMEM((CHUNK, 16), jnp.float32),
            pltpu.VMEM_SHARED((NP, 16), jnp.float32),
            pltpu.VMEM_SHARED((NP, 16), jnp.float32),
        ],
    )
    return k(src2d, dst2d, ones_rows, zero_rows)


NBUF = 2


HCH = CPW // 2


def _prop_body(table_hbm, src_hbm, dst_hbm, zero_hbm, out_hbm,
               sidx_v, didx_v, buf0_v, buf1_v, acc_sh, gsem0, gsem1):
    c = lax.axis_index("c")
    s = lax.axis_index("s")
    w = s * NC + c
    bufs = (buf0_v, buf1_v)
    gsems = (gsem0, gsem1)
    r0 = s * ROWS_PW
    pltpu.sync_copy(zero_hbm.at[pl.ds(r0, ROWS_PW)], acc_sh.at[pl.ds(r0, ROWS_PW)])
    plsc.subcore_barrier()

    for h in range(2):
        base = w * CPW + h * HCH
        pltpu.sync_copy(src_hbm.at[pl.ds(base, HCH)], sidx_v)
        pltpu.sync_copy(dst_hbm.at[pl.ds(base, HCH)], didx_v)
        pltpu.async_copy(table_hbm.at[sidx_v.at[0]], bufs[0], gsems[0])

        def group(g, _):
            for b in range(NBUF):
                j = g * NBUF + b
                pltpu.make_async_copy(
                    table_hbm.at[sidx_v.at[j]], bufs[b], gsems[b]).wait()

                @pl.when(j + 1 < HCH)
                def _issue():
                    pltpu.async_copy(table_hbm.at[sidx_v.at[j + 1]],
                                     bufs[1 - b], gsems[1 - b])

                pltpu.sync_copy(bufs[b], acc_sh.at[didx_v.at[j]], add=True)
            return _

        lax.fori_loop(0, HCH // NBUF, group, 0)
    plsc.subcore_barrier()
    pltpu.sync_copy(acc_sh.at[pl.ds(r0, ROWS_PW)], out_hbm.at[c, pl.ds(r0, ROWS_PW)])


def _sc_prop(table, src2d, dst2d, zero_rows, d):
    params = (pltpu.CompilerParams(use_tc_tiling_on_sc=False)
              if d < 128 else None)
    k = pl.kernel(
        _prop_body,
        out_type=jax.ShapeDtypeStruct((NC, NP, d), jnp.float32),
        mesh=plsc.VectorSubcoreMesh(**_MESH),
        compiler_params=params,
        scratch_types=[
            pltpu.VMEM((HCH, CHUNK), jnp.int32),
            pltpu.VMEM((HCH, CHUNK), jnp.int32),
            pltpu.VMEM((CHUNK, d), jnp.float32),
            pltpu.VMEM((CHUNK, d), jnp.float32),
            pltpu.VMEM_SHARED((NP, d), jnp.float32),
            pltpu.SemaphoreType.DMA,
            pltpu.SemaphoreType.DMA,
        ],
    )
    return k(table, src2d, dst2d, zero_rows)


def _fg_body(degp_ref, f_ref, g_ref):
    deg_o = degp_ref[0, 0, :, 0:1] + degp_ref[1, 0, :, 0:1]
    deg_i = degp_ref[0, 1, :, 0:1] + degp_ref[1, 1, :, 0:1]
    valid = lax.broadcasted_iota(jnp.int32, (NP, 1), 0) < N_NODES
    f_ref[...] = jnp.where(valid, lax.rsqrt(jnp.maximum(deg_o, 1.0)), 0.0)
    g_ref[...] = jnp.where(valid, lax.rsqrt(jnp.maximum(deg_i, 1.0)), 0.0)


def _tc_fg(degp):
    return pl.pallas_call(
        _fg_body,
        out_shape=(jax.ShapeDtypeStruct((NP, 1), jnp.float32),
                   jax.ShapeDtypeStruct((NP, 1), jnp.float32)),
    )(degp)


def _scale_body(x_ref, f_ref, o_ref):
    o_ref[...] = x_ref[...] * f_ref[...]


def _tc_scale(x, f_col):
    d = x.shape[1]
    blk = 2048
    return pl.pallas_call(
        _scale_body,
        grid=(NP // blk,),
        in_specs=[pl.BlockSpec((blk, d), lambda i: (i, 0)),
                  pl.BlockSpec((blk, 1), lambda i: (i, 0))],
        out_specs=pl.BlockSpec((blk, d), lambda i: (i, 0)),
        out_shape=jax.ShapeDtypeStruct((NP, d), jnp.float32),
    )(x, f_col)


def _lin_body(relu, q_ref, g_ref, f_ref, w_ref, b_ref, o_ref):
    q = (q_ref[0] + q_ref[1]) * g_ref[...]
    h = jnp.dot(q, w_ref[...], preferred_element_type=jnp.float32) + b_ref[...]
    if relu:
        h = jnp.maximum(h, 0.0)
    o_ref[...] = h * f_ref[...]


def _tc_linear(q, g_col, f_col, w, b_row, relu):
    _, n, d_in = q.shape
    d_out = w.shape[1]
    blk = 2048
    return pl.pallas_call(
        functools.partial(_lin_body, relu),
        grid=(n // blk,),
        in_specs=[pl.BlockSpec((NC, blk, d_in), lambda i: (0, i, 0)),
                  pl.BlockSpec((blk, 1), lambda i: (i, 0)),
                  pl.BlockSpec((blk, 1), lambda i: (i, 0)),
                  pl.BlockSpec((d_in, d_out), lambda i: (0, 0)),
                  pl.BlockSpec((1, d_out), lambda i: (0, 0))],
        out_specs=pl.BlockSpec((blk, d_out), lambda i: (i, 0)),
        out_shape=jax.ShapeDtypeStruct((n, d_out), jnp.float32),
    )(q, g_col, f_col, w, b_row)


def _final_body(t_ref, g_ref, ls_ref, h_ref):
    h = ((t_ref[0] + t_ref[1]) * g_ref[...])[:, :D_OUT]
    m = jnp.max(h, axis=1, keepdims=True)
    e = jnp.exp(h - m)
    lse = jnp.log(jnp.sum(e, axis=1, keepdims=True)) + m
    h_ref[...] = h
    ls_ref[...] = h - lse


def _tc_final(t, g_col):
    d = t.shape[2]
    blk = 1000
    return pl.pallas_call(
        _final_body,
        grid=(N_NODES // blk,),
        in_specs=[pl.BlockSpec((NC, blk, d), lambda i: (0, i, 0)),
                  pl.BlockSpec((blk, 1), lambda i: (i, 0))],
        out_specs=(pl.BlockSpec((blk, D_OUT), lambda i: (i, 0)),
                   pl.BlockSpec((blk, D_OUT), lambda i: (i, 0))),
        out_shape=(jax.ShapeDtypeStruct((N_NODES, D_OUT), jnp.float32),
                   jax.ShapeDtypeStruct((N_NODES, D_OUT), jnp.float32)),
    )(t, g_col)


def kernel(x, edge_index, W1, b1, W2, b2):
    src = edge_index[0].astype(jnp.int32)
    dst = edge_index[1].astype(jnp.int32)
    n_pad = NCH * CHUNK - NE
    pad_idx = N_NODES + (jnp.arange(n_pad, dtype=jnp.int32) % (NP - N_NODES))
    src_flat = jnp.concatenate([src, pad_idx])
    dst_flat = jnp.concatenate([dst, pad_idx])
    src2d = src_flat.reshape(NCH, CHUNK)
    dst2d = dst_flat.reshape(NCH, CHUNK)

    w2p = jnp.pad(W2, ((0, 0), (0, D3 - D_OUT)))
    b1r = b1.reshape(1, D)
    b2r = jnp.pad(b2, (0, D3 - D_OUT)).reshape(1, D3)
    zeros_d = jnp.zeros((NP, D), jnp.float32)
    zeros_d3 = jnp.zeros((NP, D3), jnp.float32)
    zeros_16 = jnp.zeros((NP, 16), jnp.float32)
    ones_rows = jnp.ones((CHUNK, 16), jnp.float32)

    degp = _sc_degrees(src2d, dst2d, ones_rows, zeros_16)
    f_col, g_col = _tc_fg(degp)

    xs = _tc_scale(x, f_col)
    q = _sc_prop(xs, src2d, dst2d, zeros_d, D)
    h1s = _tc_linear(q, g_col, f_col, W1, b1r, relu=True)
    r = _sc_prop(h1s, src2d, dst2d, zeros_d, D)
    h2s = _tc_linear(r, g_col, f_col, w2p, b2r, relu=False)
    t = _sc_prop(h2s, src2d, dst2d, zeros_d3, D3)
    ls, h = _tc_final(t, g_col)
    return (ls, h)

# --- scband reference (transcript-rebuilt; emitter-appended) ---
"""Pipeline reference for scband-per-net-gnn-36172214567624 (READ-ONLY COPY).

The authoritative reference and input builder live on the scoring server;
editing this copy changes nothing except your own understanding.
"""

import jax, jax.numpy as jnp
import numpy as np

N_NODES = 10000
N_EDGES = 320000
D_IN = 128
D_HID = 128
D_OUT = 40

def setup_inputs(seed: int = 0) -> dict:
    key = jax.random.key(seed)
    k1, k2, k3, k4, k5, k6 = jax.random.split(key, 6)
    x = jax.random.normal(k1, (N_NODES, D_IN), dtype=jnp.float32)
    edge_index = jax.random.randint(k2, (2, N_EDGES), 0, N_NODES, dtype=jnp.int64)
    s1 = 1.0 / np.sqrt(D_IN)
    s2 = 1.0 / np.sqrt(D_HID)
    W1 = jax.random.uniform(k3, (D_IN, D_HID), dtype=jnp.float32, minval=-s1, maxval=s1)
    b1 = jax.random.uniform(k4, (D_HID,), dtype=jnp.float32, minval=-s1, maxval=s1)
    W2 = jax.random.uniform(k5, (D_HID, D_OUT), dtype=jnp.float32, minval=-s2, maxval=s2)
    b2 = jax.random.uniform(k6, (D_OUT,), dtype=jnp.float32, minval=-s2, maxval=s2)
    return {"x": x, "edge_index": edge_index, "W1": W1, "b1": b1, "W2": W2, "b2": b2}

def _propagate(h, src, dst, norm, n_nodes):
    # GCN-style normalized message passing: gather from src, scatter-add to dst
    msgs = jnp.take(h, src, axis=0) * norm[:, None]
    return jax.ops.segment_sum(msgs, dst, num_segments=n_nodes)

def reference(x, edge_index, W1, b1, W2, b2):
    src = edge_index[0]
    dst = edge_index[1]
    n = x.shape[0]
    ones = jnp.ones((src.shape[0],), dtype=jnp.float32)
    deg_out = jax.ops.segment_sum(ones, src, num_segments=n)
    deg_in = jax.ops.segment_sum(ones, dst, num_segments=n)
    norm = jax.lax.rsqrt(jnp.clip(jnp.take(deg_out, src), 1.0) * jnp.clip(jnp.take(deg_in, dst), 1.0))
    # dropout is identity in eval mode
    h = _propagate(x, src, dst, norm, n)        # prop part of prop_lin1
    h = h @ W1 + b1                             # lin part of prop_lin1
    h = jax.nn.relu(h)
    h = _propagate(h, src, dst, norm, n)        # prop part of prop_lin2
    h = h @ W2 + b2                             # lin part of prop_lin2
    h = _propagate(h, src, dst, norm, n)        # prop2 (pure propagation)
    return (jax.nn.log_softmax(h, axis=1), h)

if __name__ == "__main__":
    import jax
    _d = setup_inputs()
    print(jax.jit(kernel)(*tuple(_d.values())))

</pallas_src>

<mosaic_0001>
#map = affine_map<(d0, d1) -> (0, 0)>
#map1 = affine_map<(d0, d1) -> (0, 0, 0)>
module attributes {stable_mosaic.version = 14 : i64} {
  func.func @_prop_body(%arg0: i32, %arg1: i32, %arg2: memref<10240x128xf32, #tpu.memory_space<hbm>>, %arg3: memref<2560x128xi32, #tpu.memory_space<hbm>>, %arg4: memref<2560x128xi32, #tpu.memory_space<hbm>>, %arg5: memref<10240x128xf32, #tpu.memory_space<hbm>>, %arg6: memref<2x10240x128xf32, #tpu.memory_space<hbm>>, %arg7: memref<40x128xi32, #tpu.memory_space<vmem>>, %arg8: memref<40x128xi32, #tpu.memory_space<vmem>>, %arg9: memref<128x128xf32, #tpu.memory_space<vmem>>, %arg10: memref<128x128xf32, #tpu.memory_space<vmem>>, %arg11: memref<10240x128xf32, #tpu.memory_space<vmem_shared>>, %arg12: memref<!tpu.dma_semaphore, #tpu.memory_space<semaphore_mem>>, %arg13: memref<!tpu.dma_semaphore, #tpu.memory_space<semaphore_mem>>) attributes {dimension_semantics = [#tpu.dimension_semantics<core_parallel>, #tpu.dimension_semantics<subcore_parallel>], iteration_bounds = array<i64: 2, 16>, scalar_prefetch = 0 : i64, scratch_operands = 7 : i64, tpu.core_type = #tpu.core_type<sc_vector_subcore>, window_params = [{transform_indices = #map}, {transform_indices = #map}, {transform_indices = #map}, {transform_indices = #map}, {transform_indices = #map1}]} {
    %mul3A = arith.constant 2 : i32
    %mul3A_0 = arith.muli %arg1, %mul3A : i32
    %add3A = arith.addi %mul3A_0, %arg0 : i32
    %mul3A_1 = arith.constant 640 : i32
    %mul3A_2 = arith.muli %arg1, %mul3A_1 : i32
    "tpu.region"() ({
      %run_scoped3A = tpu.sem_alloc : memref<!tpu.dma_semaphore, #tpu.memory_space<semaphore_mem>>
      %dma_start3A_36 = arith.constant 0 : i32
      %dma_start3A_37 = tpu.memref_slice %arg11[%mul3A_2, %dma_start3A_36] : memref<10240x128xf32, #tpu.memory_space<vmem_shared>> -> memref<640x128xf32, #tpu.memory_space<vmem_shared>>
      %dma_start3A_38 = arith.constant 0 : i32
      %dma_start3A_39 = tpu.memref_slice %arg5[%mul3A_2, %dma_start3A_38] : memref<10240x128xf32, #tpu.memory_space<hbm>> -> memref<640x128xf32, #tpu.memory_space<hbm>>
      tpu.enqueue_dma source(%dma_start3A_39 : memref<640x128xf32, #tpu.memory_space<hbm>>) target(%dma_start3A_37 : memref<640x128xf32, #tpu.memory_space<vmem_shared>>) target_semaphore(%run_scoped3A : memref<!tpu.dma_semaphore, #tpu.memory_space<semaphore_mem>>)
      %dma_wait3A = arith.constant 0 : i32
      %dma_wait3A_40 = tpu.memref_slice %arg11[%mul3A_2, %dma_wait3A] : memref<10240x128xf32, #tpu.memory_space<vmem_shared>> -> memref<640x128xf32, #tpu.memory_space<vmem_shared>>
      %dma_wait3A_41 = arith.constant 0 : i32
      %dma_wait3A_42 = tpu.memref_slice %arg5[%mul3A_2, %dma_wait3A_41] : memref<10240x128xf32, #tpu.memory_space<hbm>> -> memref<640x128xf32, #tpu.memory_space<hbm>>
      tpu.wait_dma2 semaphore(%run_scoped3A : memref<!tpu.dma_semaphore, #tpu.memory_space<semaphore_mem>>) src(%dma_wait3A_42 : memref<640x128xf32, #tpu.memory_space<hbm>>) dst(%dma_wait3A_40 : memref<640x128xf32, #tpu.memory_space<vmem_shared>>)
      tpu.yield
    }) : () -> ()
    %barrier3A = arith.constant 0 : index
    tpu.barrier barrier_id(%barrier3A)
    %mul3A_3 = arith.constant 80 : i32
    %mul3A_4 = arith.muli %add3A, %mul3A_3 : i32
    %add3A_5 = arith.constant 0 : i32
    %add3A_6 = arith.addi %mul3A_4, %add3A_5 : i32
    "tpu.region"() ({
      %run_scoped3A = tpu.sem_alloc : memref<!tpu.dma_semaphore, #tpu.memory_space<semaphore_mem>>
      %dma_start3A_36 = arith.constant 0 : i32
      %dma_start3A_37 = tpu.memref_slice %arg3[%add3A_6, %dma_start3A_36] : memref<2560x128xi32, #tpu.memory_space<hbm>> -> memref<40x128xi32, #tpu.memory_space<hbm>>
      %dma_start3A_38 = arith.constant 0 : i32
      %dma_start3A_39 = tpu.memref_slice %arg3[%add3A_6, %dma_start3A_38] : memref<2560x128xi32, #tpu.memory_space<hbm>> -> memref<40x128xi32, #tpu.memory_space<hbm>>
      tpu.enqueue_dma source(%dma_start3A_39 : memref<40x128xi32, #tpu.memory_space<hbm>>) target(%arg7 : memref<40x128xi32, #tpu.memory_space<vmem>>) target_semaphore(%run_scoped3A : memref<!tpu.dma_semaphore, #tpu.memory_space<semaphore_mem>>)
      %dma_wait3A = arith.constant 0 : i32
      %dma_wait3A_40 = tpu.memref_slice %arg3[%add3A_6, %dma_wait3A] : memref<2560x128xi32, #tpu.memory_space<hbm>> -> memref<40x128xi32, #tpu.memory_space<hbm>>
      %dma_wait3A_41 = arith.constant 0 : i32
      %dma_wait3A_42 = tpu.memref_slice %arg3[%add3A_6, %dma_wait3A_41] : memref<2560x128xi32, #tpu.memory_space<hbm>> -> memref<40x128xi32, #tpu.memory_space<hbm>>
      tpu.wait_dma2 semaphore(%run_scoped3A : memref<!tpu.dma_semaphore, #tpu.memory_space<semaphore_mem>>) src(%dma_wait3A_42 : memref<40x128xi32, #tpu.memory_space<hbm>>) dst(%arg7 : memref<40x128xi32, #tpu.memory_space<vmem>>)
      tpu.yield
    }) : () -> ()
    "tpu.region"() ({
      %run_scoped3A = tpu.sem_alloc : memref<!tpu.dma_semaphore, #tpu.memory_space<semaphore_mem>>
      %dma_start3A_36 = arith.constant 0 : i32
      %dma_start3A_37 = tpu.memref_slice %arg4[%add3A_6, %dma_start3A_36] : memref<2560x128xi32, #tpu.memory_space<hbm>> -> memref<40x128xi32, #tpu.memory_space<hbm>>
      %dma_start3A_38 = arith.constant 0 : i32
      %dma_start3A_39 = tpu.memref_slice %arg4[%add3A_6, %dma_start3A_38] : memref<2560x128xi32, #tpu.memory_space<hbm>> -> memref<40x128xi32, #tpu.memory_space<hbm>>
      tpu.enqueue_dma source(%dma_start3A_39 : memref<40x128xi32, #tpu.memory_space<hbm>>) target(%arg8 : memref<40x128xi32, #tpu.memory_space<vmem>>) target_semaphore(%run_scoped3A : memref<!tpu.dma_semaphore, #tpu.memory_space<semaphore_mem>>)
      %dma_wait3A = arith.constant 0 : i32
      %dma_wait3A_40 = tpu.memref_slice %arg4[%add3A_6, %dma_wait3A] : memref<2560x128xi32, #tpu.memory_space<hbm>> -> memref<40x128xi32, #tpu.memory_space<hbm>>
      %dma_wait3A_41 = arith.constant 0 : i32
      %dma_wait3A_42 = tpu.memref_slice %arg4[%add3A_6, %dma_wait3A_41] : memref<2560x128xi32, #tpu.memory_space<hbm>> -> memref<40x128xi32, #tpu.memory_space<hbm>>
      tpu.wait_dma2 semaphore(%run_scoped3A : memref<!tpu.dma_semaphore, #tpu.memory_space<semaphore_mem>>) src(%dma_wait3A_42 : memref<40x128xi32, #tpu.memory_space<hbm>>) dst(%arg8 : memref<40x128xi32, #tpu.memory_space<vmem>>)
      tpu.yield
    }) : () -> ()
    %dma_start3A = arith.constant 0 : i32
    %dma_start3A_7 = arith.constant 0 : i32
    %dma_start3A_8 = tpu.memref_slice %arg7[%dma_start3A, %dma_start3A_7] : memref<40x128xi32, #tpu.memory_space<vmem>> -> memref<1x128xi32, #tpu.memory_space<vmem>>
    %dma_start3A_9 = tpu.memref_squeeze %dma_start3A_8 : memref<1x128xi32, #tpu.memory_space<vmem>> -> memref<128xi32, #tpu.memory_space<vmem>>
    %dma_start3A_10 = arith.constant 0 : i32
    %dma_start3A_11 = arith.constant 0 : i32
    %dma_start3A_12 = tpu.memref_slice %arg2[%dma_start3A_10, %dma_start3A_11] : memref<10240x128xf32, #tpu.memory_space<hbm>> -> memref<10240x128xf32, #tpu.memory_space<hbm>>
    tpu.enqueue_indirect_dma source(%dma_start3A_12 : memref<10240x128xf32, #tpu.memory_space<hbm>>) target(%arg9 : memref<128x128xf32, #tpu.memory_space<vmem>>) offsets(%dma_start3A_9 : memref<128xi32, #tpu.memory_space<vmem>>) semaphore(%arg12 : memref<!tpu.dma_semaphore, #tpu.memory_space<semaphore_mem>>)
    %scan3A = arith.constant 0 : i32
    %scan3A_13 = arith.constant 0 : i32
    %scan3A_14 = arith.constant 20 : i32
    %scan3A_15 = arith.addi %scan3A_13, %scan3A_14 : i32
    %scan3A_16 = arith.constant 1 : i32
    scf.for %scan3A_36 = %scan3A_13 to %scan3A_15 step %scan3A_16  : i32 {
      %mul3A_37 = arith.constant 2 : i32
      %mul3A_38 = arith.muli %scan3A_36, %mul3A_37 : i32
      %add3A_39 = arith.constant 0 : i32
      %add3A_40 = arith.addi %mul3A_38, %add3A_39 : i32
      %dma_wait3A = arith.constant 0 : i32
      %dma_wait3A_41 = tpu.memref_slice %arg7[%add3A_40, %dma_wait3A] : memref<40x128xi32, #tpu.memory_space<vmem>> -> memref<1x128xi32, #tpu.memory_space<vmem>>
      %dma_wait3A_42 = tpu.memref_squeeze %dma_wait3A_41 : memref<1x128xi32, #tpu.memory_space<vmem>> -> memref<128xi32, #tpu.memory_space<vmem>>
      %dma_wait3A_43 = arith.constant 0 : i32
      %dma_wait3A_44 = arith.constant 0 : i32
      %dma_wait3A_45 = tpu.memref_slice %arg2[%dma_wait3A_43, %dma_wait3A_44] : memref<10240x128xf32, #tpu.memory_space<hbm>> -> memref<10240x128xf32, #tpu.memory_space<hbm>>
      tpu.wait_indirect_dma semaphore(%arg12 : memref<!tpu.dma_semaphore, #tpu.memory_space<semaphore_mem>>) src(%dma_wait3A_45 : memref<10240x128xf32, #tpu.memory_space<hbm>>) dst(%arg9 : memref<128x128xf32, #tpu.memory_space<vmem>>)
      %add3A_46 = arith.constant 1 : i32
      %add3A_47 = arith.addi %add3A_40, %add3A_46 : i32
      %lt3A = arith.constant 40 : i32
      %lt3A_48 = arith.cmpi slt, %add3A_47, %lt3A : i32
      %convert_element_type3A = arith.extui %lt3A_48 : i1 to i32
      %cond3A = arith.constant 0 : i32
      %cond3A_49 = arith.cmpi ne, %convert_element_type3A, %cond3A : i32
      scf.if %cond3A_49 {
        %add3A_67 = arith.constant 1 : i32
        %add3A_68 = arith.addi %add3A_40, %add3A_67 : i32
        %dma_start3A_69 = arith.constant 0 : i32
        %dma_start3A_70 = tpu.memref_slice %arg7[%add3A_68, %dma_start3A_69] : memref<40x128xi32, #tpu.memory_space<vmem>> -> memref<1x128xi32, #tpu.memory_space<vmem>>
        %dma_start3A_71 = tpu.memref_squeeze %dma_start3A_70 : memref<1x128xi32, #tpu.memory_space<vmem>> -> memref<128xi32, #tpu.memory_space<vmem>>
        %dma_start3A_72 = arith.constant 0 : i32
        %dma_start3A_73 = arith.constant 0 : i32
        %dma_start3A_74 = tpu.memref_slice %arg2[%dma_start3A_72, %dma_start3A_73] : memref<10240x128xf32, #tpu.memory_space<hbm>> -> memref<10240x128xf32, #tpu.memory_space<hbm>>
        tpu.enqueue_indirect_dma source(%dma_start3A_74 : memref<10240x128xf32, #tpu.memory_space<hbm>>) target(%arg10 : memref<128x128xf32, #tpu.memory_space<vmem>>) offsets(%dma_start3A_71 : memref<128xi32, #tpu.memory_space<vmem>>) semaphore(%arg13 : memref<!tpu.dma_semaphore, #tpu.memory_space<semaphore_mem>>)
      } else {
      }
      "tpu.region"() ({
        %run_scoped3A = tpu.sem_alloc : memref<!tpu.dma_semaphore, #tpu.memory_space<semaphore_mem>>
        %dma_start3A_67 = arith.constant 0 : i32
        %dma_start3A_68 = tpu.memref_slice %arg8[%add3A_40, %dma_start3A_67] : memref<40x128xi32, #tpu.memory_space<vmem>> -> memref<1x128xi32, #tpu.memory_space<vmem>>
        %dma_start3A_69 = tpu.memref_squeeze %dma_start3A_68 : memref<1x128xi32, #tpu.memory_space<vmem>> -> memref<128xi32, #tpu.memory_space<vmem>>
        %dma_start3A_70 = arith.constant 0 : i32
        %dma_start3A_71 = arith.constant 0 : i32
        %dma_start3A_72 = tpu.memref_slice %arg11[%dma_start3A_70, %dma_start3A_71] : memref<10240x128xf32, #tpu.memory_space<vmem_shared>> -> memref<10240x128xf32, #tpu.memory_space<vmem_shared>>
        tpu.enqueue_indirect_dma source(%arg9 : memref<128x128xf32, #tpu.memory_space<vmem>>) target(%dma_start3A_72 : memref<10240x128xf32, #tpu.memory_space<vmem_shared>>) offsets(%dma_start3A_69 : memref<128xi32, #tpu.memory_space<vmem>>) semaphore(%run_scoped3A : memref<!tpu.dma_semaphore, #tpu.memory_space<semaphore_mem>>) {add = true}
        %dma_wait3A_73 = arith.constant 0 : i32
        %dma_wait3A_74 = tpu.memref_slice %arg8[%add3A_40, %dma_wait3A_73] : memref<40x128xi32, #tpu.memory_space<vmem>> -> memref<1x128xi32, #tpu.memory_space<vmem>>
        %dma_wait3A_75 = tpu.memref_squeeze %dma_wait3A_74 : memref<1x128xi32, #tpu.memory_space<vmem>> -> memref<128xi32, #tpu.memory_space<vmem>>
        %dma_wait3A_76 = arith.constant 0 : i32
        %dma_wait3A_77 = arith.constant 0 : i32
        %dma_wait3A_78 = tpu.memref_slice %arg11[%dma_wait3A_76, %dma_wait3A_77] : memref<10240x128xf32, #tpu.memory_space<vmem_shared>> -> memref<10240x128xf32, #tpu.memory_space<vmem_shared>>
        tpu.wait_indirect_dma semaphore(%run_scoped3A : memref<!tpu.dma_semaphore, #tpu.memory_space<semaphore_mem>>) src(%arg9 : memref<128x128xf32, #tpu.memory_space<vmem>>) dst(%dma_wait3A_78 : memref<10240x128xf32, #tpu.memory_space<vmem_shared>>)
        tpu.yield
      }) : () -> ()
      %mul3A_50 = arith.constant 2 : i32
      %mul3A_51 = arith.muli %scan3A_36, %mul3A_50 : i32
      %add3A_52 = arith.constant 1 : i32
      %add3A_53 = arith.addi %mul3A_51, %add3A_52 : i32
      %dma_wait3A_54 = arith.constant 0 : i32
      %dma_wait3A_55 = tpu.memref_slice %arg7[%add3A_53, %dma_wait3A_54] : memref<40x128xi32, #tpu.memory_space<vmem>> -> memref<1x128xi32, #tpu.memory_space<vmem>>
      %dma_wait3A_56 = tpu.memref_squeeze %dma_wait3A_55 : memref<1x128xi32, #tpu.memory_space<vmem>> -> memref<128xi32, #tpu.memory_space<vmem>>
      %dma_wait3A_57 = arith.constant 0 : i32
      %dma_wait3A_58 = arith.constant 0 : i32
      %dma_wait3A_59 = tpu.memref_slice %arg2[%dma_wait3A_57, %dma_wait3A_58] : memref<10240x128xf32, #tpu.memory_space<hbm>> -> memref<10240x128xf32, #tpu.memory_space<hbm>>
      tpu.wait_indirect_dma semaphore(%arg13 : memref<!tpu.dma_semaphore, #tpu.memory_space<semaphore_mem>>) src(%dma_wait3A_59 : memref<10240x128xf32, #tpu.memory_space<hbm>>) dst(%arg10 : memref<128x128xf32, #tpu.memory_space<vmem>>)
      %add3A_60 = arith.constant 1 : i32
      %add3A_61 = arith.addi %add3A_53, %add3A_60 : i32
      %lt3A_62 = arith.constant 40 : i32
      %lt3A_63 = arith.cmpi slt, %add3A_61, %lt3A_62 : i32
      %convert_element_type3A_64 = arith.extui %lt3A_63 : i1 to i32
      %cond3A_65 = arith.constant 0 : i32
      %cond3A_66 = arith.cmpi ne, %convert_element_type3A_64, %cond3A_65 : i32
      scf.if %cond3A_66 {
        %add3A_67 = arith.constant 1 : i32
        %add3A_68 = arith.addi %add3A_53, %add3A_67 : i32
        %dma_start3A_69 = arith.constant 0 : i32
        %dma_start3A_70 = tpu.memref_slice %arg7[%add3A_68, %dma_start3A_69] : memref<40x128xi32, #tpu.memory_space<vmem>> -> memref<1x128xi32, #tpu.memory_space<vmem>>
        %dma_start3A_71 = tpu.memref_squeeze %dma_start3A_70 : memref<1x128xi32, #tpu.memory_space<vmem>> -> memref<128xi32, #tpu.memory_space<vmem>>
        %dma_start3A_72 = arith.constant 0 : i32
        %dma_start3A_73 = arith.constant 0 : i32
        %dma_start3A_74 = tpu.memref_slice %arg2[%dma_start3A_72, %dma_start3A_73] : memref<10240x128xf32, #tpu.memory_space<hbm>> -> memref<10240x128xf32, #tpu.memory_space<hbm>>
        tpu.enqueue_indirect_dma source(%dma_start3A_74 : memref<10240x128xf32, #tpu.memory_space<hbm>>) target(%arg9 : memref<128x128xf32, #tpu.memory_space<vmem>>) offsets(%dma_start3A_71 : memref<128xi32, #tpu.memory_space<vmem>>) semaphore(%arg12 : memref<!tpu.dma_semaphore, #tpu.memory_space<semaphore_mem>>)
      } else {
      }
      "tpu.region"() ({
        %run_scoped3A = tpu.sem_alloc : memref<!tpu.dma_semaphore, #tpu.memory_space<semaphore_mem>>
        %dma_start3A_67 = arith.constant 0 : i32
        %dma_start3A_68 = tpu.memref_slice %arg8[%add3A_53, %dma_start3A_67] : memref<40x128xi32, #tpu.memory_space<vmem>> -> memref<1x128xi32, #tpu.memory_space<vmem>>
        %dma_start3A_69 = tpu.memref_squeeze %dma_start3A_68 : memref<1x128xi32, #tpu.memory_space<vmem>> -> memref<128xi32, #tpu.memory_space<vmem>>
        %dma_start3A_70 = arith.constant 0 : i32
        %dma_start3A_71 = arith.constant 0 : i32
        %dma_start3A_72 = tpu.memref_slice %arg11[%dma_start3A_70, %dma_start3A_71] : memref<10240x128xf32, #tpu.memory_space<vmem_shared>> -> memref<10240x128xf32, #tpu.memory_space<vmem_shared>>
        tpu.enqueue_indirect_dma source(%arg10 : memref<128x128xf32, #tpu.memory_space<vmem>>) target(%dma_start3A_72 : memref<10240x128xf32, #tpu.memory_space<vmem_shared>>) offsets(%dma_start3A_69 : memref<128xi32, #tpu.memory_space<vmem>>) semaphore(%run_scoped3A : memref<!tpu.dma_semaphore, #tpu.memory_space<semaphore_mem>>) {add = true}
        %dma_wait3A_73 = arith.constant 0 : i32
        %dma_wait3A_74 = tpu.memref_slice %arg8[%add3A_53, %dma_wait3A_73] : memref<40x128xi32, #tpu.memory_space<vmem>> -> memref<1x128xi32, #tpu.memory_space<vmem>>
        %dma_wait3A_75 = tpu.memref_squeeze %dma_wait3A_74 : memref<1x128xi32, #tpu.memory_space<vmem>> -> memref<128xi32, #tpu.memory_space<vmem>>
        %dma_wait3A_76 = arith.constant 0 : i32
        %dma_wait3A_77 = arith.constant 0 : i32
        %dma_wait3A_78 = tpu.memref_slice %arg11[%dma_wait3A_76, %dma_wait3A_77] : memref<10240x128xf32, #tpu.memory_space<vmem_shared>> -> memref<10240x128xf32, #tpu.memory_space<vmem_shared>>
        tpu.wait_indirect_dma semaphore(%run_scoped3A : memref<!tpu.dma_semaphore, #tpu.memory_space<semaphore_mem>>) src(%arg10 : memref<128x128xf32, #tpu.memory_space<vmem>>) dst(%dma_wait3A_78 : memref<10240x128xf32, #tpu.memory_space<vmem_shared>>)
        tpu.yield
      }) : () -> ()
    }
    %scan3A_17 = arith.constant 20 : i32
    %mul3A_18 = arith.constant 80 : i32
    %mul3A_19 = arith.muli %add3A, %mul3A_18 : i32
    %add3A_20 = arith.constant 40 : i32
    %add3A_21 = arith.addi %mul3A_19, %add3A_20 : i32
    "tpu.region"() ({
      %run_scoped3A = tpu.sem_alloc : memref<!tpu.dma_semaphore, #tpu.memory_space<semaphore_mem>>
      %dma_start3A_36 = arith.constant 0 : i32
      %dma_start3A_37 = tpu.memref_slice %arg3[%add3A_21, %dma_start3A_36] : memref<2560x128xi32, #tpu.memory_space<hbm>> -> memref<40x128xi32, #tpu.memory_space<hbm>>
      %dma_start3A_38 = arith.constant 0 : i32
      %dma_start3A_39 = tpu.memref_slice %arg3[%add3A_21, %dma_start3A_38] : memref<2560x128xi32, #tpu.memory_space<hbm>> -> memref<40x128xi32, #tpu.memory_space<hbm>>
      tpu.enqueue_dma source(%dma_start3A_39 : memref<40x128xi32, #tpu.memory_space<hbm>>) target(%arg7 : memref<40x128xi32, #tpu.memory_space<vmem>>) target_semaphore(%run_scoped3A : memref<!tpu.dma_semaphore, #tpu.memory_space<semaphore_mem>>)
      %dma_wait3A = arith.constant 0 : i32
      %dma_wait3A_40 = tpu.memref_slice %arg3[%add3A_21, %dma_wait3A] : memref<2560x128xi32, #tpu.memory_space<hbm>> -> memref<40x128xi32, #tpu.memory_space<hbm>>
      %dma_wait3A_41 = arith.constant 0 : i32
      %dma_wait3A_42 = tpu.memref_slice %arg3[%add3A_21, %dma_wait3A_41] : memref<2560x128xi32, #tpu.memory_space<hbm>> -> memref<40x128xi32, #tpu.memory_space<hbm>>
      tpu.wait_dma2 semaphore(%run_scoped3A : memref<!tpu.dma_semaphore, #tpu.memory_space<semaphore_mem>>) src(%dma_wait3A_42 : memref<40x128xi32, #tpu.memory_space<hbm>>) dst(%arg7 : memref<40x128xi32, #tpu.memory_space<vmem>>)
      tpu.yield
    }) : () -> ()
    "tpu.region"() ({
      %run_scoped3A = tpu.sem_alloc : memref<!tpu.dma_semaphore, #tpu.memory_space<semaphore_mem>>
      %dma_start3A_36 = arith.constant 0 : i32
      %dma_start3A_37 = tpu.memref_slice %arg4[%add3A_21, %dma_start3A_36] : memref<2560x128xi32, #tpu.memory_space<hbm>> -> memref<40x128xi32, #tpu.memory_space<hbm>>
      %dma_start3A_38 = arith.constant 0 : i32
      %dma_start3A_39 = tpu.memref_slice %arg4[%add3A_21, %dma_start3A_38] : memref<2560x128xi32, #tpu.memory_space<hbm>> -> memref<40x128xi32, #tpu.memory_space<hbm>>
      tpu.enqueue_dma source(%dma_start3A_39 : memref<40x128xi32, #tpu.memory_space<hbm>>) target(%arg8 : memref<40x128xi32, #tpu.memory_space<vmem>>) target_semaphore(%run_scoped3A : memref<!tpu.dma_semaphore, #tpu.memory_space<semaphore_mem>>)
      %dma_wait3A = arith.constant 0 : i32
      %dma_wait3A_40 = tpu.memref_slice %arg4[%add3A_21, %dma_wait3A] : memref<2560x128xi32, #tpu.memory_space<hbm>> -> memref<40x128xi32, #tpu.memory_space<hbm>>
      %dma_wait3A_41 = arith.constant 0 : i32
      %dma_wait3A_42 = tpu.memref_slice %arg4[%add3A_21, %dma_wait3A_41] : memref<2560x128xi32, #tpu.memory_space<hbm>> -> memref<40x128xi32, #tpu.memory_space<hbm>>
      tpu.wait_dma2 semaphore(%run_scoped3A : memref<!tpu.dma_semaphore, #tpu.memory_space<semaphore_mem>>) src(%dma_wait3A_42 : memref<40x128xi32, #tpu.memory_space<hbm>>) dst(%arg8 : memref<40x128xi32, #tpu.memory_space<vmem>>)
      tpu.yield
    }) : () -> ()
    %dma_start3A_22 = arith.constant 0 : i32
    %dma_start3A_23 = arith.constant 0 : i32
    %dma_start3A_24 = tpu.memref_slice %arg7[%dma_start3A_22, %dma_start3A_23] : memref<40x128xi32, #tpu.memory_space<vmem>> -> memref<1x128xi32, #tpu.memory_space<vmem>>
    %dma_start3A_25 = tpu.memref_squeeze %dma_start3A_24 : memref<1x128xi32, #tpu.memory_space<vmem>> -> memref<128xi32, #tpu.memory_space<vmem>>
    %dma_start3A_26 = arith.constant 0 : i32
    %dma_start3A_27 = arith.constant 0 : i32
    %dma_start3A_28 = tpu.memref_slice %arg2[%dma_start3A_26, %dma_start3A_27] : memref<10240x128xf32, #tpu.memory_space<hbm>> -> memref<10240x128xf32, #tpu.memory_space<hbm>>
    tpu.enqueue_indirect_dma source(%dma_start3A_28 : memref<10240x128xf32, #tpu.memory_space<hbm>>) target(%arg9 : memref<128x128xf32, #tpu.memory_space<vmem>>) offsets(%dma_start3A_25 : memref<128xi32, #tpu.memory_space<vmem>>) semaphore(%arg12 : memref<!tpu.dma_semaphore, #tpu.memory_space<semaphore_mem>>)
    %scan3A_29 = arith.constant 0 : i32
    %scan3A_30 = arith.constant 0 : i32
    %scan3A_31 = arith.constant 20 : i32
    %scan3A_32 = arith.addi %scan3A_30, %scan3A_31 : i32
    %scan3A_33 = arith.constant 1 : i32
    scf.for %scan3A_36 = %scan3A_30 to %scan3A_32 step %scan3A_33  : i32 {
      %mul3A_37 = arith.constant 2 : i32
      %mul3A_38 = arith.muli %scan3A_36, %mul3A_37 : i32
      %add3A_39 = arith.constant 0 : i32
      %add3A_40 = arith.addi %mul3A_38, %add3A_39 : i32
      %dma_wait3A = arith.constant 0 : i32
      %dma_wait3A_41 = tpu.memref_slice %arg7[%add3A_40, %dma_wait3A] : memref<40x128xi32, #tpu.memory_space<vmem>> -> memref<1x128xi32, #tpu.memory_space<vmem>>
      %dma_wait3A_42 = tpu.memref_squeeze %dma_wait3A_41 : memref<1x128xi32, #tpu.memory_space<vmem>> -> memref<128xi32, #tpu.memory_space<vmem>>
      %dma_wait3A_43 = arith.constant 0 : i32
      %dma_wait3A_44 = arith.constant 0 : i32
      %dma_wait3A_45 = tpu.memref_slice %arg2[%dma_wait3A_43, %dma_wait3A_44] : memref<10240x128xf32, #tpu.memory_space<hbm>> -> memref<10240x128xf32, #tpu.memory_space<hbm>>
      tpu.wait_indirect_dma semaphore(%arg12 : memref<!tpu.dma_semaphore, #tpu.memory_space<semaphore_mem>>) src(%dma_wait3A_45 : memref<10240x128xf32, #tpu.memory_space<hbm>>) dst(%arg9 : memref<128x128xf32, #tpu.memory_space<vmem>>)
      %add3A_46 = arith.constant 1 : i32
      %add3A_47 = arith.addi %add3A_40, %add3A_46 : i32
      %lt3A = arith.constant 40 : i32
      %lt3A_48 = arith.cmpi slt, %add3A_47, %lt3A : i32
      %convert_element_type3A = arith.extui %lt3A_48 : i1 to i32
      %cond3A = arith.constant 0 : i32
      %cond3A_49 = arith.cmpi ne, %convert_element_type3A, %cond3A : i32
      scf.if %cond3A_49 {
        %add3A_67 = arith.constant 1 : i32
        %add3A_68 = arith.addi %add3A_40, %add3A_67 : i32
        %dma_start3A_69 = arith.constant 0 : i32
        %dma_start3A_70 = tpu.memref_slice %arg7[%add3A_68, %dma_start3A_69] : memref<40x128xi32, #tpu.memory_space<vmem>> -> memref<1x128xi32, #tpu.memory_space<vmem>>
        %dma_start3A_71 = tpu.memref_squeeze %dma_start3A_70 : memref<1x128xi32, #tpu.memory_space<vmem>> -> memref<128xi32, #tpu.memory_space<vmem>>
        %dma_start3A_72 = arith.constant 0 : i32
        %dma_start3A_73 = arith.constant 0 : i32
        %dma_start3A_74 = tpu.memref_slice %arg2[%dma_start3A_72, %dma_start3A_73] : memref<10240x128xf32, #tpu.memory_space<hbm>> -> memref<10240x128xf32, #tpu.memory_space<hbm>>
        tpu.enqueue_indirect_dma source(%dma_start3A_74 : memref<10240x128xf32, #tpu.memory_space<hbm>>) target(%arg10 : memref<128x128xf32, #tpu.memory_space<vmem>>) offsets(%dma_start3A_71 : memref<128xi32, #tpu.memory_space<vmem>>) semaphore(%arg13 : memref<!tpu.dma_semaphore, #tpu.memory_space<semaphore_mem>>)
      } else {
      }
      "tpu.region"() ({
        %run_scoped3A = tpu.sem_alloc : memref<!tpu.dma_semaphore, #tpu.memory_space<semaphore_mem>>
        %dma_start3A_67 = arith.constant 0 : i32
        %dma_start3A_68 = tpu.memref_slice %arg8[%add3A_40, %dma_start3A_67] : memref<40x128xi32, #tpu.memory_space<vmem>> -> memref<1x128xi32, #tpu.memory_space<vmem>>
        %dma_start3A_69 = tpu.memref_squeeze %dma_start3A_68 : memref<1x128xi32, #tpu.memory_space<vmem>> -> memref<128xi32, #tpu.memory_space<vmem>>
        %dma_start3A_70 = arith.constant 0 : i32
        %dma_start3A_71 = arith.constant 0 : i32
        %dma_start3A_72 = tpu.memref_slice %arg11[%dma_start3A_70, %dma_start3A_71] : memref<10240x128xf32, #tpu.memory_space<vmem_shared>> -> memref<10240x128xf32, #tpu.memory_space<vmem_shared>>
        tpu.enqueue_indirect_dma source(%arg9 : memref<128x128xf32, #tpu.memory_space<vmem>>) target(%dma_start3A_72 : memref<10240x128xf32, #tpu.memory_space<vmem_shared>>) offsets(%dma_start3A_69 : memref<128xi32, #tpu.memory_space<vmem>>) semaphore(%run_scoped3A : memref<!tpu.dma_semaphore, #tpu.memory_space<semaphore_mem>>) {add = true}
        %dma_wait3A_73 = arith.constant 0 : i32
        %dma_wait3A_74 = tpu.memref_slice %arg8[%add3A_40, %dma_wait3A_73] : memref<40x128xi32, #tpu.memory_space<vmem>> -> memref<1x128xi32, #tpu.memory_space<vmem>>
        %dma_wait3A_75 = tpu.memref_squeeze %dma_wait3A_74 : memref<1x128xi32, #tpu.memory_space<vmem>> -> memref<128xi32, #tpu.memory_space<vmem>>
        %dma_wait3A_76 = arith.constant 0 : i32
        %dma_wait3A_77 = arith.constant 0 : i32
        %dma_wait3A_78 = tpu.memref_slice %arg11[%dma_wait3A_76, %dma_wait3A_77] : memref<10240x128xf32, #tpu.memory_space<vmem_shared>> -> memref<10240x128xf32, #tpu.memory_space<vmem_shared>>
        tpu.wait_indirect_dma semaphore(%run_scoped3A : memref<!tpu.dma_semaphore, #tpu.memory_space<semaphore_mem>>) src(%arg9 : memref<128x128xf32, #tpu.memory_space<vmem>>) dst(%dma_wait3A_78 : memref<10240x128xf32, #tpu.memory_space<vmem_shared>>)
        tpu.yield
      }) : () -> ()
      %mul3A_50 = arith.constant 2 : i32
      %mul3A_51 = arith.muli %scan3A_36, %mul3A_50 : i32
      %add3A_52 = arith.constant 1 : i32
      %add3A_53 = arith.addi %mul3A_51, %add3A_52 : i32
      %dma_wait3A_54 = arith.constant 0 : i32
      %dma_wait3A_55 = tpu.memref_slice %arg7[%add3A_53, %dma_wait3A_54] : memref<40x128xi32, #tpu.memory_space<vmem>> -> memref<1x128xi32, #tpu.memory_space<vmem>>
      %dma_wait3A_56 = tpu.memref_squeeze %dma_wait3A_55 : memref<1x128xi32, #tpu.memory_space<vmem>> -> memref<128xi32, #tpu.memory_space<vmem>>
      %dma_wait3A_57 = arith.constant 0 : i32
      %dma_wait3A_58 = arith.constant 0 : i32
      %dma_wait3A_59 = tpu.memref_slice %arg2[%dma_wait3A_57, %dma_wait3A_58] : memref<10240x128xf32, #tpu.memory_space<hbm>> -> memref<10240x128xf32, #tpu.memory_space<hbm>>
      tpu.wait_indirect_dma semaphore(%arg13 : memref<!tpu.dma_semaphore, #tpu.memory_space<semaphore_mem>>) src(%dma_wait3A_59 : memref<10240x128xf32, #tpu.memory_space<hbm>>) dst(%arg10 : memref<128x128xf32, #tpu.memory_space<vmem>>)
      %add3A_60 = arith.constant 1 : i32
      %add3A_61 = arith.addi %add3A_53, %add3A_60 : i32
      %lt3A_62 = arith.constant 40 : i32
      %lt3A_63 = arith.cmpi slt, %add3A_61, %lt3A_62 : i32
      %convert_element_type3A_64 = arith.extui %lt3A_63 : i1 to i32
      %cond3A_65 = arith.constant 0 : i32
      %cond3A_66 = arith.cmpi ne, %convert_element_type3A_64, %cond3A_65 : i32
      scf.if %cond3A_66 {
        %add3A_67 = arith.constant 1 : i32
        %add3A_68 = arith.addi %add3A_53, %add3A_67 : i32
        %dma_start3A_69 = arith.constant 0 : i32
        %dma_start3A_70 = tpu.memref_slice %arg7[%add3A_68, %dma_start3A_69] : memref<40x128xi32, #tpu.memory_space<vmem>> -> memref<1x128xi32, #tpu.memory_space<vmem>>
        %dma_start3A_71 = tpu.memref_squeeze %dma_start3A_70 : memref<1x128xi32, #tpu.memory_space<vmem>> -> memref<128xi32, #tpu.memory_space<vmem>>
        %dma_start3A_72 = arith.constant 0 : i32
        %dma_start3A_73 = arith.constant 0 : i32
        %dma_start3A_74 = tpu.memref_slice %arg2[%dma_start3A_72, %dma_start3A_73] : memref<10240x128xf32, #tpu.memory_space<hbm>> -> memref<10240x128xf32, #tpu.memory_space<hbm>>
        tpu.enqueue_indirect_dma source(%dma_start3A_74 : memref<10240x128xf32, #tpu.memory_space<hbm>>) target(%arg9 : memref<128x128xf32, #tpu.memory_space<vmem>>) offsets(%dma_start3A_71 : memref<128xi32, #tpu.memory_space<vmem>>) semaphore(%arg12 : memref<!tpu.dma_semaphore, #tpu.memory_space<semaphore_mem>>)
      } else {
      }
      "tpu.region"() ({
        %run_scoped3A = tpu.sem_alloc : memref<!tpu.dma_semaphore, #tpu.memory_space<semaphore_mem>>
        %dma_start3A_67 = arith.constant 0 : i32
        %dma_start3A_68 = tpu.memref_slice %arg8[%add3A_53, %dma_start3A_67] : memref<40x128xi32, #tpu.memory_space<vmem>> -> memref<1x128xi32, #tpu.memory_space<vmem>>
        %dma_start3A_69 = tpu.memref_squeeze %dma_start3A_68 : memref<1x128xi32, #tpu.memory_space<vmem>> -> memref<128xi32, #tpu.memory_space<vmem>>
        %dma_start3A_70 = arith.constant 0 : i32
        %dma_start3A_71 = arith.constant 0 : i32
        %dma_start3A_72 = tpu.memref_slice %arg11[%dma_start3A_70, %dma_start3A_71] : memref<10240x128xf32, #tpu.memory_space<vmem_shared>> -> memref<10240x128xf32, #tpu.memory_space<vmem_shared>>
        tpu.enqueue_indirect_dma source(%arg10 : memref<128x128xf32, #tpu.memory_space<vmem>>) target(%dma_start3A_72 : memref<10240x128xf32, #tpu.memory_space<vmem_shared>>) offsets(%dma_start3A_69 : memref<128xi32, #tpu.memory_space<vmem>>) semaphore(%run_scoped3A : memref<!tpu.dma_semaphore, #tpu.memory_space<semaphore_mem>>) {add = true}
        %dma_wait3A_73 = arith.constant 0 : i32
        %dma_wait3A_74 = tpu.memref_slice %arg8[%add3A_53, %dma_wait3A_73] : memref<40x128xi32, #tpu.memory_space<vmem>> -> memref<1x128xi32, #tpu.memory_space<vmem>>
        %dma_wait3A_75 = tpu.memref_squeeze %dma_wait3A_74 : memref<1x128xi32, #tpu.memory_space<vmem>> -> memref<128xi32, #tpu.memory_space<vmem>>
        %dma_wait3A_76 = arith.constant 0 : i32
        %dma_wait3A_77 = arith.constant 0 : i32
        %dma_wait3A_78 = tpu.memref_slice %arg11[%dma_wait3A_76, %dma_wait3A_77] : memref<10240x128xf32, #tpu.memory_space<vmem_shared>> -> memref<10240x128xf32, #tpu.memory_space<vmem_shared>>
        tpu.wait_indirect_dma semaphore(%run_scoped3A : memref<!tpu.dma_semaphore, #tpu.memory_space<semaphore_mem>>) src(%arg10 : memref<128x128xf32, #tpu.memory_space<vmem>>) dst(%dma_wait3A_78 : memref<10240x128xf32, #tpu.memory_space<vmem_shared>>)
        tpu.yield
      }) : () -> ()
    }
    %scan3A_34 = arith.constant 20 : i32
    %barrier3A_35 = arith.constant 0 : index
    tpu.barrier barrier_id(%barrier3A_35)
    "tpu.region"() ({
      %run_scoped3A = tpu.sem_alloc : memref<!tpu.dma_semaphore, #tpu.memory_space<semaphore_mem>>
      %dma_start3A_36 = arith.constant 0 : i32
      %dma_start3A_37 = tpu.memref_slice %arg6[%arg0, %mul3A_2, %dma_start3A_36] : memref<2x10240x128xf32, #tpu.memory_space<hbm>> -> memref<1x640x128xf32, #tpu.memory_space<hbm>>
      %dma_start3A_38 = tpu.memref_squeeze %dma_start3A_37 : memref<1x640x128xf32, #tpu.memory_space<hbm>> -> memref<640x128xf32, #tpu.memory_space<hbm>>
      %dma_start3A_39 = arith.constant 0 : i32
      %dma_start3A_40 = tpu.memref_slice %arg11[%mul3A_2, %dma_start3A_39] : memref<10240x128xf32, #tpu.memory_space<vmem_shared>> -> memref<640x128xf32, #tpu.memory_space<vmem_shared>>
      tpu.enqueue_dma source(%dma_start3A_40 : memref<640x128xf32, #tpu.memory_space<vmem_shared>>) target(%dma_start3A_38 : memref<640x128xf32, #tpu.memory_space<hbm>>) target_semaphore(%run_scoped3A : memref<!tpu.dma_semaphore, #tpu.memory_space<semaphore_mem>>)
      %dma_wait3A = arith.constant 0 : i32
      %dma_wait3A_41 = tpu.memref_slice %arg6[%arg0, %mul3A_2, %dma_wait3A] : memref<2x10240x128xf32, #tpu.memory_space<hbm>> -> memref<1x640x128xf32, #tpu.memory_space<hbm>>
      %dma_wait3A_42 = tpu.memref_squeeze %dma_wait3A_41 : memref<1x640x128xf32, #tpu.memory_space<hbm>> -> memref<640x128xf32, #tpu.memory_space<hbm>>
      %dma_wait3A_43 = arith.constant 0 : i32
      %dma_wait3A_44 = tpu.memref_slice %arg11[%mul3A_2, %dma_wait3A_43] : memref<10240x128xf32, #tpu.memory_space<vmem_shared>> -> memref<640x128xf32, #tpu.memory_space<vmem_shared>>
      tpu.wait_dma2 semaphore(%run_scoped3A : memref<!tpu.dma_semaphore, #tpu.memory_space<semaphore_mem>>) src(%dma_wait3A_44 : memref<640x128xf32, #tpu.memory_space<vmem_shared>>) dst(%dma_wait3A_42 : memref<640x128xf32, #tpu.memory_space<hbm>>)
      tpu.yield
    }) : () -> ()
    return
  }
}

#map = affine_map<(d0, d1) -> (0, 0)>
#map1 = affine_map<(d0, d1) -> (0, 0, 0, 0)>
module attributes {stable_mosaic.version = 14 : i64} {
  func.func @_deg_body(%arg0: i32, %arg1: i32, %arg2: memref<2560x128xi32, #tpu.memory_space<hbm>>, %arg3: memref<2560x128xi32, #tpu.memory_space<hbm>>, %arg4: memref<128x16xf32, #tpu.memory_space<hbm>>, %arg5: memref<10240x16xf32, #tpu.memory_space<hbm>>, %arg6: memref<2x2x10240x16xf32, #tpu.memory_space<hbm>>, %arg7: memref<80x128xi32, #tpu.memory_space<vmem>>, %arg8: memref<80x128xi32, #tpu.memory_space<vmem>>, %arg9: memref<128x16xf32, #tpu.memory_space<vmem>>, %arg10: memref<10240x16xf32, #tpu.memory_space<vmem_shared>>, %arg11: memref<10240x16xf32, #tpu.memory_space<vmem_shared>>) attributes {dimension_semantics = [#tpu.dimension_semantics<core_parallel>, #tpu.dimension_semantics<subcore_parallel>], iteration_bounds = array<i64: 2, 16>, scalar_prefetch = 0 : i64, scratch_operands = 5 : i64, tpu.core_type = #tpu.core_type<sc_vector_subcore>, window_params = [{transform_indices = #map}, {transform_indices = #map}, {transform_indices = #map}, {transform_indices = #map}, {transform_indices = #map1}]} {
    %mul3A = arith.constant 2 : i32
    %mul3A_0 = arith.muli %arg1, %mul3A : i32
    %add3A = arith.addi %mul3A_0, %arg0 : i32
    %mul3A_1 = arith.constant 80 : i32
    %mul3A_2 = arith.muli %add3A, %mul3A_1 : i32
    "tpu.region"() ({
      %run_scoped3A_14 = tpu.sem_alloc : memref<!tpu.dma_semaphore, #tpu.memory_space<semaphore_mem>>
      %dma_start3A = arith.constant 0 : i32
      %dma_start3A_15 = tpu.memref_slice %arg2[%mul3A_2, %dma_start3A] : memref<2560x128xi32, #tpu.memory_space<hbm>> -> memref<80x128xi32, #tpu.memory_space<hbm>>
      %dma_start3A_16 = arith.constant 0 : i32
      %dma_start3A_17 = tpu.memref_slice %arg2[%mul3A_2, %dma_start3A_16] : memref<2560x128xi32, #tpu.memory_space<hbm>> -> memref<80x128xi32, #tpu.memory_space<hbm>>
      tpu.enqueue_dma source(%dma_start3A_17 : memref<80x128xi32, #tpu.memory_space<hbm>>) target(%arg7 : memref<80x128xi32, #tpu.memory_space<vmem>>) target_semaphore(%run_scoped3A_14 : memref<!tpu.dma_semaphore, #tpu.memory_space<semaphore_mem>>)
      %dma_wait3A = arith.constant 0 : i32
      %dma_wait3A_18 = tpu.memref_slice %arg2[%mul3A_2, %dma_wait3A] : memref<2560x128xi32, #tpu.memory_space<hbm>> -> memref<80x128xi32, #tpu.memory_space<hbm>>
      %dma_wait3A_19 = arith.constant 0 : i32
      %dma_wait3A_20 = tpu.memref_slice %arg2[%mul3A_2, %dma_wait3A_19] : memref<2560x128xi32, #tpu.memory_space<hbm>> -> memref<80x128xi32, #tpu.memory_space<hbm>>
      tpu.wait_dma2 semaphore(%run_scoped3A_14 : memref<!tpu.dma_semaphore, #tpu.memory_space<semaphore_mem>>) src(%dma_wait3A_20 : memref<80x128xi32, #tpu.memory_space<hbm>>) dst(%arg7 : memref<80x128xi32, #tpu.memory_space<vmem>>)
      tpu.yield
    }) : () -> ()
    %mul3A_3 = arith.constant 80 : i32
    %mul3A_4 = arith.muli %add3A, %mul3A_3 : i32
    "tpu.region"() ({
      %run_scoped3A_14 = tpu.sem_alloc : memref<!tpu.dma_semaphore, #tpu.memory_space<semaphore_mem>>
      %dma_start3A = arith.constant 0 : i32
      %dma_start3A_15 = tpu.memref_slice %arg3[%mul3A_4, %dma_start3A] : memref<2560x128xi32, #tpu.memory_space<hbm>> -> memref<80x128xi32, #tpu.memory_space<hbm>>
      %dma_start3A_16 = arith.constant 0 : i32
      %dma_start3A_17 = tpu.memref_slice %arg3[%mul3A_4, %dma_start3A_16] : memref<2560x128xi32, #tpu.memory_space<hbm>> -> memref<80x128xi32, #tpu.memory_space<hbm>>
      tpu.enqueue_dma source(%dma_start3A_17 : memref<80x128xi32, #tpu.memory_space<hbm>>) target(%arg8 : memref<80x128xi32, #tpu.memory_space<vmem>>) target_semaphore(%run_scoped3A_14 : memref<!tpu.dma_semaphore, #tpu.memory_space<semaphore_mem>>)
      %dma_wait3A = arith.constant 0 : i32
      %dma_wait3A_18 = tpu.memref_slice %arg3[%mul3A_4, %dma_wait3A] : memref<2560x128xi32, #tpu.memory_space<hbm>> -> memref<80x128xi32, #tpu.memory_space<hbm>>
      %dma_wait3A_19 = arith.constant 0 : i32
      %dma_wait3A_20 = tpu.memref_slice %arg3[%mul3A_4, %dma_wait3A_19] : memref<2560x128xi32, #tpu.memory_space<hbm>> -> memref<80x128xi32, #tpu.memory_space<hbm>>
      tpu.wait_dma2 semaphore(%run_scoped3A_14 : memref<!tpu.dma_semaphore, #tpu.memory_space<semaphore_mem>>) src(%dma_wait3A_20 : memref<80x128xi32, #tpu.memory_space<hbm>>) dst(%arg8 : memref<80x128xi32, #tpu.memory_space<vmem>>)
      tpu.yield
    }) : () -> ()
    "tpu.region"() ({
      %run_scoped3A_14 = tpu.sem_alloc : memref<!tpu.dma_semaphore, #tpu.memory_space<semaphore_mem>>
      tpu.enqueue_dma source(%arg4 : memref<128x16xf32, #tpu.memory_space<hbm>>) target(%arg9 : memref<128x16xf32, #tpu.memory_space<vmem>>) target_semaphore(%run_scoped3A_14 : memref<!tpu.dma_semaphore, #tpu.memory_space<semaphore_mem>>)
      tpu.wait_dma2 semaphore(%run_scoped3A_14 : memref<!tpu.dma_semaphore, #tpu.memory_space<semaphore_mem>>) src(%arg4 : memref<128x16xf32, #tpu.memory_space<hbm>>) dst(%arg9 : memref<128x16xf32, #tpu.memory_space<vmem>>)
      tpu.yield
    }) : () -> ()
    %mul3A_5 = arith.constant 640 : i32
    %mul3A_6 = arith.muli %arg1, %mul3A_5 : i32
    "tpu.region"() ({
      %run_scoped3A_14 = tpu.sem_alloc : memref<!tpu.dma_semaphore, #tpu.memory_space<semaphore_mem>>
      %dma_start3A = arith.constant 0 : i32
      %dma_start3A_15 = tpu.memref_slice %arg10[%mul3A_6, %dma_start3A] : memref<10240x16xf32, #tpu.memory_space<vmem_shared>> -> memref<640x16xf32, #tpu.memory_space<vmem_shared>>
      %dma_start3A_16 = arith.constant 0 : i32
      %dma_start3A_17 = tpu.memref_slice %arg5[%mul3A_6, %dma_start3A_16] : memref<10240x16xf32, #tpu.memory_space<hbm>> -> memref<640x16xf32, #tpu.memory_space<hbm>>
      tpu.enqueue_dma source(%dma_start3A_17 : memref<640x16xf32, #tpu.memory_space<hbm>>) target(%dma_start3A_15 : memref<640x16xf32, #tpu.memory_space<vmem_shared>>) target_semaphore(%run_scoped3A_14 : memref<!tpu.dma_semaphore, #tpu.memory_space<semaphore_mem>>)
      %dma_wait3A = arith.constant 0 : i32
      %dma_wait3A_18 = tpu.memref_slice %arg10[%mul3A_6, %dma_wait3A] : memref<10240x16xf32, #tpu.memory_space<vmem_shared>> -> memref<640x16xf32, #tpu.memory_space<vmem_shared>>
      %dma_wait3A_19 = arith.constant 0 : i32
      %dma_wait3A_20 = tpu.memref_slice %arg5[%mul3A_6, %dma_wait3A_19] : memref<10240x16xf32, #tpu.memory_space<hbm>> -> memref<640x16xf32, #tpu.memory_space<hbm>>
      tpu.wait_dma2 semaphore(%run_scoped3A_14 : memref<!tpu.dma_semaphore, #tpu.memory_space<semaphore_mem>>) src(%dma_wait3A_20 : memref<640x16xf32, #tpu.memory_space<hbm>>) dst(%dma_wait3A_18 : memref<640x16xf32, #tpu.memory_space<vmem_shared>>)
      tpu.yield
    }) : () -> ()
    "tpu.region"() ({
      %run_scoped3A_14 = tpu.sem_alloc : memref<!tpu.dma_semaphore, #tpu.memory_space<semaphore_mem>>
      %dma_start3A = arith.constant 0 : i32
      %dma_start3A_15 = tpu.memref_slice %arg11[%mul3A_6, %dma_start3A] : memref<10240x16xf32, #tpu.memory_space<vmem_shared>> -> memref<640x16xf32, #tpu.memory_space<vmem_shared>>
      %dma_start3A_16 = arith.constant 0 : i32
      %dma_start3A_17 = tpu.memref_slice %arg5[%mul3A_6, %dma_start3A_16] : memref<10240x16xf32, #tpu.memory_space<hbm>> -> memref<640x16xf32, #tpu.memory_space<hbm>>
      tpu.enqueue_dma source(%dma_start3A_17 : memref<640x16xf32, #tpu.memory_space<hbm>>) target(%dma_start3A_15 : memref<640x16xf32, #tpu.memory_space<vmem_shared>>) target_semaphore(%run_scoped3A_14 : memref<!tpu.dma_semaphore, #tpu.memory_space<semaphore_mem>>)
      %dma_wait3A = arith.constant 0 : i32
      %dma_wait3A_18 = tpu.memref_slice %arg11[%mul3A_6, %dma_wait3A] : memref<10240x16xf32, #tpu.memory_space<vmem_shared>> -> memref<640x16xf32, #tpu.memory_space<vmem_shared>>
      %dma_wait3A_19 = arith.constant 0 : i32
      %dma_wait3A_20 = tpu.memref_slice %arg5[%mul3A_6, %dma_wait3A_19] : memref<10240x16xf32, #tpu.memory_space<hbm>> -> memref<640x16xf32, #tpu.memory_space<hbm>>
      tpu.wait_dma2 semaphore(%run_scoped3A_14 : memref<!tpu.dma_semaphore, #tpu.memory_space<semaphore_mem>>) src(%dma_wait3A_20 : memref<640x16xf32, #tpu.memory_space<hbm>>) dst(%dma_wait3A_18 : memref<640x16xf32, #tpu.memory_space<vmem_shared>>)
      tpu.yield
    }) : () -> ()
    %barrier3A = arith.constant 0 : index
    tpu.barrier barrier_id(%barrier3A)
    %scan3A = arith.constant 0 : i32
    %scan3A_7 = arith.constant 0 : i32
    %scan3A_8 = arith.constant 80 : i32
    %scan3A_9 = arith.addi %scan3A_7, %scan3A_8 : i32
    %scan3A_10 = arith.constant 1 : i32
    scf.for %scan3A_14 = %scan3A_7 to %scan3A_9 step %scan3A_10  : i32 {
      "tpu.region"() ({
        %run_scoped3A_15 = tpu.sem_alloc : memref<!tpu.dma_semaphore, #tpu.memory_space<semaphore_mem>>
        %dma_start3A = arith.constant 0 : i32
        %dma_start3A_16 = tpu.memref_slice %arg7[%scan3A_14, %dma_start3A] : memref<80x128xi32, #tpu.memory_space<vmem>> -> memref<1x128xi32, #tpu.memory_space<vmem>>
        %dma_start3A_17 = tpu.memref_squeeze %dma_start3A_16 : memref<1x128xi32, #tpu.memory_space<vmem>> -> memref<128xi32, #tpu.memory_space<vmem>>
        %dma_start3A_18 = arith.constant 0 : i32
        %dma_start3A_19 = arith.constant 0 : i32
        %dma_start3A_20 = tpu.memref_slice %arg10[%dma_start3A_18, %dma_start3A_19] : memref<10240x16xf32, #tpu.memory_space<vmem_shared>> -> memref<10240x16xf32, #tpu.memory_space<vmem_shared>>
        tpu.enqueue_indirect_dma source(%arg9 : memref<128x16xf32, #tpu.memory_space<vmem>>) target(%dma_start3A_20 : memref<10240x16xf32, #tpu.memory_space<vmem_shared>>) offsets(%dma_start3A_17 : memref<128xi32, #tpu.memory_space<vmem>>) semaphore(%run_scoped3A_15 : memref<!tpu.dma_semaphore, #tpu.memory_space<semaphore_mem>>) {add = true}
        %dma_wait3A = arith.constant 0 : i32
        %dma_wait3A_21 = tpu.memref_slice %arg7[%scan3A_14, %dma_wait3A] : memref<80x128xi32, #tpu.memory_space<vmem>> -> memref<1x128xi32, #tpu.memory_space<vmem>>
        %dma_wait3A_22 = tpu.memref_squeeze %dma_wait3A_21 : memref<1x128xi32, #tpu.memory_space<vmem>> -> memref<128xi32, #tpu.memory_space<vmem>>
        %dma_wait3A_23 = arith.constant 0 : i32
        %dma_wait3A_24 = arith.constant 0 : i32
        %dma_wait3A_25 = tpu.memref_slice %arg10[%dma_wait3A_23, %dma_wait3A_24] : memref<10240x16xf32, #tpu.memory_space<vmem_shared>> -> memref<10240x16xf32, #tpu.memory_space<vmem_shared>>
        tpu.wait_indirect_dma semaphore(%run_scoped3A_15 : memref<!tpu.dma_semaphore, #tpu.memory_space<semaphore_mem>>) src(%arg9 : memref<128x16xf32, #tpu.memory_space<vmem>>) dst(%dma_wait3A_25 : memref<10240x16xf32, #tpu.memory_space<vmem_shared>>)
        tpu.yield
      }) : () -> ()
      "tpu.region"() ({
        %run_scoped3A_15 = tpu.sem_alloc : memref<!tpu.dma_semaphore, #tpu.memory_space<semaphore_mem>>
        %dma_start3A = arith.constant 0 : i32
        %dma_start3A_16 = tpu.memref_slice %arg8[%scan3A_14, %dma_start3A] : memref<80x128xi32, #tpu.memory_space<vmem>> -> memref<1x128xi32, #tpu.memory_space<vmem>>
        %dma_start3A_17 = tpu.memref_squeeze %dma_start3A_16 : memref<1x128xi32, #tpu.memory_space<vmem>> -> memref<128xi32, #tpu.memory_space<vmem>>
        %dma_start3A_18 = arith.constant 0 : i32
        %dma_start3A_19 = arith.constant 0 : i32
        %dma_start3A_20 = tpu.memref_slice %arg11[%dma_start3A_18, %dma_start3A_19] : memref<10240x16xf32, #tpu.memory_space<vmem_shared>> -> memref<10240x16xf32, #tpu.memory_space<vmem_shared>>
        tpu.enqueue_indirect_dma source(%arg9 : memref<128x16xf32, #tpu.memory_space<vmem>>) target(%dma_start3A_20 : memref<10240x16xf32, #tpu.memory_space<vmem_shared>>) offsets(%dma_start3A_17 : memref<128xi32, #tpu.memory_space<vmem>>) semaphore(%run_scoped3A_15 : memref<!tpu.dma_semaphore, #tpu.memory_space<semaphore_mem>>) {add = true}
        %dma_wait3A = arith.constant 0 : i32
        %dma_wait3A_21 = tpu.memref_slice %arg8[%scan3A_14, %dma_wait3A] : memref<80x128xi32, #tpu.memory_space<vmem>> -> memref<1x128xi32, #tpu.memory_space<vmem>>
        %dma_wait3A_22 = tpu.memref_squeeze %dma_wait3A_21 : memref<1x128xi32, #tpu.memory_space<vmem>> -> memref<128xi32, #tpu.memory_space<vmem>>
        %dma_wait3A_23 = arith.constant 0 : i32
        %dma_wait3A_24 = arith.constant 0 : i32
        %dma_wait3A_25 = tpu.memref_slice %arg11[%dma_wait3A_23, %dma_wait3A_24] : memref<10240x16xf32, #tpu.memory_space<vmem_shared>> -> memref<10240x16xf32, #tpu.memory_space<vmem_shared>>
        tpu.wait_indirect_dma semaphore(%run_scoped3A_15 : memref<!tpu.dma_semaphore, #tpu.memory_space<semaphore_mem>>) src(%arg9 : memref<128x16xf32, #tpu.memory_space<vmem>>) dst(%dma_wait3A_25 : memref<10240x16xf32, #tpu.memory_space<vmem_shared>>)
        tpu.yield
      }) : () -> ()
    }
    %scan3A_11 = arith.constant 80 : i32
    %barrier3A_12 = arith.constant 0 : index
    tpu.barrier barrier_id(%barrier3A_12)
    %run_scoped3A = arith.constant 0 : i32
    "tpu.region"() ({
      %run_scoped3A_14 = tpu.sem_alloc : memref<!tpu.dma_semaphore, #tpu.memory_space<semaphore_mem>>
      %dma_start3A = arith.constant 0 : i32
      %dma_start3A_15 = tpu.memref_slice %arg6[%arg0, %run_scoped3A, %mul3A_6, %dma_start3A] : memref<2x2x10240x16xf32, #tpu.memory_space<hbm>> -> memref<1x1x640x16xf32, #tpu.memory_space<hbm>>
      %dma_start3A_16 = tpu.memref_squeeze %dma_start3A_15 : memref<1x1x640x16xf32, #tpu.memory_space<hbm>> -> memref<640x16xf32, #tpu.memory_space<hbm>>
      %dma_start3A_17 = arith.constant 0 : i32
      %dma_start3A_18 = tpu.memref_slice %arg10[%mul3A_6, %dma_start3A_17] : memref<10240x16xf32, #tpu.memory_space<vmem_shared>> -> memref<640x16xf32, #tpu.memory_space<vmem_shared>>
      tpu.enqueue_dma source(%dma_start3A_18 : memref<640x16xf32, #tpu.memory_space<vmem_shared>>) target(%dma_start3A_16 : memref<640x16xf32, #tpu.memory_space<hbm>>) target_semaphore(%run_scoped3A_14 : memref<!tpu.dma_semaphore, #tpu.memory_space<semaphore_mem>>)
      %dma_wait3A = arith.constant 0 : i32
      %dma_wait3A_19 = tpu.memref_slice %arg6[%arg0, %run_scoped3A, %mul3A_6, %dma_wait3A] : memref<2x2x10240x16xf32, #tpu.memory_space<hbm>> -> memref<1x1x640x16xf32, #tpu.memory_space<hbm>>
      %dma_wait3A_20 = tpu.memref_squeeze %dma_wait3A_19 : memref<1x1x640x16xf32, #tpu.memory_space<hbm>> -> memref<640x16xf32, #tpu.memory_space<hbm>>
      %dma_wait3A_21 = arith.constant 0 : i32
      %dma_wait3A_22 = tpu.memref_slice %arg10[%mul3A_6, %dma_wait3A_21] : memref<10240x16xf32, #tpu.memory_space<vmem_shared>> -> memref<640x16xf32, #tpu.memory_space<vmem_shared>>
      tpu.wait_dma2 semaphore(%run_scoped3A_14 : memref<!tpu.dma_semaphore, #tpu.memory_space<semaphore_mem>>) src(%dma_wait3A_22 : memref<640x16xf32, #tpu.memory_space<vmem_shared>>) dst(%dma_wait3A_20 : memref<640x16xf32, #tpu.memory_space<hbm>>)
      tpu.yield
    }) : () -> ()
    %run_scoped3A_13 = arith.constant 1 : i32
    "tpu.region"() ({
      %run_scoped3A_14 = tpu.sem_alloc : memref<!tpu.dma_semaphore, #tpu.memory_space<semaphore_mem>>
      %dma_start3A = arith.constant 0 : i32
      %dma_start3A_15 = tpu.memref_slice %arg6[%arg0, %run_scoped3A_13, %mul3A_6, %dma_start3A] : memref<2x2x10240x16xf32, #tpu.memory_space<hbm>> -> memref<1x1x640x16xf32, #tpu.memory_space<hbm>>
      %dma_start3A_16 = tpu.memref_squeeze %dma_start3A_15 : memref<1x1x640x16xf32, #tpu.memory_space<hbm>> -> memref<640x16xf32, #tpu.memory_space<hbm>>
      %dma_start3A_17 = arith.constant 0 : i32
      %dma_start3A_18 = tpu.memref_slice %arg11[%mul3A_6, %dma_start3A_17] : memref<10240x16xf32, #tpu.memory_space<vmem_shared>> -> memref<640x16xf32, #tpu.memory_space<vmem_shared>>
      tpu.enqueue_dma source(%dma_start3A_18 : memref<640x16xf32, #tpu.memory_space<vmem_shared>>) target(%dma_start3A_16 : memref<640x16xf32, #tpu.memory_space<hbm>>) target_semaphore(%run_scoped3A_14 : memref<!tpu.dma_semaphore, #tpu.memory_space<semaphore_mem>>)
      %dma_wait3A = arith.constant 0 : i32
      %dma_wait3A_19 = tpu.memref_slice %arg6[%arg0, %run_scoped3A_13, %mul3A_6, %dma_wait3A] : memref<2x2x10240x16xf32, #tpu.memory_space<hbm>> -> memref<1x1x640x16xf32, #tpu.memory_space<hbm>>
      %dma_wait3A_20 = tpu.memref_squeeze %dma_wait3A_19 : memref<1x1x640x16xf32, #tpu.memory_space<hbm>> -> memref<640x16xf32, #tpu.memory_space<hbm>>
      %dma_wait3A_21 = arith.constant 0 : i32
      %dma_wait3A_22 = tpu.memref_slice %arg11[%mul3A_6, %dma_wait3A_21] : memref<10240x16xf32, #tpu.memory_space<vmem_shared>> -> memref<640x16xf32, #tpu.memory_space<vmem_shared>>
      tpu.wait_dma2 semaphore(%run_scoped3A_14 : memref<!tpu.dma_semaphore, #tpu.memory_space<semaphore_mem>>) src(%dma_wait3A_22 : memref<640x16xf32, #tpu.memory_space<vmem_shared>>) dst(%dma_wait3A_20 : memref<640x16xf32, #tpu.memory_space<hbm>>)
      tpu.yield
    }) : () -> ()
    return
  }
}

#map = affine_map<(d0, d1) -> (0, 0)>
#map1 = affine_map<(d0, d1) -> (0, 0, 0)>
module attributes {stable_mosaic.version = 14 : i64} {
  func.func @_prop_body(%arg0: i32, %arg1: i32, %arg2: memref<10240x64xf32, #tpu.memory_space<hbm>>, %arg3: memref<2560x128xi32, #tpu.memory_space<hbm>>, %arg4: memref<2560x128xi32, #tpu.memory_space<hbm>>, %arg5: memref<10240x64xf32, #tpu.memory_space<hbm>>, %arg6: memref<2x10240x64xf32, #tpu.memory_space<hbm>>, %arg7: memref<40x128xi32, #tpu.memory_space<vmem>>, %arg8: memref<40x128xi32, #tpu.memory_space<vmem>>, %arg9: memref<128x64xf32, #tpu.memory_space<vmem>>, %arg10: memref<128x64xf32, #tpu.memory_space<vmem>>, %arg11: memref<10240x64xf32, #tpu.memory_space<vmem_shared>>, %arg12: memref<!tpu.dma_semaphore, #tpu.memory_space<semaphore_mem>>, %arg13: memref<!tpu.dma_semaphore, #tpu.memory_space<semaphore_mem>>) attributes {dimension_semantics = [#tpu.dimension_semantics<core_parallel>, #tpu.dimension_semantics<subcore_parallel>], iteration_bounds = array<i64: 2, 16>, scalar_prefetch = 0 : i64, scratch_operands = 7 : i64, tpu.core_type = #tpu.core_type<sc_vector_subcore>, window_params = [{transform_indices = #map}, {transform_indices = #map}, {transform_indices = #map}, {transform_indices = #map}, {transform_indices = #map1}]} {
    %mul3A = arith.constant 2 : i32
    %mul3A_0 = arith.muli %arg1, %mul3A : i32
    %add3A = arith.addi %mul3A_0, %arg0 : i32
    %mul3A_1 = arith.constant 640 : i32
    %mul3A_2 = arith.muli %arg1, %mul3A_1 : i32
    "tpu.region"() ({
      %run_scoped3A = tpu.sem_alloc : memref<!tpu.dma_semaphore, #tpu.memory_space<semaphore_mem>>
      %dma_start3A_36 = arith.constant 0 : i32
      %dma_start3A_37 = tpu.memref_slice %arg11[%mul3A_2, %dma_start3A_36] : memref<10240x64xf32, #tpu.memory_space<vmem_shared>> -> memref<640x64xf32, #tpu.memory_space<vmem_shared>>
      %dma_start3A_38 = arith.constant 0 : i32
      %dma_start3A_39 = tpu.memref_slice %arg5[%mul3A_2, %dma_start3A_38] : memref<10240x64xf32, #tpu.memory_space<hbm>> -> memref<640x64xf32, #tpu.memory_space<hbm>>
      tpu.enqueue_dma source(%dma_start3A_39 : memref<640x64xf32, #tpu.memory_space<hbm>>) target(%dma_start3A_37 : memref<640x64xf32, #tpu.memory_space<vmem_shared>>) target_semaphore(%run_scoped3A : memref<!tpu.dma_semaphore, #tpu.memory_space<semaphore_mem>>)
      %dma_wait3A = arith.constant 0 : i32
      %dma_wait3A_40 = tpu.memref_slice %arg11[%mul3A_2, %dma_wait3A] : memref<10240x64xf32, #tpu.memory_space<vmem_shared>> -> memref<640x64xf32, #tpu.memory_space<vmem_shared>>
      %dma_wait3A_41 = arith.constant 0 : i32
      %dma_wait3A_42 = tpu.memref_slice %arg5[%mul3A_2, %dma_wait3A_41] : memref<10240x64xf32, #tpu.memory_space<hbm>> -> memref<640x64xf32, #tpu.memory_space<hbm>>
      tpu.wait_dma2 semaphore(%run_scoped3A : memref<!tpu.dma_semaphore, #tpu.memory_space<semaphore_mem>>) src(%dma_wait3A_42 : memref<640x64xf32, #tpu.memory_space<hbm>>) dst(%dma_wait3A_40 : memref<640x64xf32, #tpu.memory_space<vmem_shared>>)
      tpu.yield
    }) : () -> ()
    %barrier3A = arith.constant 0 : index
    tpu.barrier barrier_id(%barrier3A)
    %mul3A_3 = arith.constant 80 : i32
    %mul3A_4 = arith.muli %add3A, %mul3A_3 : i32
    %add3A_5 = arith.constant 0 : i32
    %add3A_6 = arith.addi %mul3A_4, %add3A_5 : i32
    "tpu.region"() ({
      %run_scoped3A = tpu.sem_alloc : memref<!tpu.dma_semaphore, #tpu.memory_space<semaphore_mem>>
      %dma_start3A_36 = arith.constant 0 : i32
      %dma_start3A_37 = tpu.memref_slice %arg3[%add3A_6, %dma_start3A_36] : memref<2560x128xi32, #tpu.memory_space<hbm>> -> memref<40x128xi32, #tpu.memory_space<hbm>>
      %dma_start3A_38 = arith.constant 0 : i32
      %dma_start3A_39 = tpu.memref_slice %arg3[%add3A_6, %dma_start3A_38] : memref<2560x128xi32, #tpu.memory_space<hbm>> -> memref<40x128xi32, #tpu.memory_space<hbm>>
      tpu.enqueue_dma source(%dma_start3A_39 : memref<40x128xi32, #tpu.memory_space<hbm>>) target(%arg7 : memref<40x128xi32, #tpu.memory_space<vmem>>) target_semaphore(%run_scoped3A : memref<!tpu.dma_semaphore, #tpu.memory_space<semaphore_mem>>)
      %dma_wait3A = arith.constant 0 : i32
      %dma_wait3A_40 = tpu.memref_slice %arg3[%add3A_6, %dma_wait3A] : memref<2560x128xi32, #tpu.memory_space<hbm>> -> memref<40x128xi32, #tpu.memory_space<hbm>>
      %dma_wait3A_41 = arith.constant 0 : i32
      %dma_wait3A_42 = tpu.memref_slice %arg3[%add3A_6, %dma_wait3A_41] : memref<2560x128xi32, #tpu.memory_space<hbm>> -> memref<40x128xi32, #tpu.memory_space<hbm>>
      tpu.wait_dma2 semaphore(%run_scoped3A : memref<!tpu.dma_semaphore, #tpu.memory_space<semaphore_mem>>) src(%dma_wait3A_42 : memref<40x128xi32, #tpu.memory_space<hbm>>) dst(%arg7 : memref<40x128xi32, #tpu.memory_space<vmem>>)
      tpu.yield
    }) : () -> ()
    "tpu.region"() ({
      %run_scoped3A = tpu.sem_alloc : memref<!tpu.dma_semaphore, #tpu.memory_space<semaphore_mem>>
      %dma_start3A_36 = arith.constant 0 : i32
      %dma_start3A_37 = tpu.memref_slice %arg4[%add3A_6, %dma_start3A_36] : memref<2560x128xi32, #tpu.memory_space<hbm>> -> memref<40x128xi32, #tpu.memory_space<hbm>>
      %dma_start3A_38 = arith.constant 0 : i32
      %dma_start3A_39 = tpu.memref_slice %arg4[%add3A_6, %dma_start3A_38] : memref<2560x128xi32, #tpu.memory_space<hbm>> -> memref<40x128xi32, #tpu.memory_space<hbm>>
      tpu.enqueue_dma source(%dma_start3A_39 : memref<40x128xi32, #tpu.memory_space<hbm>>) target(%arg8 : memref<40x128xi32, #tpu.memory_space<vmem>>) target_semaphore(%run_scoped3A : memref<!tpu.dma_semaphore, #tpu.memory_space<semaphore_mem>>)
      %dma_wait3A = arith.constant 0 : i32
      %dma_wait3A_40 = tpu.memref_slice %arg4[%add3A_6, %dma_wait3A] : memref<2560x128xi32, #tpu.memory_space<hbm>> -> memref<40x128xi32, #tpu.memory_space<hbm>>
      %dma_wait3A_41 = arith.constant 0 : i32
      %dma_wait3A_42 = tpu.memref_slice %arg4[%add3A_6, %dma_wait3A_41] : memref<2560x128xi32, #tpu.memory_space<hbm>> -> memref<40x128xi32, #tpu.memory_space<hbm>>
      tpu.wait_dma2 semaphore(%run_scoped3A : memref<!tpu.dma_semaphore, #tpu.memory_space<semaphore_mem>>) src(%dma_wait3A_42 : memref<40x128xi32, #tpu.memory_space<hbm>>) dst(%arg8 : memref<40x128xi32, #tpu.memory_space<vmem>>)
      tpu.yield
    }) : () -> ()
    %dma_start3A = arith.constant 0 : i32
    %dma_start3A_7 = arith.constant 0 : i32
    %dma_start3A_8 = tpu.memref_slice %arg7[%dma_start3A, %dma_start3A_7] : memref<40x128xi32, #tpu.memory_space<vmem>> -> memref<1x128xi32, #tpu.memory_space<vmem>>
    %dma_start3A_9 = tpu.memref_squeeze %dma_start3A_8 : memref<1x128xi32, #tpu.memory_space<vmem>> -> memref<128xi32, #tpu.memory_space<vmem>>
    %dma_start3A_10 = arith.constant 0 : i32
    %dma_start3A_11 = arith.constant 0 : i32
    %dma_start3A_12 = tpu.memref_slice %arg2[%dma_start3A_10, %dma_start3A_11] : memref<10240x64xf32, #tpu.memory_space<hbm>> -> memref<10240x64xf32, #tpu.memory_space<hbm>>
    tpu.enqueue_indirect_dma source(%dma_start3A_12 : memref<10240x64xf32, #tpu.memory_space<hbm>>) target(%arg9 : memref<128x64xf32, #tpu.memory_space<vmem>>) offsets(%dma_start3A_9 : memref<128xi32, #tpu.memory_space<vmem>>) semaphore(%arg12 : memref<!tpu.dma_semaphore, #tpu.memory_space<semaphore_mem>>)
    %scan3A = arith.constant 0 : i32
    %scan3A_13 = arith.constant 0 : i32
    %scan3A_14 = arith.constant 20 : i32
    %scan3A_15 = arith.addi %scan3A_13, %scan3A_14 : i32
    %scan3A_16 = arith.constant 1 : i32
    scf.for %scan3A_36 = %scan3A_13 to %scan3A_15 step %scan3A_16  : i32 {
      %mul3A_37 = arith.constant 2 : i32
      %mul3A_38 = arith.muli %scan3A_36, %mul3A_37 : i32
      %add3A_39 = arith.constant 0 : i32
      %add3A_40 = arith.addi %mul3A_38, %add3A_39 : i32
      %dma_wait3A = arith.constant 0 : i32
      %dma_wait3A_41 = tpu.memref_slice %arg7[%add3A_40, %dma_wait3A] : memref<40x128xi32, #tpu.memory_space<vmem>> -> memref<1x128xi32, #tpu.memory_space<vmem>>
      %dma_wait3A_42 = tpu.memref_squeeze %dma_wait3A_41 : memref<1x128xi32, #tpu.memory_space<vmem>> -> memref<128xi32, #tpu.memory_space<vmem>>
      %dma_wait3A_43 = arith.constant 0 : i32
      %dma_wait3A_44 = arith.constant 0 : i32
      %dma_wait3A_45 = tpu.memref_slice %arg2[%dma_wait3A_43, %dma_wait3A_44] : memref<10240x64xf32, #tpu.memory_space<hbm>> -> memref<10240x64xf32, #tpu.memory_space<hbm>>
      tpu.wait_indirect_dma semaphore(%arg12 : memref<!tpu.dma_semaphore, #tpu.memory_space<semaphore_mem>>) src(%dma_wait3A_45 : memref<10240x64xf32, #tpu.memory_space<hbm>>) dst(%arg9 : memref<128x64xf32, #tpu.memory_space<vmem>>)
      %add3A_46 = arith.constant 1 : i32
      %add3A_47 = arith.addi %add3A_40, %add3A_46 : i32
      %lt3A = arith.constant 40 : i32
      %lt3A_48 = arith.cmpi slt, %add3A_47, %lt3A : i32
      %convert_element_type3A = arith.extui %lt3A_48 : i1 to i32
      %cond3A = arith.constant 0 : i32
      %cond3A_49 = arith.cmpi ne, %convert_element_type3A, %cond3A : i32
      scf.if %cond3A_49 {
        %add3A_67 = arith.constant 1 : i32
        %add3A_68 = arith.addi %add3A_40, %add3A_67 : i32
        %dma_start3A_69 = arith.constant 0 : i32
        %dma_start3A_70 = tpu.memref_slice %arg7[%add3A_68, %dma_start3A_69] : memref<40x128xi32, #tpu.memory_space<vmem>> -> memref<1x128xi32, #tpu.memory_space<vmem>>
        %dma_start3A_71 = tpu.memref_squeeze %dma_start3A_70 : memref<1x128xi32, #tpu.memory_space<vmem>> -> memref<128xi32, #tpu.memory_space<vmem>>
        %dma_start3A_72 = arith.constant 0 : i32
        %dma_start3A_73 = arith.constant 0 : i32
        %dma_start3A_74 = tpu.memref_slice %arg2[%dma_start3A_72, %dma_start3A_73] : memref<10240x64xf32, #tpu.memory_space<hbm>> -> memref<10240x64xf32, #tpu.memory_space<hbm>>
        tpu.enqueue_indirect_dma source(%dma_start3A_74 : memref<10240x64xf32, #tpu.memory_space<hbm>>) target(%arg10 : memref<128x64xf32, #tpu.memory_space<vmem>>) offsets(%dma_start3A_71 : memref<128xi32, #tpu.memory_space<vmem>>) semaphore(%arg13 : memref<!tpu.dma_semaphore, #tpu.memory_space<semaphore_mem>>)
      } else {
      }
      "tpu.region"() ({
        %run_scoped3A = tpu.sem_alloc : memref<!tpu.dma_semaphore, #tpu.memory_space<semaphore_mem>>
        %dma_start3A_67 = arith.constant 0 : i32
        %dma_start3A_68 = tpu.memref_slice %arg8[%add3A_40, %dma_start3A_67] : memref<40x128xi32, #tpu.memory_space<vmem>> -> memref<1x128xi32, #tpu.memory_space<vmem>>
        %dma_start3A_69 = tpu.memref_squeeze %dma_start3A_68 : memref<1x128xi32, #tpu.memory_space<vmem>> -> memref<128xi32, #tpu.memory_space<vmem>>
        %dma_start3A_70 = arith.constant 0 : i32
        %dma_start3A_71 = arith.constant 0 : i32
        %dma_start3A_72 = tpu.memref_slice %arg11[%dma_start3A_70, %dma_start3A_71] : memref<10240x64xf32, #tpu.memory_space<vmem_shared>> -> memref<10240x64xf32, #tpu.memory_space<vmem_shared>>
        tpu.enqueue_indirect_dma source(%arg9 : memref<128x64xf32, #tpu.memory_space<vmem>>) target(%dma_start3A_72 : memref<10240x64xf32, #tpu.memory_space<vmem_shared>>) offsets(%dma_start3A_69 : memref<128xi32, #tpu.memory_space<vmem>>) semaphore(%run_scoped3A : memref<!tpu.dma_semaphore, #tpu.memory_space<semaphore_mem>>) {add = true}
        %dma_wait3A_73 = arith.constant 0 : i32
        %dma_wait3A_74 = tpu.memref_slice %arg8[%add3A_40, %dma_wait3A_73] : memref<40x128xi32, #tpu.memory_space<vmem>> -> memref<1x128xi32, #tpu.memory_space<vmem>>
        %dma_wait3A_75 = tpu.memref_squeeze %dma_wait3A_74 : memref<1x128xi32, #tpu.memory_space<vmem>> -> memref<128xi32, #tpu.memory_space<vmem>>
        %dma_wait3A_76 = arith.constant 0 : i32
        %dma_wait3A_77 = arith.constant 0 : i32
        %dma_wait3A_78 = tpu.memref_slice %arg11[%dma_wait3A_76, %dma_wait3A_77] : memref<10240x64xf32, #tpu.memory_space<vmem_shared>> -> memref<10240x64xf32, #tpu.memory_space<vmem_shared>>
        tpu.wait_indirect_dma semaphore(%run_scoped3A : memref<!tpu.dma_semaphore, #tpu.memory_space<semaphore_mem>>) src(%arg9 : memref<128x64xf32, #tpu.memory_space<vmem>>) dst(%dma_wait3A_78 : memref<10240x64xf32, #tpu.memory_space<vmem_shared>>)
        tpu.yield
      }) : () -> ()
      %mul3A_50 = arith.constant 2 : i32
      %mul3A_51 = arith.muli %scan3A_36, %mul3A_50 : i32
      %add3A_52 = arith.constant 1 : i32
      %add3A_53 = arith.addi %mul3A_51, %add3A_52 : i32
      %dma_wait3A_54 = arith.constant 0 : i32
      %dma_wait3A_55 = tpu.memref_slice %arg7[%add3A_53, %dma_wait3A_54] : memref<40x128xi32, #tpu.memory_space<vmem>> -> memref<1x128xi32, #tpu.memory_space<vmem>>
      %dma_wait3A_56 = tpu.memref_squeeze %dma_wait3A_55 : memref<1x128xi32, #tpu.memory_space<vmem>> -> memref<128xi32, #tpu.memory_space<vmem>>
      %dma_wait3A_57 = arith.constant 0 : i32
      %dma_wait3A_58 = arith.constant 0 : i32
      %dma_wait3A_59 = tpu.memref_slice %arg2[%dma_wait3A_57, %dma_wait3A_58] : memref<10240x64xf32, #tpu.memory_space<hbm>> -> memref<10240x64xf32, #tpu.memory_space<hbm>>
      tpu.wait_indirect_dma semaphore(%arg13 : memref<!tpu.dma_semaphore, #tpu.memory_space<semaphore_mem>>) src(%dma_wait3A_59 : memref<10240x64xf32, #tpu.memory_space<hbm>>) dst(%arg10 : memref<128x64xf32, #tpu.memory_space<vmem>>)
      %add3A_60 = arith.constant 1 : i32
      %add3A_61 = arith.addi %add3A_53, %add3A_60 : i32
      %lt3A_62 = arith.constant 40 : i32
      %lt3A_63 = arith.cmpi slt, %add3A_61, %lt3A_62 : i32
      %convert_element_type3A_64 = arith.extui %lt3A_63 : i1 to i32
      %cond3A_65 = arith.constant 0 : i32
      %cond3A_66 = arith.cmpi ne, %convert_element_type3A_64, %cond3A_65 : i32
      scf.if %cond3A_66 {
        %add3A_67 = arith.constant 1 : i32
        %add3A_68 = arith.addi %add3A_53, %add3A_67 : i32
        %dma_start3A_69 = arith.constant 0 : i32
        %dma_start3A_70 = tpu.memref_slice %arg7[%add3A_68, %dma_start3A_69] : memref<40x128xi32, #tpu.memory_space<vmem>> -> memref<1x128xi32, #tpu.memory_space<vmem>>
        %dma_start3A_71 = tpu.memref_squeeze %dma_start3A_70 : memref<1x128xi32, #tpu.memory_space<vmem>> -> memref<128xi32, #tpu.memory_space<vmem>>
        %dma_start3A_72 = arith.constant 0 : i32
        %dma_start3A_73 = arith.constant 0 : i32
        %dma_start3A_74 = tpu.memref_slice %arg2[%dma_start3A_72, %dma_start3A_73] : memref<10240x64xf32, #tpu.memory_space<hbm>> -> memref<10240x64xf32, #tpu.memory_space<hbm>>
        tpu.enqueue_indirect_dma source(%dma_start3A_74 : memref<10240x64xf32, #tpu.memory_space<hbm>>) target(%arg9 : memref<128x64xf32, #tpu.memory_space<vmem>>) offsets(%dma_start3A_71 : memref<128xi32, #tpu.memory_space<vmem>>) semaphore(%arg12 : memref<!tpu.dma_semaphore, #tpu.memory_space<semaphore_mem>>)
      } else {
      }
      "tpu.region"() ({
        %run_scoped3A = tpu.sem_alloc : memref<!tpu.dma_semaphore, #tpu.memory_space<semaphore_mem>>
        %dma_start3A_67 = arith.constant 0 : i32
        %dma_start3A_68 = tpu.memref_slice %arg8[%add3A_53, %dma_start3A_67] : memref<40x128xi32, #tpu.memory_space<vmem>> -> memref<1x128xi32, #tpu.memory_space<vmem>>
        %dma_start3A_69 = tpu.memref_squeeze %dma_start3A_68 : memref<1x128xi32, #tpu.memory_space<vmem>> -> memref<128xi32, #tpu.memory_space<vmem>>
        %dma_start3A_70 = arith.constant 0 : i32
        %dma_start3A_71 = arith.constant 0 : i32
        %dma_start3A_72 = tpu.memref_slice %arg11[%dma_start3A_70, %dma_start3A_71] : memref<10240x64xf32, #tpu.memory_space<vmem_shared>> -> memref<10240x64xf32, #tpu.memory_space<vmem_shared>>
        tpu.enqueue_indirect_dma source(%arg10 : memref<128x64xf32, #tpu.memory_space<vmem>>) target(%dma_start3A_72 : memref<10240x64xf32, #tpu.memory_space<vmem_shared>>) offsets(%dma_start3A_69 : memref<128xi32, #tpu.memory_space<vmem>>) semaphore(%run_scoped3A : memref<!tpu.dma_semaphore, #tpu.memory_space<semaphore_mem>>) {add = true}
        %dma_wait3A_73 = arith.constant 0 : i32
        %dma_wait3A_74 = tpu.memref_slice %arg8[%add3A_53, %dma_wait3A_73] : memref<40x128xi32, #tpu.memory_space<vmem>> -> memref<1x128xi32, #tpu.memory_space<vmem>>
        %dma_wait3A_75 = tpu.memref_squeeze %dma_wait3A_74 : memref<1x128xi32, #tpu.memory_space<vmem>> -> memref<128xi32, #tpu.memory_space<vmem>>
        %dma_wait3A_76 = arith.constant 0 : i32
        %dma_wait3A_77 = arith.constant 0 : i32
        %dma_wait3A_78 = tpu.memref_slice %arg11[%dma_wait3A_76, %dma_wait3A_77] : memref<10240x64xf32, #tpu.memory_space<vmem_shared>> -> memref<10240x64xf32, #tpu.memory_space<vmem_shared>>
        tpu.wait_indirect_dma semaphore(%run_scoped3A : memref<!tpu.dma_semaphore, #tpu.memory_space<semaphore_mem>>) src(%arg10 : memref<128x64xf32, #tpu.memory_space<vmem>>) dst(%dma_wait3A_78 : memref<10240x64xf32, #tpu.memory_space<vmem_shared>>)
        tpu.yield
      }) : () -> ()
    }
    %scan3A_17 = arith.constant 20 : i32
    %mul3A_18 = arith.constant 80 : i32
    %mul3A_19 = arith.muli %add3A, %mul3A_18 : i32
    %add3A_20 = arith.constant 40 : i32
    %add3A_21 = arith.addi %mul3A_19, %add3A_20 : i32
    "tpu.region"() ({
      %run_scoped3A = tpu.sem_alloc : memref<!tpu.dma_semaphore, #tpu.memory_space<semaphore_mem>>
      %dma_start3A_36 = arith.constant 0 : i32
      %dma_start3A_37 = tpu.memref_slice %arg3[%add3A_21, %dma_start3A_36] : memref<2560x128xi32, #tpu.memory_space<hbm>> -> memref<40x128xi32, #tpu.memory_space<hbm>>
      %dma_start3A_38 = arith.constant 0 : i32
      %dma_start3A_39 = tpu.memref_slice %arg3[%add3A_21, %dma_start3A_38] : memref<2560x128xi32, #tpu.memory_space<hbm>> -> memref<40x128xi32, #tpu.memory_space<hbm>>
      tpu.enqueue_dma source(%dma_start3A_39 : memref<40x128xi32, #tpu.memory_space<hbm>>) target(%arg7 : memref<40x128xi32, #tpu.memory_space<vmem>>) target_semaphore(%run_scoped3A : memref<!tpu.dma_semaphore, #tpu.memory_space<semaphore_mem>>)
      %dma_wait3A = arith.constant 0 : i32
      %dma_wait3A_40 = tpu.memref_slice %arg3[%add3A_21, %dma_wait3A] : memref<2560x128xi32, #tpu.memory_space<hbm>> -> memref<40x128xi32, #tpu.memory_space<hbm>>
      %dma_wait3A_41 = arith.constant 0 : i32
      %dma_wait3A_42 = tpu.memref_slice %arg3[%add3A_21, %dma_wait3A_41] : memref<2560x128xi32, #tpu.memory_space<hbm>> -> memref<40x128xi32, #tpu.memory_space<hbm>>
      tpu.wait_dma2 semaphore(%run_scoped3A : memref<!tpu.dma_semaphore, #tpu.memory_space<semaphore_mem>>) src(%dma_wait3A_42 : memref<40x128xi32, #tpu.memory_space<hbm>>) dst(%arg7 : memref<40x128xi32, #tpu.memory_space<vmem>>)
      tpu.yield
    }) : () -> ()
    "tpu.region"() ({
      %run_scoped3A = tpu.sem_alloc : memref<!tpu.dma_semaphore, #tpu.memory_space<semaphore_mem>>
      %dma_start3A_36 = arith.constant 0 : i32
      %dma_start3A_37 = tpu.memref_slice %arg4[%add3A_21, %dma_start3A_36] : memref<2560x128xi32, #tpu.memory_space<hbm>> -> memref<40x128xi32, #tpu.memory_space<hbm>>
      %dma_start3A_38 = arith.constant 0 : i32
      %dma_start3A_39 = tpu.memref_slice %arg4[%add3A_21, %dma_start3A_38] : memref<2560x128xi32, #tpu.memory_space<hbm>> -> memref<40x128xi32, #tpu.memory_space<hbm>>
      tpu.enqueue_dma source(%dma_start3A_39 : memref<40x128xi32, #tpu.memory_space<hbm>>) target(%arg8 : memref<40x128xi32, #tpu.memory_space<vmem>>) target_semaphore(%run_scoped3A : memref<!tpu.dma_semaphore, #tpu.memory_space<semaphore_mem>>)
      %dma_wait3A = arith.constant 0 : i32
      %dma_wait3A_40 = tpu.memref_slice %arg4[%add3A_21, %dma_wait3A] : memref<2560x128xi32, #tpu.memory_space<hbm>> -> memref<40x128xi32, #tpu.memory_space<hbm>>
      %dma_wait3A_41 = arith.constant 0 : i32
      %dma_wait3A_42 = tpu.memref_slice %arg4[%add3A_21, %dma_wait3A_41] : memref<2560x128xi32, #tpu.memory_space<hbm>> -> memref<40x128xi32, #tpu.memory_space<hbm>>
      tpu.wait_dma2 semaphore(%run_scoped3A : memref<!tpu.dma_semaphore, #tpu.memory_space<semaphore_mem>>) src(%dma_wait3A_42 : memref<40x128xi32, #tpu.memory_space<hbm>>) dst(%arg8 : memref<40x128xi32, #tpu.memory_space<vmem>>)
      tpu.yield
    }) : () -> ()
    %dma_start3A_22 = arith.constant 0 : i32
    %dma_start3A_23 = arith.constant 0 : i32
    %dma_start3A_24 = tpu.memref_slice %arg7[%dma_start3A_22, %dma_start3A_23] : memref<40x128xi32, #tpu.memory_space<vmem>> -> memref<1x128xi32, #tpu.memory_space<vmem>>
    %dma_start3A_25 = tpu.memref_squeeze %dma_start3A_24 : memref<1x128xi32, #tpu.memory_space<vmem>> -> memref<128xi32, #tpu.memory_space<vmem>>
    %dma_start3A_26 = arith.constant 0 : i32
    %dma_start3A_27 = arith.constant 0 : i32
    %dma_start3A_28 = tpu.memref_slice %arg2[%dma_start3A_26, %dma_start3A_27] : memref<10240x64xf32, #tpu.memory_space<hbm>> -> memref<10240x64xf32, #tpu.memory_space<hbm>>
    tpu.enqueue_indirect_dma source(%dma_start3A_28 : memref<10240x64xf32, #tpu.memory_space<hbm>>) target(%arg9 : memref<128x64xf32, #tpu.memory_space<vmem>>) offsets(%dma_start3A_25 : memref<128xi32, #tpu.memory_space<vmem>>) semaphore(%arg12 : memref<!tpu.dma_semaphore, #tpu.memory_space<semaphore_mem>>)
    %scan3A_29 = arith.constant 0 : i32
    %scan3A_30 = arith.constant 0 : i32
    %scan3A_31 = arith.constant 20 : i32
    %scan3A_32 = arith.addi %scan3A_30, %scan3A_31 : i32
    %scan3A_33 = arith.constant 1 : i32
    scf.for %scan3A_36 = %scan3A_30 to %scan3A_32 step %scan3A_33  : i32 {
      %mul3A_37 = arith.constant 2 : i32
      %mul3A_38 = arith.muli %scan3A_36, %mul3A_37 : i32
      %add3A_39 = arith.constant 0 : i32
      %add3A_40 = arith.addi %mul3A_38, %add3A_39 : i32
      %dma_wait3A = arith.constant 0 : i32
      %dma_wait3A_41 = tpu.memref_slice %arg7[%add3A_40, %dma_wait3A] : memref<40x128xi32, #tpu.memory_space<vmem>> -> memref<1x128xi32, #tpu.memory_space<vmem>>
      %dma_wait3A_42 = tpu.memref_squeeze %dma_wait3A_41 : memref<1x128xi32, #tpu.memory_space<vmem>> -> memref<128xi32, #tpu.memory_space<vmem>>
      %dma_wait3A_43 = arith.constant 0 : i32
      %dma_wait3A_44 = arith.constant 0 : i32
      %dma_wait3A_45 = tpu.memref_slice %arg2[%dma_wait3A_43, %dma_wait3A_44] : memref<10240x64xf32, #tpu.memory_space<hbm>> -> memref<10240x64xf32, #tpu.memory_space<hbm>>
      tpu.wait_indirect_dma semaphore(%arg12 : memref<!tpu.dma_semaphore, #tpu.memory_space<semaphore_mem>>) src(%dma_wait3A_45 : memref<10240x64xf32, #tpu.memory_space<hbm>>) dst(%arg9 : memref<128x64xf32, #tpu.memory_space<vmem>>)
      %add3A_46 = arith.constant 1 : i32
      %add3A_47 = arith.addi %add3A_40, %add3A_46 : i32
      %lt3A = arith.constant 40 : i32
      %lt3A_48 = arith.cmpi slt, %add3A_47, %lt3A : i32
      %convert_element_type3A = arith.extui %lt3A_48 : i1 to i32
      %cond3A = arith.constant 0 : i32
      %cond3A_49 = arith.cmpi ne, %convert_element_type3A, %cond3A : i32
      scf.if %cond3A_49 {
        %add3A_67 = arith.constant 1 : i32
        %add3A_68 = arith.addi %add3A_40, %add3A_67 : i32
        %dma_start3A_69 = arith.constant 0 : i32
        %dma_start3A_70 = tpu.memref_slice %arg7[%add3A_68, %dma_start3A_69] : memref<40x128xi32, #tpu.memory_space<vmem>> -> memref<1x128xi32, #tpu.memory_space<vmem>>
        %dma_start3A_71 = tpu.memref_squeeze %dma_start3A_70 : memref<1x128xi32, #tpu.memory_space<vmem>> -> memref<128xi32, #tpu.memory_space<vmem>>
        %dma_start3A_72 = arith.constant 0 : i32
        %dma_start3A_73 = arith.constant 0 : i32
        %dma_start3A_74 = tpu.memref_slice %arg2[%dma_start3A_72, %dma_start3A_73] : memref<10240x64xf32, #tpu.memory_space<hbm>> -> memref<10240x64xf32, #tpu.memory_space<hbm>>
        tpu.enqueue_indirect_dma source(%dma_start3A_74 : memref<10240x64xf32, #tpu.memory_space<hbm>>) target(%arg10 : memref<128x64xf32, #tpu.memory_space<vmem>>) offsets(%dma_start3A_71 : memref<128xi32, #tpu.memory_space<vmem>>) semaphore(%arg13 : memref<!tpu.dma_semaphore, #tpu.memory_space<semaphore_mem>>)
      } else {
      }
      "tpu.region"() ({
        %run_scoped3A = tpu.sem_alloc : memref<!tpu.dma_semaphore, #tpu.memory_space<semaphore_mem>>
        %dma_start3A_67 = arith.constant 0 : i32
        %dma_start3A_68 = tpu.memref_slice %arg8[%add3A_40, %dma_start3A_67] : memref<40x128xi32, #tpu.memory_space<vmem>> -> memref<1x128xi32, #tpu.memory_space<vmem>>
        %dma_start3A_69 = tpu.memref_squeeze %dma_start3A_68 : memref<1x128xi32, #tpu.memory_space<vmem>> -> memref<128xi32, #tpu.memory_space<vmem>>
        %dma_start3A_70 = arith.constant 0 : i32
        %dma_start3A_71 = arith.constant 0 : i32
        %dma_start3A_72 = tpu.memref_slice %arg11[%dma_start3A_70, %dma_start3A_71] : memref<10240x64xf32, #tpu.memory_space<vmem_shared>> -> memref<10240x64xf32, #tpu.memory_space<vmem_shared>>
        tpu.enqueue_indirect_dma source(%arg9 : memref<128x64xf32, #tpu.memory_space<vmem>>) target(%dma_start3A_72 : memref<10240x64xf32, #tpu.memory_space<vmem_shared>>) offsets(%dma_start3A_69 : memref<128xi32, #tpu.memory_space<vmem>>) semaphore(%run_scoped3A : memref<!tpu.dma_semaphore, #tpu.memory_space<semaphore_mem>>) {add = true}
        %dma_wait3A_73 = arith.constant 0 : i32
        %dma_wait3A_74 = tpu.memref_slice %arg8[%add3A_40, %dma_wait3A_73] : memref<40x128xi32, #tpu.memory_space<vmem>> -> memref<1x128xi32, #tpu.memory_space<vmem>>
        %dma_wait3A_75 = tpu.memref_squeeze %dma_wait3A_74 : memref<1x128xi32, #tpu.memory_space<vmem>> -> memref<128xi32, #tpu.memory_space<vmem>>
        %dma_wait3A_76 = arith.constant 0 : i32
        %dma_wait3A_77 = arith.constant 0 : i32
        %dma_wait3A_78 = tpu.memref_slice %arg11[%dma_wait3A_76, %dma_wait3A_77] : memref<10240x64xf32, #tpu.memory_space<vmem_shared>> -> memref<10240x64xf32, #tpu.memory_space<vmem_shared>>
        tpu.wait_indirect_dma semaphore(%run_scoped3A : memref<!tpu.dma_semaphore, #tpu.memory_space<semaphore_mem>>) src(%arg9 : memref<128x64xf32, #tpu.memory_space<vmem>>) dst(%dma_wait3A_78 : memref<10240x64xf32, #tpu.memory_space<vmem_shared>>)
        tpu.yield
      }) : () -> ()
      %mul3A_50 = arith.constant 2 : i32
      %mul3A_51 = arith.muli %scan3A_36, %mul3A_50 : i32
      %add3A_52 = arith.constant 1 : i32
      %add3A_53 = arith.addi %mul3A_51, %add3A_52 : i32
      %dma_wait3A_54 = arith.constant 0 : i32
      %dma_wait3A_55 = tpu.memref_slice %arg7[%add3A_53, %dma_wait3A_54] : memref<40x128xi32, #tpu.memory_space<vmem>> -> memref<1x128xi32, #tpu.memory_space<vmem>>
      %dma_wait3A_56 = tpu.memref_squeeze %dma_wait3A_55 : memref<1x128xi32, #tpu.memory_space<vmem>> -> memref<128xi32, #tpu.memory_space<vmem>>
      %dma_wait3A_57 = arith.constant 0 : i32
      %dma_wait3A_58 = arith.constant 0 : i32
      %dma_wait3A_59 = tpu.memref_slice %arg2[%dma_wait3A_57, %dma_wait3A_58] : memref<10240x64xf32, #tpu.memory_space<hbm>> -> memref<10240x64xf32, #tpu.memory_space<hbm>>
      tpu.wait_indirect_dma semaphore(%arg13 : memref<!tpu.dma_semaphore, #tpu.memory_space<semaphore_mem>>) src(%dma_wait3A_59 : memref<10240x64xf32, #tpu.memory_space<hbm>>) dst(%arg10 : memref<128x64xf32, #tpu.memory_space<vmem>>)
      %add3A_60 = arith.constant 1 : i32
      %add3A_61 = arith.addi %add3A_53, %add3A_60 : i32
      %lt3A_62 = arith.constant 40 : i32
      %lt3A_63 = arith.cmpi slt, %add3A_61, %lt3A_62 : i32
      %convert_element_type3A_64 = arith.extui %lt3A_63 : i1 to i32
      %cond3A_65 = arith.constant 0 : i32
      %cond3A_66 = arith.cmpi ne, %convert_element_type3A_64, %cond3A_65 : i32
      scf.if %cond3A_66 {
        %add3A_67 = arith.constant 1 : i32
        %add3A_68 = arith.addi %add3A_53, %add3A_67 : i32
        %dma_start3A_69 = arith.constant 0 : i32
        %dma_start3A_70 = tpu.memref_slice %arg7[%add3A_68, %dma_start3A_69] : memref<40x128xi32, #tpu.memory_space<vmem>> -> memref<1x128xi32, #tpu.memory_space<vmem>>
        %dma_start3A_71 = tpu.memref_squeeze %dma_start3A_70 : memref<1x128xi32, #tpu.memory_space<vmem>> -> memref<128xi32, #tpu.memory_space<vmem>>
        %dma_start3A_72 = arith.constant 0 : i32
        %dma_start3A_73 = arith.constant 0 : i32
        %dma_start3A_74 = tpu.memref_slice %arg2[%dma_start3A_72, %dma_start3A_73] : memref<10240x64xf32, #tpu.memory_space<hbm>> -> memref<10240x64xf32, #tpu.memory_space<hbm>>
        tpu.enqueue_indirect_dma source(%dma_start3A_74 : memref<10240x64xf32, #tpu.memory_space<hbm>>) target(%arg9 : memref<128x64xf32, #tpu.memory_space<vmem>>) offsets(%dma_start3A_71 : memref<128xi32, #tpu.memory_space<vmem>>) semaphore(%arg12 : memref<!tpu.dma_semaphore, #tpu.memory_space<semaphore_mem>>)
      } else {
      }
      "tpu.region"() ({
        %run_scoped3A = tpu.sem_alloc : memref<!tpu.dma_semaphore, #tpu.memory_space<semaphore_mem>>
        %dma_start3A_67 = arith.constant 0 : i32
        %dma_start3A_68 = tpu.memref_slice %arg8[%add3A_53, %dma_start3A_67] : memref<40x128xi32, #tpu.memory_space<vmem>> -> memref<1x128xi32, #tpu.memory_space<vmem>>
        %dma_start3A_69 = tpu.memref_squeeze %dma_start3A_68 : memref<1x128xi32, #tpu.memory_space<vmem>> -> memref<128xi32, #tpu.memory_space<vmem>>
        %dma_start3A_70 = arith.constant 0 : i32
        %dma_start3A_71 = arith.constant 0 : i32
        %dma_start3A_72 = tpu.memref_slice %arg11[%dma_start3A_70, %dma_start3A_71] : memref<10240x64xf32, #tpu.memory_space<vmem_shared>> -> memref<10240x64xf32, #tpu.memory_space<vmem_shared>>
        tpu.enqueue_indirect_dma source(%arg10 : memref<128x64xf32, #tpu.memory_space<vmem>>) target(%dma_start3A_72 : memref<10240x64xf32, #tpu.memory_space<vmem_shared>>) offsets(%dma_start3A_69 : memref<128xi32, #tpu.memory_space<vmem>>) semaphore(%run_scoped3A : memref<!tpu.dma_semaphore, #tpu.memory_space<semaphore_mem>>) {add = true}
        %dma_wait3A_73 = arith.constant 0 : i32
        %dma_wait3A_74 = tpu.memref_slice %arg8[%add3A_53, %dma_wait3A_73] : memref<40x128xi32, #tpu.memory_space<vmem>> -> memref<1x128xi32, #tpu.memory_space<vmem>>
        %dma_wait3A_75 = tpu.memref_squeeze %dma_wait3A_74 : memref<1x128xi32, #tpu.memory_space<vmem>> -> memref<128xi32, #tpu.memory_space<vmem>>
        %dma_wait3A_76 = arith.constant 0 : i32
        %dma_wait3A_77 = arith.constant 0 : i32
        %dma_wait3A_78 = tpu.memref_slice %arg11[%dma_wait3A_76, %dma_wait3A_77] : memref<10240x64xf32, #tpu.memory_space<vmem_shared>> -> memref<10240x64xf32, #tpu.memory_space<vmem_shared>>
        tpu.wait_indirect_dma semaphore(%run_scoped3A : memref<!tpu.dma_semaphore, #tpu.memory_space<semaphore_mem>>) src(%arg10 : memref<128x64xf32, #tpu.memory_space<vmem>>) dst(%dma_wait3A_78 : memref<10240x64xf32, #tpu.memory_space<vmem_shared>>)
        tpu.yield
      }) : () -> ()
    }
    %scan3A_34 = arith.constant 20 : i32
    %barrier3A_35 = arith.constant 0 : index
    tpu.barrier barrier_id(%barrier3A_35)
    "tpu.region"() ({
      %run_scoped3A = tpu.sem_alloc : memref<!tpu.dma_semaphore, #tpu.memory_space<semaphore_mem>>
      %dma_start3A_36 = arith.constant 0 : i32
      %dma_start3A_37 = tpu.memref_slice %arg6[%arg0, %mul3A_2, %dma_start3A_36] : memref<2x10240x64xf32, #tpu.memory_space<hbm>> -> memref<1x640x64xf32, #tpu.memory_space<hbm>>
      %dma_start3A_38 = tpu.memref_squeeze %dma_start3A_37 : memref<1x640x64xf32, #tpu.memory_space<hbm>> -> memref<640x64xf32, #tpu.memory_space<hbm>>
      %dma_start3A_39 = arith.constant 0 : i32
      %dma_start3A_40 = tpu.memref_slice %arg11[%mul3A_2, %dma_start3A_39] : memref<10240x64xf32, #tpu.memory_space<vmem_shared>> -> memref<640x64xf32, #tpu.memory_space<vmem_shared>>
      tpu.enqueue_dma source(%dma_start3A_40 : memref<640x64xf32, #tpu.memory_space<vmem_shared>>) target(%dma_start3A_38 : memref<640x64xf32, #tpu.memory_space<hbm>>) target_semaphore(%run_scoped3A : memref<!tpu.dma_semaphore, #tpu.memory_space<semaphore_mem>>)
      %dma_wait3A = arith.constant 0 : i32
      %dma_wait3A_41 = tpu.memref_slice %arg6[%arg0, %mul3A_2, %dma_wait3A] : memref<2x10240x64xf32, #tpu.memory_space<hbm>> -> memref<1x640x64xf32, #tpu.memory_space<hbm>>
      %dma_wait3A_42 = tpu.memref_squeeze %dma_wait3A_41 : memref<1x640x64xf32, #tpu.memory_space<hbm>> -> memref<640x64xf32, #tpu.memory_space<hbm>>
      %dma_wait3A_43 = arith.constant 0 : i32
      %dma_wait3A_44 = tpu.memref_slice %arg11[%mul3A_2, %dma_wait3A_43] : memref<10240x64xf32, #tpu.memory_space<vmem_shared>> -> memref<640x64xf32, #tpu.memory_space<vmem_shared>>
      tpu.wait_dma2 semaphore(%run_scoped3A : memref<!tpu.dma_semaphore, #tpu.memory_space<semaphore_mem>>) src(%dma_wait3A_44 : memref<640x64xf32, #tpu.memory_space<vmem_shared>>) dst(%dma_wait3A_42 : memref<640x64xf32, #tpu.memory_space<hbm>>)
      tpu.yield
    }) : () -> ()
    return
  }
}

#map = affine_map<(d0, d1) -> (0, 0)>
#map1 = affine_map<(d0, d1) -> (0, 0, 0)>
module attributes {stable_mosaic.version = 14 : i64} {
  func.func @_prop_body(%arg0: i32, %arg1: i32, %arg2: memref<10240x128xf32, #tpu.memory_space<hbm>>, %arg3: memref<2560x128xi32, #tpu.memory_space<hbm>>, %arg4: memref<2560x128xi32, #tpu.memory_space<hbm>>, %arg5: memref<10240x128xf32, #tpu.memory_space<hbm>>, %arg6: memref<2x10240x128xf32, #tpu.memory_space<hbm>>, %arg7: memref<40x128xi32, #tpu.memory_space<vmem>>, %arg8: memref<40x128xi32, #tpu.memory_space<vmem>>, %arg9: memref<128x128xf32, #tpu.memory_space<vmem>>, %arg10: memref<128x128xf32, #tpu.memory_space<vmem>>, %arg11: memref<10240x128xf32, #tpu.memory_space<vmem_shared>>, %arg12: memref<!tpu.dma_semaphore, #tpu.memory_space<semaphore_mem>>, %arg13: memref<!tpu.dma_semaphore, #tpu.memory_space<semaphore_mem>>) attributes {dimension_semantics = [#tpu.dimension_semantics<core_parallel>, #tpu.dimension_semantics<subcore_parallel>], iteration_bounds = array<i64: 2, 16>, scalar_prefetch = 0 : i64, scratch_operands = 7 : i64, tpu.core_type = #tpu.core_type<sc_vector_subcore>, window_params = [{transform_indices = #map}, {transform_indices = #map}, {transform_indices = #map}, {transform_indices = #map}, {transform_indices = #map1}]} {
    %mul3A = arith.constant 2 : i32
    %mul3A_0 = arith.muli %arg1, %mul3A : i32
    %add3A = arith.addi %mul3A_0, %arg0 : i32
    %mul3A_1 = arith.constant 640 : i32
    %mul3A_2 = arith.muli %arg1, %mul3A_1 : i32
    "tpu.region"() ({
      %run_scoped3A = tpu.sem_alloc : memref<!tpu.dma_semaphore, #tpu.memory_space<semaphore_mem>>
      %dma_start3A_36 = arith.constant 0 : i32
      %dma_start3A_37 = tpu.memref_slice %arg11[%mul3A_2, %dma_start3A_36] : memref<10240x128xf32, #tpu.memory_space<vmem_shared>> -> memref<640x128xf32, #tpu.memory_space<vmem_shared>>
      %dma_start3A_38 = arith.constant 0 : i32
      %dma_start3A_39 = tpu.memref_slice %arg5[%mul3A_2, %dma_start3A_38] : memref<10240x128xf32, #tpu.memory_space<hbm>> -> memref<640x128xf32, #tpu.memory_space<hbm>>
      tpu.enqueue_dma source(%dma_start3A_39 : memref<640x128xf32, #tpu.memory_space<hbm>>) target(%dma_start3A_37 : memref<640x128xf32, #tpu.memory_space<vmem_shared>>) target_semaphore(%run_scoped3A : memref<!tpu.dma_semaphore, #tpu.memory_space<semaphore_mem>>)
      %dma_wait3A = arith.constant 0 : i32
      %dma_wait3A_40 = tpu.memref_slice %arg11[%mul3A_2, %dma_wait3A] : memref<10240x128xf32, #tpu.memory_space<vmem_shared>> -> memref<640x128xf32, #tpu.memory_space<vmem_shared>>
      %dma_wait3A_41 = arith.constant 0 : i32
      %dma_wait3A_42 = tpu.memref_slice %arg5[%mul3A_2, %dma_wait3A_41] : memref<10240x128xf32, #tpu.memory_space<hbm>> -> memref<640x128xf32, #tpu.memory_space<hbm>>
      tpu.wait_dma2 semaphore(%run_scoped3A : memref<!tpu.dma_semaphore, #tpu.memory_space<semaphore_mem>>) src(%dma_wait3A_42 : memref<640x128xf32, #tpu.memory_space<hbm>>) dst(%dma_wait3A_40 : memref<640x128xf32, #tpu.memory_space<vmem_shared>>)
      tpu.yield
    }) : () -> ()
    %barrier3A = arith.constant 0 : index
    tpu.barrier barrier_id(%barrier3A)
    %mul3A_3 = arith.constant 80 : i32
    %mul3A_4 = arith.muli %add3A, %mul3A_3 : i32
    %add3A_5 = arith.constant 0 : i32
    %add3A_6 = arith.addi %mul3A_4, %add3A_5 : i32
    "tpu.region"() ({
      %run_scoped3A = tpu.sem_alloc : memref<!tpu.dma_semaphore, #tpu.memory_space<semaphore_mem>>
      %dma_start3A_36 = arith.constant 0 : i32
      %dma_start3A_37 = tpu.memref_slice %arg3[%add3A_6, %dma_start3A_36] : memref<2560x128xi32, #tpu.memory_space<hbm>> -> memref<40x128xi32, #tpu.memory_space<hbm>>
      %dma_start3A_38 = arith.constant 0 : i32
      %dma_start3A_39 = tpu.memref_slice %arg3[%add3A_6, %dma_start3A_38] : memref<2560x128xi32, #tpu.memory_space<hbm>> -> memref<40x128xi32, #tpu.memory_space<hbm>>
      tpu.enqueue_dma source(%dma_start3A_39 : memref<40x128xi32, #tpu.memory_space<hbm>>) target(%arg7 : memref<40x128xi32, #tpu.memory_space<vmem>>) target_semaphore(%run_scoped3A : memref<!tpu.dma_semaphore, #tpu.memory_space<semaphore_mem>>)
      %dma_wait3A = arith.constant 0 : i32
      %dma_wait3A_40 = tpu.memref_slice %arg3[%add3A_6, %dma_wait3A] : memref<2560x128xi32, #tpu.memory_space<hbm>> -> memref<40x128xi32, #tpu.memory_space<hbm>>
      %dma_wait3A_41 = arith.constant 0 : i32
      %dma_wait3A_42 = tpu.memref_slice %arg3[%add3A_6, %dma_wait3A_41] : memref<2560x128xi32, #tpu.memory_space<hbm>> -> memref<40x128xi32, #tpu.memory_space<hbm>>
      tpu.wait_dma2 semaphore(%run_scoped3A : memref<!tpu.dma_semaphore, #tpu.memory_space<semaphore_mem>>) src(%dma_wait3A_42 : memref<40x128xi32, #tpu.memory_space<hbm>>) dst(%arg7 : memref<40x128xi32, #tpu.memory_space<vmem>>)
      tpu.yield
    }) : () -> ()
    "tpu.region"() ({
      %run_scoped3A = tpu.sem_alloc : memref<!tpu.dma_semaphore, #tpu.memory_space<semaphore_mem>>
      %dma_start3A_36 = arith.constant 0 : i32
      %dma_start3A_37 = tpu.memref_slice %arg4[%add3A_6, %dma_start3A_36] : memref<2560x128xi32, #tpu.memory_space<hbm>> -> memref<40x128xi32, #tpu.memory_space<hbm>>
      %dma_start3A_38 = arith.constant 0 : i32
      %dma_start3A_39 = tpu.memref_slice %arg4[%add3A_6, %dma_start3A_38] : memref<2560x128xi32, #tpu.memory_space<hbm>> -> memref<40x128xi32, #tpu.memory_space<hbm>>
      tpu.enqueue_dma source(%dma_start3A_39 : memref<40x128xi32, #tpu.memory_space<hbm>>) target(%arg8 : memref<40x128xi32, #tpu.memory_space<vmem>>) target_semaphore(%run_scoped3A : memref<!tpu.dma_semaphore, #tpu.memory_space<semaphore_mem>>)
      %dma_wait3A = arith.constant 0 : i32
      %dma_wait3A_40 = tpu.memref_slice %arg4[%add3A_6, %dma_wait3A] : memref<2560x128xi32, #tpu.memory_space<hbm>> -> memref<40x128xi32, #tpu.memory_space<hbm>>
      %dma_wait3A_41 = arith.constant 0 : i32
      %dma_wait3A_42 = tpu.memref_slice %arg4[%add3A_6, %dma_wait3A_41] : memref<2560x128xi32, #tpu.memory_space<hbm>> -> memref<40x128xi32, #tpu.memory_space<hbm>>
      tpu.wait_dma2 semaphore(%run_scoped3A : memref<!tpu.dma_semaphore, #tpu.memory_space<semaphore_mem>>) src(%dma_wait3A_42 : memref<40x128xi32, #tpu.memory_space<hbm>>) dst(%arg8 : memref<40x128xi32, #tpu.memory_space<vmem>>)
      tpu.yield
    }) : () -> ()
    %dma_start3A = arith.constant 0 : i32
    %dma_start3A_7 = arith.constant 0 : i32
    %dma_start3A_8 = tpu.memref_slice %arg7[%dma_start3A, %dma_start3A_7] : memref<40x128xi32, #tpu.memory_space<vmem>> -> memref<1x128xi32, #tpu.memory_space<vmem>>
    %dma_start3A_9 = tpu.memref_squeeze %dma_start3A_8 : memref<1x128xi32, #tpu.memory_space<vmem>> -> memref<128xi32, #tpu.memory_space<vmem>>
    %dma_start3A_10 = arith.constant 0 : i32
    %dma_start3A_11 = arith.constant 0 : i32
    %dma_start3A_12 = tpu.memref_slice %arg2[%dma_start3A_10, %dma_start3A_11] : memref<10240x128xf32, #tpu.memory_space<hbm>> -> memref<10240x128xf32, #tpu.memory_space<hbm>>
    tpu.enqueue_indirect_dma source(%dma_start3A_12 : memref<10240x128xf32, #tpu.memory_space<hbm>>) target(%arg9 : memref<128x128xf32, #tpu.memory_space<vmem>>) offsets(%dma_start3A_9 : memref<128xi32, #tpu.memory_space<vmem>>) semaphore(%arg12 : memref<!tpu.dma_semaphore, #tpu.memory_space<semaphore_mem>>)
    %scan3A = arith.constant 0 : i32
    %scan3A_13 = arith.constant 0 : i32
    %scan3A_14 = arith.constant 20 : i32
    %scan3A_15 = arith.addi %scan3A_13, %scan3A_14 : i32
    %scan3A_16 = arith.constant 1 : i32
    scf.for %scan3A_36 = %scan3A_13 to %scan3A_15 step %scan3A_16  : i32 {
      %mul3A_37 = arith.constant 2 : i32
      %mul3A_38 = arith.muli %scan3A_36, %mul3A_37 : i32
      %add3A_39 = arith.constant 0 : i32
      %add3A_40 = arith.addi %mul3A_38, %add3A_39 : i32
      %dma_wait3A = arith.constant 0 : i32
      %dma_wait3A_41 = tpu.memref_slice %arg7[%add3A_40, %dma_wait3A] : memref<40x128xi32, #tpu.memory_space<vmem>> -> memref<1x128xi32, #tpu.memory_space<vmem>>
      %dma_wait3A_42 = tpu.memref_squeeze %dma_wait3A_41 : memref<1x128xi32, #tpu.memory_space<vmem>> -> memref<128xi32, #tpu.memory_space<vmem>>
      %dma_wait3A_43 = arith.constant 0 : i32
      %dma_wait3A_44 = arith.constant 0 : i32
      %dma_wait3A_45 = tpu.memref_slice %arg2[%dma_wait3A_43, %dma_wait3A_44] : memref<10240x128xf32, #tpu.memory_space<hbm>> -> memref<10240x128xf32, #tpu.memory_space<hbm>>
      tpu.wait_indirect_dma semaphore(%arg12 : memref<!tpu.dma_semaphore, #tpu.memory_space<semaphore_mem>>) src(%dma_wait3A_45 : memref<10240x128xf32, #tpu.memory_space<hbm>>) dst(%arg9 : memref<128x128xf32, #tpu.memory_space<vmem>>)
      %add3A_46 = arith.constant 1 : i32
      %add3A_47 = arith.addi %add3A_40, %add3A_46 : i32
      %lt3A = arith.constant 40 : i32
      %lt3A_48 = arith.cmpi slt, %add3A_47, %lt3A : i32
      %convert_element_type3A = arith.extui %lt3A_48 : i1 to i32
      %cond3A = arith.constant 0 : i32
      %cond3A_49 = arith.cmpi ne, %convert_element_type3A, %cond3A : i32
      scf.if %cond3A_49 {
        %add3A_67 = arith.constant 1 : i32
        %add3A_68 = arith.addi %add3A_40, %add3A_67 : i32
        %dma_start3A_69 = arith.constant 0 : i32
        %dma_start3A_70 = tpu.memref_slice %arg7[%add3A_68, %dma_start3A_69] : memref<40x128xi32, #tpu.memory_space<vmem>> -> memref<1x128xi32, #tpu.memory_space<vmem>>
        %dma_start3A_71 = tpu.memref_squeeze %dma_start3A_70 : memref<1x128xi32, #tpu.memory_space<vmem>> -> memref<128xi32, #tpu.memory_space<vmem>>
        %dma_start3A_72 = arith.constant 0 : i32
        %dma_start3A_73 = arith.constant 0 : i32
        %dma_start3A_74 = tpu.memref_slice %arg2[%dma_start3A_72, %dma_start3A_73] : memref<10240x128xf32, #tpu.memory_space<hbm>> -> memref<10240x128xf32, #tpu.memory_space<hbm>>
        tpu.enqueue_indirect_dma source(%dma_start3A_74 : memref<10240x128xf32, #tpu.memory_space<hbm>>) target(%arg10 : memref<128x128xf32, #tpu.memory_space<vmem>>) offsets(%dma_start3A_71 : memref<128xi32, #tpu.memory_space<vmem>>) semaphore(%arg13 : memref<!tpu.dma_semaphore, #tpu.memory_space<semaphore_mem>>)
      } else {
      }
      "tpu.region"() ({
        %run_scoped3A = tpu.sem_alloc : memref<!tpu.dma_semaphore, #tpu.memory_space<semaphore_mem>>
        %dma_start3A_67 = arith.constant 0 : i32
        %dma_start3A_68 = tpu.memref_slice %arg8[%add3A_40, %dma_start3A_67] : memref<40x128xi32, #tpu.memory_space<vmem>> -> memref<1x128xi32, #tpu.memory_space<vmem>>
        %dma_start3A_69 = tpu.memref_squeeze %dma_start3A_68 : memref<1x128xi32, #tpu.memory_space<vmem>> -> memref<128xi32, #tpu.memory_space<vmem>>
        %dma_start3A_70 = arith.constant 0 : i32
        %dma_start3A_71 = arith.constant 0 : i32
        %dma_start3A_72 = tpu.memref_slice %arg11[%dma_start3A_70, %dma_start3A_71] : memref<10240x128xf32, #tpu.memory_space<vmem_shared>> -> memref<10240x128xf32, #tpu.memory_space<vmem_shared>>
        tpu.enqueue_indirect_dma source(%arg9 : memref<128x128xf32, #tpu.memory_space<vmem>>) target(%dma_start3A_72 : memref<10240x128xf32, #tpu.memory_space<vmem_shared>>) offsets(%dma_start3A_69 : memref<128xi32, #tpu.memory_space<vmem>>) semaphore(%run_scoped3A : memref<!tpu.dma_semaphore, #tpu.memory_space<semaphore_mem>>) {add = true}
        %dma_wait3A_73 = arith.constant 0 : i32
        %dma_wait3A_74 = tpu.memref_slice %arg8[%add3A_40, %dma_wait3A_73] : memref<40x128xi32, #tpu.memory_space<vmem>> -> memref<1x128xi32, #tpu.memory_space<vmem>>
        %dma_wait3A_75 = tpu.memref_squeeze %dma_wait3A_74 : memref<1x128xi32, #tpu.memory_space<vmem>> -> memref<128xi32, #tpu.memory_space<vmem>>
        %dma_wait3A_76 = arith.constant 0 : i32
        %dma_wait3A_77 = arith.constant 0 : i32
        %dma_wait3A_78 = tpu.memref_slice %arg11[%dma_wait3A_76, %dma_wait3A_77] : memref<10240x128xf32, #tpu.memory_space<vmem_shared>> -> memref<10240x128xf32, #tpu.memory_space<vmem_shared>>
        tpu.wait_indirect_dma semaphore(%run_scoped3A : memref<!tpu.dma_semaphore, #tpu.memory_space<semaphore_mem>>) src(%arg9 : memref<128x128xf32, #tpu.memory_space<vmem>>) dst(%dma_wait3A_78 : memref<10240x128xf32, #tpu.memory_space<vmem_shared>>)
        tpu.yield
      }) : () -> ()
      %mul3A_50 = arith.constant 2 : i32
      %mul3A_51 = arith.muli %scan3A_36, %mul3A_50 : i32
      %add3A_52 = arith.constant 1 : i32
      %add3A_53 = arith.addi %mul3A_51, %add3A_52 : i32
      %dma_wait3A_54 = arith.constant 0 : i32
      %dma_wait3A_55 = tpu.memref_slice %arg7[%add3A_53, %dma_wait3A_54] : memref<40x128xi32, #tpu.memory_space<vmem>> -> memref<1x128xi32, #tpu.memory_space<vmem>>
      %dma_wait3A_56 = tpu.memref_squeeze %dma_wait3A_55 : memref<1x128xi32, #tpu.memory_space<vmem>> -> memref<128xi32, #tpu.memory_space<vmem>>
      %dma_wait3A_57 = arith.constant 0 : i32
      %dma_wait3A_58 = arith.constant 0 : i32
      %dma_wait3A_59 = tpu.memref_slice %arg2[%dma_wait3A_57, %dma_wait3A_58] : memref<10240x128xf32, #tpu.memory_space<hbm>> -> memref<10240x128xf32, #tpu.memory_space<hbm>>
      tpu.wait_indirect_dma semaphore(%arg13 : memref<!tpu.dma_semaphore, #tpu.memory_space<semaphore_mem>>) src(%dma_wait3A_59 : memref<10240x128xf32, #tpu.memory_space<hbm>>) dst(%arg10 : memref<128x128xf32, #tpu.memory_space<vmem>>)
      %add3A_60 = arith.constant 1 : i32
      %add3A_61 = arith.addi %add3A_53, %add3A_60 : i32
      %lt3A_62 = arith.constant 40 : i32
      %lt3A_63 = arith.cmpi slt, %add3A_61, %lt3A_62 : i32
      %convert_element_type3A_64 = arith.extui %lt3A_63 : i1 to i32
      %cond3A_65 = arith.constant 0 : i32
      %cond3A_66 = arith.cmpi ne, %convert_element_type3A_64, %cond3A_65 : i32
      scf.if %cond3A_66 {
        %add3A_67 = arith.constant 1 : i32
        %add3A_68 = arith.addi %add3A_53, %add3A_67 : i32
        %dma_start3A_69 = arith.constant 0 : i32
        %dma_start3A_70 = tpu.memref_slice %arg7[%add3A_68, %dma_start3A_69] : memref<40x128xi32, #tpu.memory_space<vmem>> -> memref<1x128xi32, #tpu.memory_space<vmem>>
        %dma_start3A_71 = tpu.memref_squeeze %dma_start3A_70 : memref<1x128xi32, #tpu.memory_space<vmem>> -> memref<128xi32, #tpu.memory_space<vmem>>
        %dma_start3A_72 = arith.constant 0 : i32
        %dma_start3A_73 = arith.constant 0 : i32
        %dma_start3A_74 = tpu.memref_slice %arg2[%dma_start3A_72, %dma_start3A_73] : memref<10240x128xf32, #tpu.memory_space<hbm>> -> memref<10240x128xf32, #tpu.memory_space<hbm>>
        tpu.enqueue_indirect_dma source(%dma_start3A_74 : memref<10240x128xf32, #tpu.memory_space<hbm>>) target(%arg9 : memref<128x128xf32, #tpu.memory_space<vmem>>) offsets(%dma_start3A_71 : memref<128xi32, #tpu.memory_space<vmem>>) semaphore(%arg12 : memref<!tpu.dma_semaphore, #tpu.memory_space<semaphore_mem>>)
      } else {
      }
      "tpu.region"() ({
        %run_scoped3A = tpu.sem_alloc : memref<!tpu.dma_semaphore, #tpu.memory_space<semaphore_mem>>
        %dma_start3A_67 = arith.constant 0 : i32
        %dma_start3A_68 = tpu.memref_slice %arg8[%add3A_53, %dma_start3A_67] : memref<40x128xi32, #tpu.memory_space<vmem>> -> memref<1x128xi32, #tpu.memory_space<vmem>>
        %dma_start3A_69 = tpu.memref_squeeze %dma_start3A_68 : memref<1x128xi32, #tpu.memory_space<vmem>> -> memref<128xi32, #tpu.memory_space<vmem>>
        %dma_start3A_70 = arith.constant 0 : i32
        %dma_start3A_71 = arith.constant 0 : i32
        %dma_start3A_72 = tpu.memref_slice %arg11[%dma_start3A_70, %dma_start3A_71] : memref<10240x128xf32, #tpu.memory_space<vmem_shared>> -> memref<10240x128xf32, #tpu.memory_space<vmem_shared>>
        tpu.enqueue_indirect_dma source(%arg10 : memref<128x128xf32, #tpu.memory_space<vmem>>) target(%dma_start3A_72 : memref<10240x128xf32, #tpu.memory_space<vmem_shared>>) offsets(%dma_start3A_69 : memref<128xi32, #tpu.memory_space<vmem>>) semaphore(%run_scoped3A : memref<!tpu.dma_semaphore, #tpu.memory_space<semaphore_mem>>) {add = true}
        %dma_wait3A_73 = arith.constant 0 : i32
        %dma_wait3A_74 = tpu.memref_slice %arg8[%add3A_53, %dma_wait3A_73] : memref<40x128xi32, #tpu.memory_space<vmem>> -> memref<1x128xi32, #tpu.memory_space<vmem>>
        %dma_wait3A_75 = tpu.memref_squeeze %dma_wait3A_74 : memref<1x128xi32, #tpu.memory_space<vmem>> -> memref<128xi32, #tpu.memory_space<vmem>>
        %dma_wait3A_76 = arith.constant 0 : i32
        %dma_wait3A_77 = arith.constant 0 : i32
        %dma_wait3A_78 = tpu.memref_slice %arg11[%dma_wait3A_76, %dma_wait3A_77] : memref<10240x128xf32, #tpu.memory_space<vmem_shared>> -> memref<10240x128xf32, #tpu.memory_space<vmem_shared>>
        tpu.wait_indirect_dma semaphore(%run_scoped3A : memref<!tpu.dma_semaphore, #tpu.memory_space<semaphore_mem>>) src(%arg10 : memref<128x128xf32, #tpu.memory_space<vmem>>) dst(%dma_wait3A_78 : memref<10240x128xf32, #tpu.memory_space<vmem_shared>>)
        tpu.yield
      }) : () -> ()
    }
    %scan3A_17 = arith.constant 20 : i32
    %mul3A_18 = arith.constant 80 : i32
    %mul3A_19 = arith.muli %add3A, %mul3A_18 : i32
    %add3A_20 = arith.constant 40 : i32
    %add3A_21 = arith.addi %mul3A_19, %add3A_20 : i32
    "tpu.region"() ({
      %run_scoped3A = tpu.sem_alloc : memref<!tpu.dma_semaphore, #tpu.memory_space<semaphore_mem>>
      %dma_start3A_36 = arith.constant 0 : i32
      %dma_start3A_37 = tpu.memref_slice %arg3[%add3A_21, %dma_start3A_36] : memref<2560x128xi32, #tpu.memory_space<hbm>> -> memref<40x128xi32, #tpu.memory_space<hbm>>
      %dma_start3A_38 = arith.constant 0 : i32
      %dma_start3A_39 = tpu.memref_slice %arg3[%add3A_21, %dma_start3A_38] : memref<2560x128xi32, #tpu.memory_space<hbm>> -> memref<40x128xi32, #tpu.memory_space<hbm>>
      tpu.enqueue_dma source(%dma_start3A_39 : memref<40x128xi32, #tpu.memory_space<hbm>>) target(%arg7 : memref<40x128xi32, #tpu.memory_space<vmem>>) target_semaphore(%run_scoped3A : memref<!tpu.dma_semaphore, #tpu.memory_space<semaphore_mem>>)
      %dma_wait3A = arith.constant 0 : i32
      %dma_wait3A_40 = tpu.memref_slice %arg3[%add3A_21, %dma_wait3A] : memref<2560x128xi32, #tpu.memory_space<hbm>> -> memref<40x128xi32, #tpu.memory_space<hbm>>
      %dma_wait3A_41 = arith.constant 0 : i32
      %dma_wait3A_42 = tpu.memref_slice %arg3[%add3A_21, %dma_wait3A_41] : memref<2560x128xi32, #tpu.memory_space<hbm>> -> memref<40x128xi32, #tpu.memory_space<hbm>>
      tpu.wait_dma2 semaphore(%run_scoped3A : memref<!tpu.dma_semaphore, #tpu.memory_space<semaphore_mem>>) src(%dma_wait3A_42 : memref<40x128xi32, #tpu.memory_space<hbm>>) dst(%arg7 : memref<40x128xi32, #tpu.memory_space<vmem>>)
      tpu.yield
    }) : () -> ()
    "tpu.region"() ({
      %run_scoped3A = tpu.sem_alloc : memref<!tpu.dma_semaphore, #tpu.memory_space<semaphore_mem>>
      %dma_start3A_36 = arith.constant 0 : i32
      %dma_start3A_37 = tpu.memref_slice %arg4[%add3A_21, %dma_start3A_36] : memref<2560x128xi32, #tpu.memory_space<hbm>> -> memref<40x128xi32, #tpu.memory_space<hbm>>
      %dma_start3A_38 = arith.constant 0 : i32
      %dma_start3A_39 = tpu.memref_slice %arg4[%add3A_21, %dma_start3A_38] : memref<2560x128xi32, #tpu.memory_space<hbm>> -> memref<40x128xi32, #tpu.memory_space<hbm>>
      tpu.enqueue_dma source(%dma_start3A_39 : memref<40x128xi32, #tpu.memory_space<hbm>>) target(%arg8 : memref<40x128xi32, #tpu.memory_space<vmem>>) target_semaphore(%run_scoped3A : memref<!tpu.dma_semaphore, #tpu.memory_space<semaphore_mem>>)
      %dma_wait3A = arith.constant 0 : i32
      %dma_wait3A_40 = tpu.memref_slice %arg4[%add3A_21, %dma_wait3A] : memref<2560x128xi32, #tpu.memory_space<hbm>> -> memref<40x128xi32, #tpu.memory_space<hbm>>
      %dma_wait3A_41 = arith.constant 0 : i32
      %dma_wait3A_42 = tpu.memref_slice %arg4[%add3A_21, %dma_wait3A_41] : memref<2560x128xi32, #tpu.memory_space<hbm>> -> memref<40x128xi32, #tpu.memory_space<hbm>>
      tpu.wait_dma2 semaphore(%run_scoped3A : memref<!tpu.dma_semaphore, #tpu.memory_space<semaphore_mem>>) src(%dma_wait3A_42 : memref<40x128xi32, #tpu.memory_space<hbm>>) dst(%arg8 : memref<40x128xi32, #tpu.memory_space<vmem>>)
      tpu.yield
    }) : () -> ()
    %dma_start3A_22 = arith.constant 0 : i32
    %dma_start3A_23 = arith.constant 0 : i32
    %dma_start3A_24 = tpu.memref_slice %arg7[%dma_start3A_22, %dma_start3A_23] : memref<40x128xi32, #tpu.memory_space<vmem>> -> memref<1x128xi32, #tpu.memory_space<vmem>>
    %dma_start3A_25 = tpu.memref_squeeze %dma_start3A_24 : memref<1x128xi32, #tpu.memory_space<vmem>> -> memref<128xi32, #tpu.memory_space<vmem>>
    %dma_start3A_26 = arith.constant 0 : i32
    %dma_start3A_27 = arith.constant 0 : i32
    %dma_start3A_28 = tpu.memref_slice %arg2[%dma_start3A_26, %dma_start3A_27] : memref<10240x128xf32, #tpu.memory_space<hbm>> -> memref<10240x128xf32, #tpu.memory_space<hbm>>
    tpu.enqueue_indirect_dma source(%dma_start3A_28 : memref<10240x128xf32, #tpu.memory_space<hbm>>) target(%arg9 : memref<128x128xf32, #tpu.memory_space<vmem>>) offsets(%dma_start3A_25 : memref<128xi32, #tpu.memory_space<vmem>>) semaphore(%arg12 : memref<!tpu.dma_semaphore, #tpu.memory_space<semaphore_mem>>)
    %scan3A_29 = arith.constant 0 : i32
    %scan3A_30 = arith.constant 0 : i32
    %scan3A_31 = arith.constant 20 : i32
    %scan3A_32 = arith.addi %scan3A_30, %scan3A_31 : i32
    %scan3A_33 = arith.constant 1 : i32
    scf.for %scan3A_36 = %scan3A_30 to %scan3A_32 step %scan3A_33  : i32 {
      %mul3A_37 = arith.constant 2 : i32
      %mul3A_38 = arith.muli %scan3A_36, %mul3A_37 : i32
      %add3A_39 = arith.constant 0 : i32
      %add3A_40 = arith.addi %mul3A_38, %add3A_39 : i32
      %dma_wait3A = arith.constant 0 : i32
      %dma_wait3A_41 = tpu.memref_slice %arg7[%add3A_40, %dma_wait3A] : memref<40x128xi32, #tpu.memory_space<vmem>> -> memref<1x128xi32, #tpu.memory_space<vmem>>
      %dma_wait3A_42 = tpu.memref_squeeze %dma_wait3A_41 : memref<1x128xi32, #tpu.memory_space<vmem>> -> memref<128xi32, #tpu.memory_space<vmem>>
      %dma_wait3A_43 = arith.constant 0 : i32
      %dma_wait3A_44 = arith.constant 0 : i32
      %dma_wait3A_45 = tpu.memref_slice %arg2[%dma_wait3A_43, %dma_wait3A_44] : memref<10240x128xf32, #tpu.memory_space<hbm>> -> memref<10240x128xf32, #tpu.memory_space<hbm>>
      tpu.wait_indirect_dma semaphore(%arg12 : memref<!tpu.dma_semaphore, #tpu.memory_space<semaphore_mem>>) src(%dma_wait3A_45 : memref<10240x128xf32, #tpu.memory_space<hbm>>) dst(%arg9 : memref<128x128xf32, #tpu.memory_space<vmem>>)
      %add3A_46 = arith.constant 1 : i32
      %add3A_47 = arith.addi %add3A_40, %add3A_46 : i32
      %lt3A = arith.constant 40 : i32
      %lt3A_48 = arith.cmpi slt, %add3A_47, %lt3A : i32
      %convert_element_type3A = arith.extui %lt3A_48 : i1 to i32
      %cond3A = arith.constant 0 : i32
      %cond3A_49 = arith.cmpi ne, %convert_element_type3A, %cond3A : i32
      scf.if %cond3A_49 {
        %add3A_67 = arith.constant 1 : i32
        %add3A_68 = arith.addi %add3A_40, %add3A_67 : i32
        %dma_start3A_69 = arith.constant 0 : i32
        %dma_start3A_70 = tpu.memref_slice %arg7[%add3A_68, %dma_start3A_69] : memref<40x128xi32, #tpu.memory_space<vmem>> -> memref<1x128xi32, #tpu.memory_space<vmem>>
        %dma_start3A_71 = tpu.memref_squeeze %dma_start3A_70 : memref<1x128xi32, #tpu.memory_space<vmem>> -> memref<128xi32, #tpu.memory_space<vmem>>
        %dma_start3A_72 = arith.constant 0 : i32
        %dma_start3A_73 = arith.constant 0 : i32
        %dma_start3A_74 = tpu.memref_slice %arg2[%dma_start3A_72, %dma_start3A_73] : memref<10240x128xf32, #tpu.memory_space<hbm>> -> memref<10240x128xf32, #tpu.memory_space<hbm>>
        tpu.enqueue_indirect_dma source(%dma_start3A_74 : memref<10240x128xf32, #tpu.memory_space<hbm>>) target(%arg10 : memref<128x128xf32, #tpu.memory_space<vmem>>) offsets(%dma_start3A_71 : memref<128xi32, #tpu.memory_space<vmem>>) semaphore(%arg13 : memref<!tpu.dma_semaphore, #tpu.memory_space<semaphore_mem>>)
      } else {
      }
      "tpu.region"() ({
        %run_scoped3A = tpu.sem_alloc : memref<!tpu.dma_semaphore, #tpu.memory_space<semaphore_mem>>
        %dma_start3A_67 = arith.constant 0 : i32
        %dma_start3A_68 = tpu.memref_slice %arg8[%add3A_40, %dma_start3A_67] : memref<40x128xi32, #tpu.memory_space<vmem>> -> memref<1x128xi32, #tpu.memory_space<vmem>>
        %dma_start3A_69 = tpu.memref_squeeze %dma_start3A_68 : memref<1x128xi32, #tpu.memory_space<vmem>> -> memref<128xi32, #tpu.memory_space<vmem>>
        %dma_start3A_70 = arith.constant 0 : i32
        %dma_start3A_71 = arith.constant 0 : i32
        %dma_start3A_72 = tpu.memref_slice %arg11[%dma_start3A_70, %dma_start3A_71] : memref<10240x128xf32, #tpu.memory_space<vmem_shared>> -> memref<10240x128xf32, #tpu.memory_space<vmem_shared>>
        tpu.enqueue_indirect_dma source(%arg9 : memref<128x128xf32, #tpu.memory_space<vmem>>) target(%dma_start3A_72 : memref<10240x128xf32, #tpu.memory_space<vmem_shared>>) offsets(%dma_start3A_69 : memref<128xi32, #tpu.memory_space<vmem>>) semaphore(%run_scoped3A : memref<!tpu.dma_semaphore, #tpu.memory_space<semaphore_mem>>) {add = true}
        %dma_wait3A_73 = arith.constant 0 : i32
        %dma_wait3A_74 = tpu.memref_slice %arg8[%add3A_40, %dma_wait3A_73] : memref<40x128xi32, #tpu.memory_space<vmem>> -> memref<1x128xi32, #tpu.memory_space<vmem>>
        %dma_wait3A_75 = tpu.memref_squeeze %dma_wait3A_74 : memref<1x128xi32, #tpu.memory_space<vmem>> -> memref<128xi32, #tpu.memory_space<vmem>>
        %dma_wait3A_76 = arith.constant 0 : i32
        %dma_wait3A_77 = arith.constant 0 : i32
        %dma_wait3A_78 = tpu.memref_slice %arg11[%dma_wait3A_76, %dma_wait3A_77] : memref<10240x128xf32, #tpu.memory_space<vmem_shared>> -> memref<10240x128xf32, #tpu.memory_space<vmem_shared>>
        tpu.wait_indirect_dma semaphore(%run_scoped3A : memref<!tpu.dma_semaphore, #tpu.memory_space<semaphore_mem>>) src(%arg9 : memref<128x128xf32, #tpu.memory_space<vmem>>) dst(%dma_wait3A_78 : memref<10240x128xf32, #tpu.memory_space<vmem_shared>>)
        tpu.yield
      }) : () -> ()
      %mul3A_50 = arith.constant 2 : i32
      %mul3A_51 = arith.muli %scan3A_36, %mul3A_50 : i32
      %add3A_52 = arith.constant 1 : i32
      %add3A_53 = arith.addi %mul3A_51, %add3A_52 : i32
      %dma_wait3A_54 = arith.constant 0 : i32
      %dma_wait3A_55 = tpu.memref_slice %arg7[%add3A_53, %dma_wait3A_54] : memref<40x128xi32, #tpu.memory_space<vmem>> -> memref<1x128xi32, #tpu.memory_space<vmem>>
      %dma_wait3A_56 = tpu.memref_squeeze %dma_wait3A_55 : memref<1x128xi32, #tpu.memory_space<vmem>> -> memref<128xi32, #tpu.memory_space<vmem>>
      %dma_wait3A_57 = arith.constant 0 : i32
      %dma_wait3A_58 = arith.constant 0 : i32
      %dma_wait3A_59 = tpu.memref_slice %arg2[%dma_wait3A_57, %dma_wait3A_58] : memref<10240x128xf32, #tpu.memory_space<hbm>> -> memref<10240x128xf32, #tpu.memory_space<hbm>>
      tpu.wait_indirect_dma semaphore(%arg13 : memref<!tpu.dma_semaphore, #tpu.memory_space<semaphore_mem>>) src(%dma_wait3A_59 : memref<10240x128xf32, #tpu.memory_space<hbm>>) dst(%arg10 : memref<128x128xf32, #tpu.memory_space<vmem>>)
      %add3A_60 = arith.constant 1 : i32
      %add3A_61 = arith.addi %add3A_53, %add3A_60 : i32
      %lt3A_62 = arith.constant 40 : i32
      %lt3A_63 = arith.cmpi slt, %add3A_61, %lt3A_62 : i32
      %convert_element_type3A_64 = arith.extui %lt3A_63 : i1 to i32
      %cond3A_65 = arith.constant 0 : i32
      %cond3A_66 = arith.cmpi ne, %convert_element_type3A_64, %cond3A_65 : i32
      scf.if %cond3A_66 {
        %add3A_67 = arith.constant 1 : i32
        %add3A_68 = arith.addi %add3A_53, %add3A_67 : i32
        %dma_start3A_69 = arith.constant 0 : i32
        %dma_start3A_70 = tpu.memref_slice %arg7[%add3A_68, %dma_start3A_69] : memref<40x128xi32, #tpu.memory_space<vmem>> -> memref<1x128xi32, #tpu.memory_space<vmem>>
        %dma_start3A_71 = tpu.memref_squeeze %dma_start3A_70 : memref<1x128xi32, #tpu.memory_space<vmem>> -> memref<128xi32, #tpu.memory_space<vmem>>
        %dma_start3A_72 = arith.constant 0 : i32
        %dma_start3A_73 = arith.constant 0 : i32
        %dma_start3A_74 = tpu.memref_slice %arg2[%dma_start3A_72, %dma_start3A_73] : memref<10240x128xf32, #tpu.memory_space<hbm>> -> memref<10240x128xf32, #tpu.memory_space<hbm>>
        tpu.enqueue_indirect_dma source(%dma_start3A_74 : memref<10240x128xf32, #tpu.memory_space<hbm>>) target(%arg9 : memref<128x128xf32, #tpu.memory_space<vmem>>) offsets(%dma_start3A_71 : memref<128xi32, #tpu.memory_space<vmem>>) semaphore(%arg12 : memref<!tpu.dma_semaphore, #tpu.memory_space<semaphore_mem>>)
      } else {
      }
      "tpu.region"() ({
        %run_scoped3A = tpu.sem_alloc : memref<!tpu.dma_semaphore, #tpu.memory_space<semaphore_mem>>
        %dma_start3A_67 = arith.constant 0 : i32
        %dma_start3A_68 = tpu.memref_slice %arg8[%add3A_53, %dma_start3A_67] : memref<40x128xi32, #tpu.memory_space<vmem>> -> memref<1x128xi32, #tpu.memory_space<vmem>>
        %dma_start3A_69 = tpu.memref_squeeze %dma_start3A_68 : memref<1x128xi32, #tpu.memory_space<vmem>> -> memref<128xi32, #tpu.memory_space<vmem>>
        %dma_start3A_70 = arith.constant 0 : i32
        %dma_start3A_71 = arith.constant 0 : i32
        %dma_start3A_72 = tpu.memref_slice %arg11[%dma_start3A_70, %dma_start3A_71] : memref<10240x128xf32, #tpu.memory_space<vmem_shared>> -> memref<10240x128xf32, #tpu.memory_space<vmem_shared>>
        tpu.enqueue_indirect_dma source(%arg10 : memref<128x128xf32, #tpu.memory_space<vmem>>) target(%dma_start3A_72 : memref<10240x128xf32, #tpu.memory_space<vmem_shared>>) offsets(%dma_start3A_69 : memref<128xi32, #tpu.memory_space<vmem>>) semaphore(%run_scoped3A : memref<!tpu.dma_semaphore, #tpu.memory_space<semaphore_mem>>) {add = true}
        %dma_wait3A_73 = arith.constant 0 : i32
        %dma_wait3A_74 = tpu.memref_slice %arg8[%add3A_53, %dma_wait3A_73] : memref<40x128xi32, #tpu.memory_space<vmem>> -> memref<1x128xi32, #tpu.memory_space<vmem>>
        %dma_wait3A_75 = tpu.memref_squeeze %dma_wait3A_74 : memref<1x128xi32, #tpu.memory_space<vmem>> -> memref<128xi32, #tpu.memory_space<vmem>>
        %dma_wait3A_76 = arith.constant 0 : i32
        %dma_wait3A_77 = arith.constant 0 : i32
        %dma_wait3A_78 = tpu.memref_slice %arg11[%dma_wait3A_76, %dma_wait3A_77] : memref<10240x128xf32, #tpu.memory_space<vmem_shared>> -> memref<10240x128xf32, #tpu.memory_space<vmem_shared>>
        tpu.wait_indirect_dma semaphore(%run_scoped3A : memref<!tpu.dma_semaphore, #tpu.memory_space<semaphore_mem>>) src(%arg10 : memref<128x128xf32, #tpu.memory_space<vmem>>) dst(%dma_wait3A_78 : memref<10240x128xf32, #tpu.memory_space<vmem_shared>>)
        tpu.yield
      }) : () -> ()
    }
    %scan3A_34 = arith.constant 20 : i32
    %barrier3A_35 = arith.constant 0 : index
    tpu.barrier barrier_id(%barrier3A_35)
    "tpu.region"() ({
      %run_scoped3A = tpu.sem_alloc : memref<!tpu.dma_semaphore, #tpu.memory_space<semaphore_mem>>
      %dma_start3A_36 = arith.constant 0 : i32
      %dma_start3A_37 = tpu.memref_slice %arg6[%arg0, %mul3A_2, %dma_start3A_36] : memref<2x10240x128xf32, #tpu.memory_space<hbm>> -> memref<1x640x128xf32, #tpu.memory_space<hbm>>
      %dma_start3A_38 = tpu.memref_squeeze %dma_start3A_37 : memref<1x640x128xf32, #tpu.memory_space<hbm>> -> memref<640x128xf32, #tpu.memory_space<hbm>>
      %dma_start3A_39 = arith.constant 0 : i32
      %dma_start3A_40 = tpu.memref_slice %arg11[%mul3A_2, %dma_start3A_39] : memref<10240x128xf32, #tpu.memory_space<vmem_shared>> -> memref<640x128xf32, #tpu.memory_space<vmem_shared>>
      tpu.enqueue_dma source(%dma_start3A_40 : memref<640x128xf32, #tpu.memory_space<vmem_shared>>) target(%dma_start3A_38 : memref<640x128xf32, #tpu.memory_space<hbm>>) target_semaphore(%run_scoped3A : memref<!tpu.dma_semaphore, #tpu.memory_space<semaphore_mem>>)
      %dma_wait3A = arith.constant 0 : i32
      %dma_wait3A_41 = tpu.memref_slice %arg6[%arg0, %mul3A_2, %dma_wait3A] : memref<2x10240x128xf32, #tpu.memory_space<hbm>> -> memref<1x640x128xf32, #tpu.memory_space<hbm>>
      %dma_wait3A_42 = tpu.memref_squeeze %dma_wait3A_41 : memref<1x640x128xf32, #tpu.memory_space<hbm>> -> memref<640x128xf32, #tpu.memory_space<hbm>>
      %dma_wait3A_43 = arith.constant 0 : i32
      %dma_wait3A_44 = tpu.memref_slice %arg11[%mul3A_2, %dma_wait3A_43] : memref<10240x128xf32, #tpu.memory_space<vmem_shared>> -> memref<640x128xf32, #tpu.memory_space<vmem_shared>>
      tpu.wait_dma2 semaphore(%run_scoped3A : memref<!tpu.dma_semaphore, #tpu.memory_space<semaphore_mem>>) src(%dma_wait3A_44 : memref<640x128xf32, #tpu.memory_space<vmem_shared>>) dst(%dma_wait3A_42 : memref<640x128xf32, #tpu.memory_space<hbm>>)
      tpu.yield
    }) : () -> ()
    return
  }
}

module attributes {stable_mosaic.version = 14 : i64} {
  func.func @_fg_body(%arg0: memref<2x2x10240x16xf32, #tpu.memory_space<vmem>>, %arg1: memref<10240x1xf32, #tpu.memory_space<vmem>>, %arg2: memref<10240x1xf32, #tpu.memory_space<vmem>>) attributes {dimension_semantics = [], scalar_prefetch = 0 : i64, scratch_operands = 0 : i64, tpu.core_type = #tpu.core_type<tc>} {
    %get3A = arith.constant 0 : index
    %get3A_0 = arith.constant 0 : index
    %get3A_1 = arith.constant 0 : index
    %get3A_2 = arith.constant 0 : index
    %get3A_3 = vector.load %arg0[%get3A, %get3A_0, %get3A_1, %get3A_2] : memref<2x2x10240x16xf32, #tpu.memory_space<vmem>>, vector<1x1x10240x1xf32>
    %get3A_4 = vector.shape_cast %get3A_3 : vector<1x1x10240x1xf32> to vector<10240x1xf32>
    %get3A_5 = arith.constant 1 : index
    %get3A_6 = arith.constant 0 : index
    %get3A_7 = arith.constant 0 : index
    %get3A_8 = arith.constant 0 : index
    %get3A_9 = vector.load %arg0[%get3A_5, %get3A_6, %get3A_7, %get3A_8] : memref<2x2x10240x16xf32, #tpu.memory_space<vmem>>, vector<1x1x10240x1xf32>
    %get3A_10 = vector.shape_cast %get3A_9 : vector<1x1x10240x1xf32> to vector<10240x1xf32>
    %add3A = arith.addf %get3A_4, %get3A_10 : vector<10240x1xf32>
    %get3A_11 = arith.constant 0 : index
    %get3A_12 = arith.constant 1 : index
    %get3A_13 = arith.constant 0 : index
    %get3A_14 = arith.constant 0 : index
    %get3A_15 = vector.load %arg0[%get3A_11, %get3A_12, %get3A_13, %get3A_14] : memref<2x2x10240x16xf32, #tpu.memory_space<vmem>>, vector<1x1x10240x1xf32>
    %get3A_16 = vector.shape_cast %get3A_15 : vector<1x1x10240x1xf32> to vector<10240x1xf32>
    %get3A_17 = arith.constant 1 : index
    %get3A_18 = arith.constant 1 : index
    %get3A_19 = arith.constant 0 : index
    %get3A_20 = arith.constant 0 : index
    %get3A_21 = vector.load %arg0[%get3A_17, %get3A_18, %get3A_19, %get3A_20] : memref<2x2x10240x16xf32, #tpu.memory_space<vmem>>, vector<1x1x10240x1xf32>
    %get3A_22 = vector.shape_cast %get3A_21 : vector<1x1x10240x1xf32> to vector<10240x1xf32>
    %add3A_23 = arith.addf %get3A_16, %get3A_22 : vector<10240x1xf32>
    %iota3A = tpu.iota {dimensions = array<i32: 0>} : vector<10240x1xi32>
    %lt3A = arith.constant 10000 : i32
    %lt3A_24 = vector.broadcast %lt3A : i32 to vector<10240x1xi32>
    %lt3A_25 = arith.cmpi slt, %iota3A, %lt3A_24 : vector<10240x1xi32>
    %max3A = arith.constant 1.000000e+00 : f32
    %max3A_26 = vector.broadcast %max3A : f32 to vector<10240x1xf32>
    %max3A_27 = arith.maximumf %add3A, %max3A_26 : vector<10240x1xf32>
    %rsqrt3A = math.rsqrt %max3A_27 : vector<10240x1xf32>
    %jit3A = arith.constant 0.000000e+00 : f32
    %broadcast_in_dim3A = vector.broadcast %jit3A : f32 to vector<10240x1xf32>
    %select_n3A = arith.select %lt3A_25, %rsqrt3A, %broadcast_in_dim3A : vector<10240x1xi1>, vector<10240x1xf32>
    %swap3A = arith.constant 0 : index
    %swap3A_28 = arith.constant 0 : index
    %swap3A_29 = vector.load %arg1[%swap3A, %swap3A_28] : memref<10240x1xf32, #tpu.memory_space<vmem>>, vector<10240x1xf32>
    tpu.vector_store %arg1[%swap3A, %swap3A_28], %select_n3A {strides = array<i32>} : memref<10240x1xf32, #tpu.memory_space<vmem>>, vector<10240x1xf32>,
    %max3A_30 = arith.constant 1.000000e+00 : f32
    %max3A_31 = vector.broadcast %max3A_30 : f32 to vector<10240x1xf32>
    %max3A_32 = arith.maximumf %add3A_23, %max3A_31 : vector<10240x1xf32>
    %rsqrt3A_33 = math.rsqrt %max3A_32 : vector<10240x1xf32>
    %jit3A_34 = arith.constant 0.000000e+00 : f32
    %broadcast_in_dim3A_35 = vector.broadcast %jit3A_34 : f32 to vector<10240x1xf32>
    %select_n3A_36 = arith.select %lt3A_25, %rsqrt3A_33, %broadcast_in_dim3A_35 : vector<10240x1xi1>, vector<10240x1xf32>
    %swap3A_37 = arith.constant 0 : index
    %swap3A_38 = arith.constant 0 : index
    %swap3A_39 = vector.load %arg2[%swap3A_37, %swap3A_38] : memref<10240x1xf32, #tpu.memory_space<vmem>>, vector<10240x1xf32>
    tpu.vector_store %arg2[%swap3A_37, %swap3A_38], %select_n3A_36 {strides = array<i32>} : memref<10240x1xf32, #tpu.memory_space<vmem>>, vector<10240x1xf32>,
    return
  }
}

module attributes {stable_mosaic.version = 14 : i64} {
  func.func @_scale_body(%arg0: i32, %arg1: memref<2048x128xf32, #tpu.memory_space<vmem>>, %arg2: memref<2048x1xf32, #tpu.memory_space<vmem>>, %arg3: memref<2048x128xf32, #tpu.memory_space<vmem>>) attributes {dimension_semantics = [#tpu.dimension_semantics<arbitrary>], iteration_bounds = array<i64: 5>, scalar_prefetch = 0 : i64, scratch_operands = 0 : i64, tpu.core_type = #tpu.core_type<tc>, window_params = [{transform_indices = @transform_0, window_bounds = array<i64: 2048, 128>}, {transform_indices = @transform_1, window_bounds = array<i64: 2048, 1>}, {transform_indices = @transform_2, window_bounds = array<i64: 2048, 128>}]} {
    %get3A = arith.constant 0 : index
    %get3A_0 = arith.constant 0 : index
    %get3A_1 = vector.load %arg1[%get3A, %get3A_0] : memref<2048x128xf32, #tpu.memory_space<vmem>>, vector<2048x128xf32>
    %get3A_2 = arith.constant 0 : index
    %get3A_3 = arith.constant 0 : index
    %get3A_4 = vector.load %arg2[%get3A_2, %get3A_3] : memref<2048x1xf32, #tpu.memory_space<vmem>>, vector<2048x1xf32>
    %mul3A = vector.broadcast %get3A_4 : vector<2048x1xf32> to vector<2048x128xf32>
    %mul3A_5 = arith.mulf %get3A_1, %mul3A : vector<2048x128xf32>
    %swap3A = arith.constant 0 : index
    %swap3A_6 = arith.constant 0 : index
    %swap3A_7 = vector.load %arg3[%swap3A, %swap3A_6] : memref<2048x128xf32, #tpu.memory_space<vmem>>, vector<2048x128xf32>
    tpu.vector_store %arg3[%swap3A, %swap3A_6], %mul3A_5 {strides = array<i32>} : memref<2048x128xf32, #tpu.memory_space<vmem>>, vector<2048x128xf32>,
    return
  }
  func.func @transform_0(%arg0: i32) -> (i32, i32) {
    %c0_i32 = arith.constant 0 : i32
    %c0_i32_0 = arith.constant 0 : i32
    return %arg0, %c0_i32 : i32, i32
  }
  func.func @transform_1(%arg0: i32) -> (i32, i32) {
    %c0_i32 = arith.constant 0 : i32
    %c0_i32_0 = arith.constant 0 : i32
    return %arg0, %c0_i32 : i32, i32
  }
  func.func @transform_2(%arg0: i32) -> (i32, i32) {
    %c0_i32 = arith.constant 0 : i32
    %c0_i32_0 = arith.constant 0 : i32
    return %arg0, %c0_i32 : i32, i32
  }
}

module attributes {stable_mosaic.version = 14 : i64} {
  func.func @_lin_body(%arg0: i32, %arg1: memref<2x2048x128xf32, #tpu.memory_space<vmem>>, %arg2: memref<2048x1xf32, #tpu.memory_space<vmem>>, %arg3: memref<2048x1xf32, #tpu.memory_space<vmem>>, %arg4: memref<128x128xf32, #tpu.memory_space<vmem>>, %arg5: memref<1x128xf32, #tpu.memory_space<vmem>>, %arg6: memref<2048x128xf32, #tpu.memory_space<vmem>>) attributes {dimension_semantics = [#tpu.dimension_semantics<arbitrary>], iteration_bounds = array<i64: 5>, scalar_prefetch = 0 : i64, scratch_operands = 0 : i64, tpu.core_type = #tpu.core_type<tc>, window_params = [{transform_indices = @transform_0, window_bounds = array<i64: 2, 2048, 128>}, {transform_indices = @transform_1, window_bounds = array<i64: 2048, 1>}, {transform_indices = @transform_2, window_bounds = array<i64: 2048, 1>}, {pipeline_mode = #tpu.pipeline_mode<synchronous>, transform_indices = @transform_3, window_bounds = array<i64: 128, 128>}, {pipeline_mode = #tpu.pipeline_mode<synchronous>, transform_indices = @transform_4, window_bounds = array<i64: 1, 128>}, {transform_indices = @transform_5, window_bounds = array<i64: 2048, 128>}]} {
    %get3A = arith.constant 0 : index
    %get3A_0 = arith.constant 0 : index
    %get3A_1 = arith.constant 0 : index
    %get3A_2 = vector.load %arg1[%get3A, %get3A_0, %get3A_1] : memref<2x2048x128xf32, #tpu.memory_space<vmem>>, vector<1x2048x128xf32>
    %get3A_3 = vector.shape_cast %get3A_2 : vector<1x2048x128xf32> to vector<2048x128xf32>
    %get3A_4 = arith.constant 1 : index
    %get3A_5 = arith.constant 0 : index
    %get3A_6 = arith.constant 0 : index
    %get3A_7 = vector.load %arg1[%get3A_4, %get3A_5, %get3A_6] : memref<2x2048x128xf32, #tpu.memory_space<vmem>>, vector<1x2048x128xf32>
    %get3A_8 = vector.shape_cast %get3A_7 : vector<1x2048x128xf32> to vector<2048x128xf32>
    %add3A = arith.addf %get3A_3, %get3A_8 : vector<2048x128xf32>
    %get3A_9 = arith.constant 0 : index
    %get3A_10 = arith.constant 0 : index
    %get3A_11 = vector.load %arg2[%get3A_9, %get3A_10] : memref<2048x1xf32, #tpu.memory_space<vmem>>, vector<2048x1xf32>
    %mul3A = vector.broadcast %get3A_11 : vector<2048x1xf32> to vector<2048x128xf32>
    %mul3A_12 = arith.mulf %add3A, %mul3A : vector<2048x128xf32>
    %get3A_13 = arith.constant 0 : index
    %get3A_14 = arith.constant 0 : index
    %get3A_15 = vector.load %arg4[%get3A_13, %get3A_14] : memref<128x128xf32, #tpu.memory_space<vmem>>, vector<128x128xf32>
    %dot_general3A = arith.constant dense<0.000000e+00> : vector<2048x128xf32>
    %dot_general3A_16 = tpu.matmul %mul3A_12, %get3A_15, %dot_general3A {dimension_numbers = #tpu.dot_dimension_numbers<[1], [0], [0], [1], [0, 0, 1, 1], [], []>, transpose_lhs_hint = false} : vector<2048x128xf32>, vector<128x128xf32>, vector<2048x128xf32> -> vector<2048x128xf32>
    %get3A_17 = arith.constant 0 : index
    %get3A_18 = arith.constant 0 : index
    %get3A_19 = vector.load %arg5[%get3A_17, %get3A_18] : memref<1x128xf32, #tpu.memory_space<vmem>>, vector<1x128xf32>
    %add3A_20 = vector.broadcast %get3A_19 : vector<1x128xf32> to vector<2048x128xf32>
    %add3A_21 = arith.addf %dot_general3A_16, %add3A_20 : vector<2048x128xf32>
    %max3A = arith.constant 0.000000e+00 : f32
    %max3A_22 = vector.broadcast %max3A : f32 to vector<2048x128xf32>
    %max3A_23 = arith.maximumf %add3A_21, %max3A_22 : vector<2048x128xf32>
    %get3A_24 = arith.constant 0 : index
    %get3A_25 = arith.constant 0 : index
    %get3A_26 = vector.load %arg3[%get3A_24, %get3A_25] : memref<2048x1xf32, #tpu.memory_space<vmem>>, vector<2048x1xf32>
    %mul3A_27 = vector.broadcast %get3A_26 : vector<2048x1xf32> to vector<2048x128xf32>
    %mul3A_28 = arith.mulf %max3A_23, %mul3A_27 : vector<2048x128xf32>
    %swap3A = arith.constant 0 : index
    %swap3A_29 = arith.constant 0 : index
    %swap3A_30 = vector.load %arg6[%swap3A, %swap3A_29] : memref<2048x128xf32, #tpu.memory_space<vmem>>, vector<2048x128xf32>
    tpu.vector_store %arg6[%swap3A, %swap3A_29], %mul3A_28 {strides = array<i32>} : memref<2048x128xf32, #tpu.memory_space<vmem>>, vector<2048x128xf32>,
    return
  }
  func.func @transform_0(%arg0: i32) -> (i32, i32, i32) {
    %c0_i32 = arith.constant 0 : i32
    %c0_i32_0 = arith.constant 0 : i32
    %c0_i32_1 = arith.constant 0 : i32
    return %c0_i32, %arg0, %c0_i32_0 : i32, i32, i32
  }
  func.func @transform_1(%arg0: i32) -> (i32, i32) {
    %c0_i32 = arith.constant 0 : i32
    %c0_i32_0 = arith.constant 0 : i32
    return %arg0, %c0_i32 : i32, i32
  }
  func.func @transform_2(%arg0: i32) -> (i32, i32) {
    %c0_i32 = arith.constant 0 : i32
    %c0_i32_0 = arith.constant 0 : i32
    return %arg0, %c0_i32 : i32, i32
  }
  func.func @transform_3(%arg0: i32) -> (i32, i32) {
    %c0_i32 = arith.constant 0 : i32
    %c0_i32_0 = arith.constant 0 : i32
    %c0_i32_1 = arith.constant 0 : i32
    return %c0_i32, %c0_i32_0 : i32, i32
  }
  func.func @transform_4(%arg0: i32) -> (i32, i32) {
    %c0_i32 = arith.constant 0 : i32
    %c0_i32_0 = arith.constant 0 : i32
    %c0_i32_1 = arith.constant 0 : i32
    return %c0_i32, %c0_i32_0 : i32, i32
  }
  func.func @transform_5(%arg0: i32) -> (i32, i32) {
    %c0_i32 = arith.constant 0 : i32
    %c0_i32_0 = arith.constant 0 : i32
    return %arg0, %c0_i32 : i32, i32
  }
}

module attributes {stable_mosaic.version = 14 : i64} {
  func.func @_lin_body(%arg0: i32, %arg1: memref<2x2048x128xf32, #tpu.memory_space<vmem>>, %arg2: memref<2048x1xf32, #tpu.memory_space<vmem>>, %arg3: memref<2048x1xf32, #tpu.memory_space<vmem>>, %arg4: memref<128x64xf32, #tpu.memory_space<vmem>>, %arg5: memref<1x64xf32, #tpu.memory_space<vmem>>, %arg6: memref<2048x64xf32, #tpu.memory_space<vmem>>) attributes {dimension_semantics = [#tpu.dimension_semantics<arbitrary>], iteration_bounds = array<i64: 5>, scalar_prefetch = 0 : i64, scratch_operands = 0 : i64, tpu.core_type = #tpu.core_type<tc>, window_params = [{transform_indices = @transform_0, window_bounds = array<i64: 2, 2048, 128>}, {transform_indices = @transform_1, window_bounds = array<i64: 2048, 1>}, {transform_indices = @transform_2, window_bounds = array<i64: 2048, 1>}, {pipeline_mode = #tpu.pipeline_mode<synchronous>, transform_indices = @transform_3, window_bounds = array<i64: 128, 64>}, {pipeline_mode = #tpu.pipeline_mode<synchronous>, transform_indices = @transform_4, window_bounds = array<i64: 1, 64>}, {transform_indices = @transform_5, window_bounds = array<i64: 2048, 64>}]} {
    %get3A = arith.constant 0 : index
    %get3A_0 = arith.constant 0 : index
    %get3A_1 = arith.constant 0 : index
    %get3A_2 = vector.load %arg1[%get3A, %get3A_0, %get3A_1] : memref<2x2048x128xf32, #tpu.memory_space<vmem>>, vector<1x2048x128xf32>
    %get3A_3 = vector.shape_cast %get3A_2 : vector<1x2048x128xf32> to vector<2048x128xf32>
    %get3A_4 = arith.constant 1 : index
    %get3A_5 = arith.constant 0 : index
    %get3A_6 = arith.constant 0 : index
    %get3A_7 = vector.load %arg1[%get3A_4, %get3A_5, %get3A_6] : memref<2x2048x128xf32, #tpu.memory_space<vmem>>, vector<1x2048x128xf32>
    %get3A_8 = vector.shape_cast %get3A_7 : vector<1x2048x128xf32> to vector<2048x128xf32>
    %add3A = arith.addf %get3A_3, %get3A_8 : vector<2048x128xf32>
    %get3A_9 = arith.constant 0 : index
    %get3A_10 = arith.constant 0 : index
    %get3A_11 = vector.load %arg2[%get3A_9, %get3A_10] : memref<2048x1xf32, #tpu.memory_space<vmem>>, vector<2048x1xf32>
    %mul3A = vector.broadcast %get3A_11 : vector<2048x1xf32> to vector<2048x128xf32>
    %mul3A_12 = arith.mulf %add3A, %mul3A : vector<2048x128xf32>
    %get3A_13 = arith.constant 0 : index
    %get3A_14 = arith.constant 0 : index
    %get3A_15 = vector.load %arg4[%get3A_13, %get3A_14] : memref<128x64xf32, #tpu.memory_space<vmem>>, vector<128x64xf32>
    %dot_general3A = arith.constant dense<0.000000e+00> : vector<2048x64xf32>
    %dot_general3A_16 = tpu.matmul %mul3A_12, %get3A_15, %dot_general3A {dimension_numbers = #tpu.dot_dimension_numbers<[1], [0], [0], [1], [0, 0, 1, 1], [], []>, transpose_lhs_hint = false} : vector<2048x128xf32>, vector<128x64xf32>, vector<2048x64xf32> -> vector<2048x64xf32>
    %get3A_17 = arith.constant 0 : index
    %get3A_18 = arith.constant 0 : index
    %get3A_19 = vector.load %arg5[%get3A_17, %get3A_18] : memref<1x64xf32, #tpu.memory_space<vmem>>, vector<1x64xf32>
    %add3A_20 = vector.broadcast %get3A_19 : vector<1x64xf32> to vector<2048x64xf32>
    %add3A_21 = arith.addf %dot_general3A_16, %add3A_20 : vector<2048x64xf32>
    %get3A_22 = arith.constant 0 : index
    %get3A_23 = arith.constant 0 : index
    %get3A_24 = vector.load %arg3[%get3A_22, %get3A_23] : memref<2048x1xf32, #tpu.memory_space<vmem>>, vector<2048x1xf32>
    %mul3A_25 = vector.broadcast %get3A_24 : vector<2048x1xf32> to vector<2048x64xf32>
    %mul3A_26 = arith.mulf %add3A_21, %mul3A_25 : vector<2048x64xf32>
    %swap3A = arith.constant 0 : index
    %swap3A_27 = arith.constant 0 : index
    %swap3A_28 = vector.load %arg6[%swap3A, %swap3A_27] : memref<2048x64xf32, #tpu.memory_space<vmem>>, vector<2048x64xf32>
    tpu.vector_store %arg6[%swap3A, %swap3A_27], %mul3A_26 {strides = array<i32>} : memref<2048x64xf32, #tpu.memory_space<vmem>>, vector<2048x64xf32>,
    return
  }
  func.func @transform_0(%arg0: i32) -> (i32, i32, i32) {
    %c0_i32 = arith.constant 0 : i32
    %c0_i32_0 = arith.constant 0 : i32
    %c0_i32_1 = arith.constant 0 : i32
    return %c0_i32, %arg0, %c0_i32_0 : i32, i32, i32
  }
  func.func @transform_1(%arg0: i32) -> (i32, i32) {
    %c0_i32 = arith.constant 0 : i32
    %c0_i32_0 = arith.constant 0 : i32
    return %arg0, %c0_i32 : i32, i32
  }
  func.func @transform_2(%arg0: i32) -> (i32, i32) {
    %c0_i32 = arith.constant 0 : i32
    %c0_i32_0 = arith.constant 0 : i32
    return %arg0, %c0_i32 : i32, i32
  }
  func.func @transform_3(%arg0: i32) -> (i32, i32) {
    %c0_i32 = arith.constant 0 : i32
    %c0_i32_0 = arith.constant 0 : i32
    %c0_i32_1 = arith.constant 0 : i32
    return %c0_i32, %c0_i32_0 : i32, i32
  }
  func.func @transform_4(%arg0: i32) -> (i32, i32) {
    %c0_i32 = arith.constant 0 : i32
    %c0_i32_0 = arith.constant 0 : i32
    %c0_i32_1 = arith.constant 0 : i32
    return %c0_i32, %c0_i32_0 : i32, i32
  }
  func.func @transform_5(%arg0: i32) -> (i32, i32) {
    %c0_i32 = arith.constant 0 : i32
    %c0_i32_0 = arith.constant 0 : i32
    return %arg0, %c0_i32 : i32, i32
  }
}

module attributes {stable_mosaic.version = 14 : i64} {
  func.func @_final_body(%arg0: i32, %arg1: memref<2x1000x64xf32, #tpu.memory_space<vmem>>, %arg2: memref<1000x1xf32, #tpu.memory_space<vmem>>, %arg3: memref<1000x40xf32, #tpu.memory_space<vmem>>, %arg4: memref<1000x40xf32, #tpu.memory_space<vmem>>) attributes {dimension_semantics = [#tpu.dimension_semantics<arbitrary>], iteration_bounds = array<i64: 10>, scalar_prefetch = 0 : i64, scratch_operands = 0 : i64, tpu.core_type = #tpu.core_type<tc>, window_params = [{transform_indices = @transform_0, window_bounds = array<i64: 2, 1000, 64>}, {transform_indices = @transform_1, window_bounds = array<i64: 1000, 1>}, {transform_indices = @transform_2, window_bounds = array<i64: 1000, 40>}, {transform_indices = @transform_3, window_bounds = array<i64: 1000, 40>}]} {
    %get3A = arith.constant 0 : index
    %get3A_0 = arith.constant 0 : index
    %get3A_1 = arith.constant 0 : index
    %get3A_2 = vector.load %arg1[%get3A, %get3A_0, %get3A_1] : memref<2x1000x64xf32, #tpu.memory_space<vmem>>, vector<1x1000x64xf32>
    %get3A_3 = vector.shape_cast %get3A_2 : vector<1x1000x64xf32> to vector<1000x64xf32>
    %get3A_4 = arith.constant 1 : index
    %get3A_5 = arith.constant 0 : index
    %get3A_6 = arith.constant 0 : index
    %get3A_7 = vector.load %arg1[%get3A_4, %get3A_5, %get3A_6] : memref<2x1000x64xf32, #tpu.memory_space<vmem>>, vector<1x1000x64xf32>
    %get3A_8 = vector.shape_cast %get3A_7 : vector<1x1000x64xf32> to vector<1000x64xf32>
    %add3A = arith.addf %get3A_3, %get3A_8 : vector<1000x64xf32>
    %get3A_9 = arith.constant 0 : index
    %get3A_10 = arith.constant 0 : index
    %get3A_11 = vector.load %arg2[%get3A_9, %get3A_10] : memref<1000x1xf32, #tpu.memory_space<vmem>>, vector<1000x1xf32>
    %mul3A = vector.broadcast %get3A_11 : vector<1000x1xf32> to vector<1000x64xf32>
    %mul3A_12 = arith.mulf %add3A, %mul3A : vector<1000x64xf32>
    %slice3A = vector.extract_strided_slice %mul3A_12 {offsets = [0, 0], sizes = [1000, 40], strides = [1, 1]} : vector<1000x64xf32> to vector<1000x40xf32>
    %reduce_max3A = arith.constant dense<0xFF800000> : vector<1000xf32>
    %reduce_max3A_13 = vector.multi_reduction <maximumf>, %slice3A, %reduce_max3A [1] : vector<1000x40xf32> to vector<1000xf32>
    %broadcast_in_dim3A = vector.shape_cast %reduce_max3A_13 : vector<1000xf32> to vector<1000x1xf32>
    %sub3A = vector.broadcast %broadcast_in_dim3A : vector<1000x1xf32> to vector<1000x40xf32>
    %sub3A_14 = arith.subf %slice3A, %sub3A : vector<1000x40xf32>
    %exp3A = math.exp %sub3A_14 : vector<1000x40xf32>
    %reduce_sum3A = arith.constant dense<0.000000e+00> : vector<1000xf32>
    %reduce_sum3A_15 = vector.multi_reduction <add>, %exp3A, %reduce_sum3A [1] : vector<1000x40xf32> to vector<1000xf32>
    %broadcast_in_dim3A_16 = vector.shape_cast %reduce_sum3A_15 : vector<1000xf32> to vector<1000x1xf32>
    %log3A = math.log %broadcast_in_dim3A_16 : vector<1000x1xf32>
    %add3A_17 = arith.addf %log3A, %broadcast_in_dim3A : vector<1000x1xf32>
    %swap3A = arith.constant 0 : index
    %swap3A_18 = arith.constant 0 : index
    %swap3A_19 = vector.load %arg4[%swap3A, %swap3A_18] : memref<1000x40xf32, #tpu.memory_space<vmem>>, vector<1000x40xf32>
    tpu.vector_store %arg4[%swap3A, %swap3A_18], %slice3A {strides = array<i32>} : memref<1000x40xf32, #tpu.memory_space<vmem>>, vector<1000x40xf32>,
    %sub3A_20 = vector.broadcast %add3A_17 : vector<1000x1xf32> to vector<1000x40xf32>
    %sub3A_21 = arith.subf %slice3A, %sub3A_20 : vector<1000x40xf32>
    %swap3A_22 = arith.constant 0 : index
    %swap3A_23 = arith.constant 0 : index
    %swap3A_24 = vector.load %arg3[%swap3A_22, %swap3A_23] : memref<1000x40xf32, #tpu.memory_space<vmem>>, vector<1000x40xf32>
    tpu.vector_store %arg3[%swap3A_22, %swap3A_23], %sub3A_21 {strides = array<i32>} : memref<1000x40xf32, #tpu.memory_space<vmem>>, vector<1000x40xf32>,
    return
  }
  func.func @transform_0(%arg0: i32) -> (i32, i32, i32) {
    %c0_i32 = arith.constant 0 : i32
    %c0_i32_0 = arith.constant 0 : i32
    %c0_i32_1 = arith.constant 0 : i32
    return %c0_i32, %arg0, %c0_i32_0 : i32, i32, i32
  }
  func.func @transform_1(%arg0: i32) -> (i32, i32) {
    %c0_i32 = arith.constant 0 : i32
    %c0_i32_0 = arith.constant 0 : i32
    return %arg0, %c0_i32 : i32, i32
  }
  func.func @transform_2(%arg0: i32) -> (i32, i32) {
    %c0_i32 = arith.constant 0 : i32
    %c0_i32_0 = arith.constant 0 : i32
    return %arg0, %c0_i32 : i32, i32
  }
  func.func @transform_3(%arg0: i32) -> (i32, i32) {
    %c0_i32 = arith.constant 0 : i32
    %c0_i32_0 = arith.constant 0 : i32
    return %arg0, %c0_i32 : i32, i32
  }
}

</mosaic_0001>

<sc_bundles>
// kernel: kernel.11.cloned.1.call-start
scs
__scs_entry_jumppad:
0x0: {  	(pc) =	sbr.rel $0x88, $3  }
0x1: {  	(tag) =	ssettag $0x0;
	lr =	simm.s32 $0x1  }
0x2: {  	[smem:$0x3F9B] =	sst lr;
	_ =	strace $0xD0000000  }
0x3: {  	_ = 	snop  }
0x4: {  	_ = 	snop  }
0x5: {  	_ = 	snop  }
0x6: {  	_ = 	snop  }
0x7: {  	_ = 	snop  }
__scs_overlays_trampoline_lowered:
0x8: {  	[smem:$0x3FAA] =	sst s0  }
0x9: {  	[smem:$0x3FAB] =	sst s1  }
0xa: {  	[smem:$0x3FAC] =	sst s2  }
0xb: {  	[smem:$0x3FAD] =	sst s3  }
0xc: {  	[smem:$0x3FAE] =	sst s4  }
0xd: {  	[smem:$0x3FAF] =	sst s5  }
0xe: {  	[smem:$0x3FB0] =	sst s6  }
0xf: {  	[smem:$0x3FB1] =	sst s7  }
0x10: {  	[smem:$0x3FB2] =	sst s8  }
0x11: {  	[smem:$0x3FB3] =	sst s9;
	s0 =	simm.s32 @!p0 $0x0  }
0x12: {  	s1 =	sld [smem:$0x3F99];
	s0 =	simm.s32 @p0 $0x1  }
0x13: {  	[smem:$0x3FB4] =	sst s0;
	s0 =	simm.s32 @!p1 $0x0  }
0x14: {  	s2 =	sld [smem:$0x3F98];
	s0 =	simm.s32 @p1 $0x1  }
0x15: {  	[smem:$0x3FB5] =	sst s0;
	s0 =	simm.s32 @!p2 $0x0  }
0x16: {  	s3 =	sld [smem:$0x3FDB];
	s0 =	simm.s32 @p2 $0x1  }
0x17: {  	s4 =	simm.s32 $0x1BF5;
	[smem:$0x3FB7] =	sst s0  }
0x18: {  	s0 =	sld [smem:$0x3F9A];
	_ =	swait.ge [sflag:s4], $0x0  }
0x19: {  	s7 =	sld [smem:$0x3F9B]  }
0x1a: {  	s8 =	sadd.s32 $0xFFFFE003, lr  }
0x1b: {  	s9 =	sadd.s32 $0xFFFFFEF7, lr;
	s5 =	simm.s32 $0xFFFFFFFF;
	p2 =	slt.u32 s8, $0xFFFFF086  }
0x1c: {  	p1 =	slt.u32 s9, $0xF7A;
	s5 =	simm.s32 @!p2 $0x0  }
0x1d: {  	s5 =	simm.s32 @p1 $0x1;
	p0 =	seq.s32 s7, s2  }
0x1e: {  	s7 =	smul.u32 @!p0 $0xF7A, s2;
	p2 =	seq.s32 @!p0 s5, $0x0  }
0x1f: {  	s9 =	smul.u32 $0xF7A, s1;
	s8 =	simm.s32 @!p0 $0x1BF5;
	p2 =	por !p2, p0  }
0x20: {  	[sflag:s8] =	ssyncset.s32 @!p0 $0xFFFFF086;
	s6 =	sadd.s32 @!p0 s3, s7;
	s7 =	simm.s32 @!p0 $0x108  }
0x21: {  	s3 =	sadd.s32 s3, s9;
	s6 =	sadd.s32 @!p0 $0x88, s6;
	s7 =	simm.s32 @p2 $0x1082  }
0x22: {  	[simem:s7], [sflag:s8] =	dma.local @!p0 [hbm:s6], $0xF7A  }
0x23: {  	s9 =	sor.u32 $0xD0000000, s2;
	s6 =	simm.s32 $0x108;
	_ =	swait.ge @!p0 [sflag:s8], $0x0  }
0x24: {  	s3 =	sadd.s32 $0x88, s3;
	s6 =	simm.s32 @!p1 $0x1082;
	[sflag:s4] =	ssyncset.s32 $0xFFFFF086  }
0x25: {  	[simem:s6], [sflag:s4] =	dma.local [hbm:s3], $0xF7A  }
0x26: {  	[smem:$0x3F9B] =	sst s1;
	(tag) =	ssettag s2;
	_ =	strace s9  }
0x27: {  	s1 =	sld [smem:$0x3FAB]  }
0x28: {  	s2 =	sld [smem:$0x3FAC]  }
0x29: {  	s4 =	sld [smem:$0x3FAE]  }
0x2a: {  	p0 =	seq.s32 s5, $0x0;
	s5 =	sld [smem:$0x3FAF]  }
0x2b: {  	s6 =	sld [smem:$0x3FB0]  }
0x2c: {  	s7 =	sld [smem:$0x3FB1]  }
0x2d: {  	s3 =	simm.s32 $0x108;
	s8 =	sld [smem:$0x3FB2]  }
0x2e: {  	s3 =	simm.s32 @!p0 $0x1082;
	s9 =	sld [smem:$0x3FB3]  }
0x2f: {  	lr =	sadd.s32 s0, s3;
	s0 =	sld [smem:$0x3FAA]  }
0x30: {  	s3 =	sld [smem:$0x3FAD]  }
0x31: {  	[smem:$0x3FB6] =	sst s10  }
0x32: {  	s10 =	sld [smem:$0x3FB4];
	_ =	sdelay $0x3  }
0x33: {  	p0 =	seq.s32 s10, $0x1;
	s10 =	sld [smem:$0x3FB6];
	_ =	sdelay $0x3  }
0x34: {  	[smem:$0x3FB6] =	sst s10  }
0x35: {  	s10 =	sld [smem:$0x3FB5];
	_ =	sdelay $0x3  }
0x36: {  	p1 =	seq.s32 s10, $0x1;
	s10 =	sld [smem:$0x3FB6];
	_ =	sdelay $0x3  }
0x37: {  	[smem:$0x3FB6] =	sst s10  }
0x38: {  	s10 =	sld [smem:$0x3FB7]  }
0x39: {  	_ = 	snop;
	(pc) =	sbr.ind lr, $3  }
0x3a: {  	_ = 	snop  }
0x3b: {  	_ = 	snop  }
0x3c: {  	p2 =	seq.s32 s10, $0x1;
	s10 =	sld [smem:$0x3FB6]  }
0x3d: {  	_ =	shalt  }
0x3e: {  	_ =	shalt  }
0x3f: {  	_ =	shalt  }
0x40: {  	_ =	shalt  }
0x41: {  	_ =	shalt  }
0x42: {  	_ =	shalt  }
0x43: {  	_ =	shalt  }
0x44: {  	_ =	shalt  }
0x45: {  	_ =	shalt  }
0x46: {  	_ =	shalt  }
0x47: {  	_ =	shalt  }
0x48: {  	_ =	shalt  }
0x49: {  	_ =	shalt  }
0x4a: {  	_ =	shalt  }
0x4b: {  	_ =	shalt  }
0x4c: {  	_ =	shalt  }
0x4d: {  	_ =	shalt  }
0x4e: {  	_ =	shalt  }
0x4f: {  	_ =	shalt  }
0x50: {  	_ =	shalt  }
0x51: {  	_ =	shalt  }
0x52: {  	_ =	shalt  }
0x53: {  	_ =	shalt  }
0x54: {  	_ =	shalt  }
0x55: {  	_ =	shalt  }
0x56: {  	_ =	shalt  }
0x57: {  	_ =	shalt  }
0x58: {  	_ =	shalt  }
0x59: {  	_ =	shalt  }
0x5a: {  	_ =	shalt  }
0x5b: {  	_ =	shalt  }
0x5c: {  	_ =	shalt  }
0x5d: {  	_ =	shalt  }
0x5e: {  	_ =	shalt  }
0x5f: {  	_ =	shalt  }
0x60: {  	_ =	shalt  }
0x61: {  	_ =	shalt  }
0x62: {  	_ =	shalt  }
0x63: {  	_ =	shalt  }
0x64: {  	_ =	shalt  }
0x65: {  	_ =	shalt  }
0x66: {  	_ =	shalt  }
0x67: {  	_ =	shalt  }
0x68: {  	_ =	shalt  }
0x69: {  	_ =	shalt  }
0x6a: {  	_ =	shalt  }
0x6b: {  	_ =	shalt  }
0x6c: {  	_ =	shalt  }
0x6d: {  	_ =	shalt  }
0x6e: {  	_ =	shalt  }
0x6f: {  	_ =	shalt  }
0x70: {  	_ =	shalt  }
0x71: {  	_ =	shalt  }
0x72: {  	_ =	shalt  }
0x73: {  	_ =	shalt  }
0x74: {  	_ =	shalt  }
0x75: {  	_ =	shalt  }
0x76: {  	_ =	shalt  }
0x77: {  	_ =	shalt  }
0x78: {  	_ =	shalt  }
0x79: {  	_ =	shalt  }
0x7a: {  	_ =	shalt  }
0x7b: {  	_ =	shalt  }
0x7c: {  	_ =	shalt  }
0x7d: {  	_ =	shalt  }
0x7e: {  	_ =	shalt  }
0x7f: {  	_ =	shalt  }
0x80: {  	_ =	shalt  }
0x81: {  	_ =	shalt  }
0x82: {  	_ =	shalt  }
0x83: {  	_ =	shalt  }
0x84: {  	_ =	shalt  }
0x85: {  	_ =	shalt  }
0x86: {  	_ =	shalt  }
0x87: {  	_ =	shalt  }
.Lfunc_end0:
.L_simem_size_0:
called_computation_lowered:
.L_overlay_start_0:
0x88: {  	s2 =	sld [smem:$0x3FD9]  }
0x89: {  	s3 =	sld [smem:$0x3FFE];
	_ =	sdelay $0x1  }
0x8a: {  	s1 =	srdreg.scid  }
0x8b: {  	s0 =	sand.u32 $0x1, s1  }
0x8c: {  	s14 =	sshll.u32 s0, $0xA;
	s2 =	sadd.s32 s3, s2  }
0x8d: {  	s2 =	sadd.s32 s2, s14  }
0x8e: {  	[smem:$0x3FC2] =	sst s2  }
0x8f: {  	_ = 	snop  }
0x90: {  	s2 =	sld [smem:$0x3FD0];
	_ =	sdelay $0x2  }
0x91: {  	s15 =	simm.s32 $0xA;
	s4 =	simm.s32 $0x10  }
0x92: {  	[smem:s4], [sflag:s15] =	dma.local [hbm:s2], $0x1  }
0x93: {  	_ =	swait.eq [sflag:s15], $0x1  }
0x94: {  	[sflag:s15] =	ssyncset.done $0x0  }
0x95: {  	s16 =	sld [smem:$0x10];
	[sflag:s15] =	ssyncadd.s32 $0xFFFFFFFF  }
0x96: {  	s17 =	sld [smem:$0x11];
	(tm) =	ssettm $0x1  }
0x97: {  	s18 =	sld [smem:$0x3FFB];
	_ =	sdelay $0x3  }
0x98: {  	_ =	strace s18  }
0x99: {  	s4 =	sld [smem:$0x3FFC];
	_ =	sdelay $0x3  }
0x9a: {  	_ =	strace s4  }
0x9b: {  	s4 =	sld [smem:$0x3FFD];
	_ =	sdelay $0x3  }
0x9c: {  	_ =	strace s4  }
0x9d: {  	_ =	strace $0x8FFFFFFF  }
0x9e: {  	s19 =	sld [smem:$0x3FDB];
	_ =	sdelay $0x1  }
0x9f: {  	s5 =	simm.s32 $_scs_section_size  }
0xa0: {  	s6 =	simm.s32 $_size__tile_overlayer_lowered;
	s7 =	simm.s32 $_tile_overlayer_lowered  }
0xa1: {  	s22 =	simm.s32 $0x1BFF;
	s21 =	sshll.u32 s7, $0x1;
	s4 =	sadd.s32 s5, s19  }
0xa2: {  	s8 =	simm.s32 $0x0;
	s20 =	sshll.u32 s6, $0x1;
	s6 =	sadd.s32 s21, s4  }
0xa3: {  	[timem:s8], [sflag:s22] =	dma.local [hbm:s6], s20  }
0xa4: {  	_ =	swait.ge [sflag:s22], s20  }
0xa5: {  	s5 =	ssub.s32 $0x0, s20;
	[sflag:s22] =	ssyncset.done $0x0  }
0xa6: {  	[sflag:s22] =	ssyncadd.s32 s5;
	_ =	sdelay $0x1  }
0xa7: {  	s23 =	simm.s32 $0x1B8B  }
0xa8: {  	_ =	swait.ge [sflag:s23], $0x1  }
0xa9: {  	[sflag:s23] =	ssyncset.done $0x0  }
0xaa: {  	s25 =	simm.s32 $0x1B8E;
	s24 =	sld [smem:$0x3FFE];
	[sflag:s23] =	ssyncadd.s32 $0xFFFFFFFF  }
0xab: {  	s26 =	simm.s32 $execute0_lowered;
	[smem:$0x3FD2] =	sst s25  }
0xac: {  	s6 =	sshll.u32 s26, $0x1;
	_ =	strace $0x80000046;
	[dreg:$0x1] =	wrdreg $0xFFFFFFFF  }
0xad: {  	s28 =	simm.s32 $_size_execute0_lowered;
	s4 =	sadd.s32 s4, s6;
	[dreg:$0x0] =	wrdreg $0x0  }
0xae: {  	s6 =	sshll.u32 s28, $0x1;
	[dreg:$0x2] =	wrdreg s4  }
0xaf: {  	[dreg:$0x3] =	wrdreg s6  }
0xb0: {  	[dreg:$0x4] =	wrdreg $0xC0  }
0xb1: {  	_ =	task [dreg:s8], $0x5FFFF  }
0xb2: {  	[dreg:$0x1] =	wrdreg $0xFFFFFFFF  }
0xb3: {  	[dreg:$0x0] =	wrdreg $0x60  }
0xb4: {  	[dreg:$0x2] =	wrdreg s16  }
0xb5: {  	[dreg:$0x3] =	wrdreg s17  }
0xb6: {  	[dreg:$0x4] =	wrdreg s24  }
0xb7: {  	[dreg:$0x5] =	wrdreg $0x58000  }
0xb8: {  	[dreg:$0x6] =	wrdreg $0x80000  }
0xb9: {  	[dreg:$0x7] =	wrdreg $0x9  }
0xba: {  	_ =	task.clear_ibuf [dreg:s8], $0x8FFFF;
	_ =	strace $0x90000046  }
0xbb: {  	s29 =	simm.s32 $0x9;
	_ =	strace $0x80000048  }
0xbc: {  	_ =	swait.ge [sflag:s29], $0x1  }
0xbd: {  	[sflag:s29] =	ssyncadd.s32 $0xFFFFFFFF  }
0xbe: {  	_ =	strace $0x90000048  }
0xbf: {  	_ =	sfence  }
0xc0: {  	s30 =	sld [smem:$0x0];
	_ =	sdelay $0x2  }
0xc1: {  	s31 =	sshll.u32 s1, $0xD;
	s1 =	sshrl.u32 s1, $0x2  }
0xc2: {  	s3 =	sand.u32 $0x4000, s31;
	s1 =	sadd.s32 s1, s30  }
0xc3: {  	s0 =	sor.u32 s3, s0;
	s1 =	sshll.u32 s1, $0x11  }
0xc4: {  	s0 =	sor.u32 s1, s0  }
0xc5: {  	s0 =	sadd.s32 $0x8F2B, s0  }
0xc6: {  	[sflag:s0] =	ssyncadd.remote.s32 $0x1  }
0xc7: {  	_ =	sfence.sel $0xFFFF  }
0xc8: {  	[dreg:$0x0] =	wrdreg $0xFFFFFFFF;
	(pc) =	sbr.abs _section_cstart, $3  }
0xc9: {  	[dreg:$0x1] =	wrdreg $0xFFFFFFFF  }
0xca: {  	_ =	task.clear_ibuf [dreg:s8], $0x2FFFF;
	_ =	strace $0x9FFFFFFF  }
0xcb: {  	(tm) =	ssettm $0x7FFFFFFF  }
tec
execute0_lowered:
.L_overlay_start_1:
0x0: {  	(tag) =	ssettag $0x1  }
0x1: {  	s6 =	rddreg [dreg:$0x0]  }
0x2: {  	s7 =	rddreg [dreg:$0x1]  }
0x3: {  	s8 =	rddreg [dreg:$0x2]  }
0x4: {  	s2 =	rddreg [dreg:$0x3]  }
0x5: {  	s3 =	rddreg [dreg:$0x4]  }
0x6: {  	s0 =	rddreg [dreg:$0x5];
	s1 =	stileid.u32  }
0x7: {  	s5 =	srdreg.scid;
	s4 =	simm.s32 $0x0;
	s18 =	simm.s32 $0x80  }
0x8: {  	s19 =	simm.s32 $0x0;
	s9 =	smul.u32 $0x2800, s1;
	s10 =	sand.u32 $0x1, s5  }
0x9: {  	[smem:$0x7FF] =	sst s4;
	s5 =	sadd.s32 $0x7200, s8;
	s12 =	sshll.u32 s1, $0x1  }
0xa: {  	s15 =	sshll.u32 s1, $0x6;
	s11 =	smul.u32 $0x50000, s10;
	_ =	strace $0x80000047  }
0xb: {  	s12 =	sor.u32 s10, s12;
	s10 =	ssub.s32 $0x2, s10;
	s15 =	sor.u32 $0x1C01, s15  }
0xc: {  	s13 =	sshrl.u32 s9, $0x3;
	s12 =	smul.u32 $0x500, s12;
	s31 =	sshrl.u32 s10, $0x1  }
0xd: {  	s16 =	sadd.s32 s9, s2;
	s17 =	sadd.s32 s9, s3;
	s11 =	sadd.s32 s9, s11  }
0xe: {  	s13 =	sadd.s32 s13, s8;
	s14 =	ssub.s32 s10, s31;
	s16 =	sshrl.u32 s16, $0x3  }
0xf: {  	s17 =	sshrl.u32 s17, $0x3;
	s11 =	sshrl.u32 s11, $0x3;
	s6 =	sadd.s32 s6, s12  }
0x10: {  	s7 =	sadd.s32 s7, s12;
	s12 =	simm.s32 $0x1;
	s11 =	sadd.s32 s11, s8  }
0x11: {  	s8 =	sadd.s32 $0x2200, s13;
	s13 =	simm.s32 $0x2800;
	s9 =	sadd.s32 $0x7400, s11  }
0x12: {  	s10 =	sadd.s32 $0xC400, s11;
	s11 =	smax.u32 s14, $0x1;
	s14 =	simm.s32 $0x5000  }
.LBB2_1:
0x13: {  	[tilespmem:s4], [sflag:$0x1] =	stream.linear.gather [hbm4b:s6+s4], $0x2800, $0x38;
	[tilespmem:$0xA800] =	vst v63  }
0x14: {  	_ =	swait.ge [sflag:s12], $0x2800  }
0x15: {  	[sflag:s12] =	ssyncset.done $0x0  }
0x16: {  	[sflag:s12] =	ssyncadd.s32 $0xFFFFD800  }
0x17: {  	[tilespmem:s13], [sflag:$0x1] =	stream.linear.gather [hbm4b:s7+s4], $0x2800, $0x38;
	[tilespmem:$0xA800] =	vst v63  }
0x18: {  	_ =	swait.ge [sflag:s12], $0x2800  }
0x19: {  	[sflag:s12] =	ssyncset.done $0x0  }
0x1a: {  	[sflag:s12] =	ssyncadd.s32 $0xFFFFD800  }
0x1b: {  	[tilespmem:s14], [sflag:$0x1] =	stream.linear.gather [hbm4b:s5+s4], $0x800, $0x38;
	[tilespmem:$0xA800] =	vst v63  }
0x1c: {  	_ =	swait.ge [sflag:s12], $0x800  }
0x1d: {  	[sflag:s12] =	ssyncset.done $0x0  }
0x1e: {  	[sflag:s12] =	ssyncadd.s32 $0xFFFFF800  }
0x1f: {  	[spmem:s16], [sflag:s15] =	dma.local [hbm:s8], $0x500  }
0x20: {  	_ =	swait.ge [sflag:s12], $0x500  }
0x21: {  	[sflag:s12] =	ssyncset.done $0x0  }
0x22: {  	[sflag:s12] =	ssyncadd.s32 $0xFFFFFB00  }
0x23: {  	[spmem:s17], [sflag:s15] =	dma.local [hbm:s8], $0x500  }
0x24: {  	_ =	swait.ge [sflag:s12], $0x500  }
0x25: {  	[sflag:s12] =	ssyncset.done $0x0  }
0x26: {  	[sflag:s12] =	ssyncadd.s32 $0xFFFFFB00  }
0x27: {  	s20 =	simm.s32 $0x0;
	[bflag:$0x0] =	sbarrier.arrive $0xFFFF  }
0x28: {  	[spmem:s2] =	stream.indirect.scatter.add.f32 [tilespmem:s14], [sflag:$0x1], $0x10, s20, s18, $0xb8;
	[tilespmem:$0xA800] =	vst v63  }
0x29: {  	_ =	swait.ge [sflag:s12], $0x800  }
0x2a: {  	[sflag:s12] =	ssyncset.done $0x0  }
0x2b: {  	s31 =	simm.s32 $0x2800;
	[sflag:s12] =	ssyncadd.s32 $0xFFFFF800  }
0x2c: {  	[spmem:s3] =	stream.indirect.scatter.add.f32 [tilespmem:s14], [sflag:$0x1], $0x10, s31, s18, $0xb8;
	[tilespmem:$0xA800] =	vst v63  }
0x2d: {  	_ =	swait.ge [sflag:s12], $0x800  }
0x2e: {  	s21 =	simm.s32 $0x400;
	s20 =	simm.s32 $0x200;
	[sflag:s12] =	ssyncset.done $0x0  }
.LBB2_2:
0x2f: {  	s22 =	sshra.s32 s20, $0x2  }
0x30: {  	[sflag:s12] =	ssyncadd.s32 $0xFFFFF800;
	s20 =	smov.u32 s21;
	s23 =	sadd.s32 $0x200, s21  }
0x31: {  	[spmem:s2] =	stream.indirect.scatter.add.f32 [tilespmem:s14], [sflag:$0x1], $0x10, s22, s18, $0xb8;
	[tilespmem:$0xA800] =	vst v63  }
0x32: {  	p0 =	sne.s32 s21, $0x9E00;
	_ =	swait.ge [sflag:s12], $0x800  }
.Ltmp0:
0x33: {  	[sflag:s12] =	ssyncset.done $0x0;
	(pc) =	sbr.rel @p0 .LBB2_2-.Ltmp0, $4  }
0x34: {  	s21 =	sadd.s32 $0x2800, s22;
	[sflag:s12] =	ssyncadd.s32 $0xFFFFF800  }
0x35: {  	[spmem:s3] =	stream.indirect.scatter.add.f32 [tilespmem:s14], [sflag:$0x1], $0x10, s21, s18, $0xb8;
	[tilespmem:$0xA800] =	vst v63  }
0x36: {  	_ =	swait.ge [sflag:s12], $0x800  }
0x37: {  	s21 =	smov.u32 s23;
	[sflag:s12] =	ssyncset.done $0x0  }
0x38: {  	s20 =	sshra.s32 s20, $0x2;
	[sflag:s12] =	ssyncadd.s32 $0xFFFFF800  }
0x39: {  	[spmem:s2] =	stream.indirect.scatter.add.f32 [tilespmem:s14], [sflag:$0x1], $0x10, s20, s18, $0xb8;
	[tilespmem:$0xA800] =	vst v63  }
0x3a: {  	_ =	swait.ge [sflag:s12], $0x800  }
0x3b: {  	[sflag:s12] =	ssyncset.done $0x0  }
0x3c: {  	s20 =	sadd.s32 $0x2800, s20;
	[sflag:s12] =	ssyncadd.s32 $0xFFFFF800  }
0x3d: {  	[spmem:s3] =	stream.indirect.scatter.add.f32 [tilespmem:s14], [sflag:$0x1], $0x10, s20, s18, $0xb8;
	[tilespmem:$0xA800] =	vst v63  }
0x3e: {  	_ =	swait.ge [sflag:s12], $0x800  }
0x3f: {  	[sflag:s12] =	ssyncset.done $0x0  }
0x40: {  	[sflag:s12] =	ssyncadd.s32 $0xFFFFF800  }
0x41: {  	[bflag:$0x0] =	sbarrier.arrive $0xFFFF  }
0x42: {  	[hbm:s9], [sflag:s15] =	dma.local [spmem:s16], $0x500  }
0x43: {  	s19 =	sadd.s32 $0x1, s19;
	_ =	swait.ge [sflag:s12], $0x500  }
0x44: {  	p0 =	sne.s32 s19, s11;
	[sflag:s12] =	ssyncset.done $0x0  }
.Ltmp1:
0x45: {  	[sflag:s12] =	ssyncadd.s32 $0xFFFFFB00;
	(pc) =	sbr.rel @p0 .LBB2_1-.Ltmp1, $4  }
0x46: {  	[hbm:s10], [sflag:s15] =	dma.local [spmem:s17], $0x500  }
0x47: {  	_ =	swait.ge [sflag:s12], $0x500  }
0x48: {  	[sflag:s12] =	ssyncset.done $0x0  }
0x49: {  	[sflag:s12] =	ssyncadd.s32 $0xFFFFFB00  }
0x4a: {  	_ =	sfence.sel $0x180000  }
0x4b: {  	[bflag:$0x0] =	sbarrier.arrive $0xFFFF  }
0x4c: {  	p0 =	sne.s32 s1, $0x0;
	_ =	strace $0x90000047  }
0x4d: {  	s0 =	sadd.s32 @!p0 $0x100000, s0;
	[bflag:$0x2] =	sbarrier.arrive $0xFFFF  }
0x4e: {  	[sflag:s0] =	ssyncadd.tile.s32 @!p0 $0x1;
	_ =	shalt  }
.Lfunc_end2:
_tile_overlayer_lowered:
.L_overlay_start_2:
0x4f: {  	(tag) =	ssettag $0x2  }
0x50: {  	s0 =	rddreg [dreg:$0x0];
	s2 =	stileid.u32  }
0x51: {  	s1 =	rddreg [dreg:$0x1];
	p0 =	sne.s32 s2, $0x0  }
0x52: {  	s3 =	rddreg [dreg:$0x2];
	[bflag:$0x3] =	sbarrier.arrive $0xFFFF;
	s2 =	simm.s32 @!p0 $0x1C01  }
0x53: {  	[timem:s3], [sflag:s2] =	dma.local @!p0 [hbm:s0], s1  }
0x54: {  	s0 =	simm.s32 @!p0 $0x1  }
0x55: {  	_ =	swait.ge @!p0 [sflag:s0], s1  }
0x56: {  	s1 =	ssub.s32 @!p0 $0x0, s1;
	[sflag:s0] =	ssyncset.done @!p0 $0x0  }
0x57: {  	[sflag:s0] =	ssyncadd.s32 @!p0 s1  }
0x58: {  	[bflag:$0x3] =	sbarrier.arrive $0xFFFF  }
0x59: {  	_ =	shalt  }

// kernel: kernel.14.cloned.1.call-start
scs
__scs_entry_jumppad:
0x0: {  	(pc) =	sbr.rel $0x88, $3  }
0x1: {  	(tag) =	ssettag $0x0;
	lr =	simm.s32 $0x1  }
0x2: {  	[smem:$0x3F9B] =	sst lr;
	_ =	strace $0xD0000000  }
0x3: {  	_ = 	snop  }
0x4: {  	_ = 	snop  }
0x5: {  	_ = 	snop  }
0x6: {  	_ = 	snop  }
0x7: {  	_ = 	snop  }
__scs_overlays_trampoline_lowered:
0x8: {  	[smem:$0x3FAA] =	sst s0  }
0x9: {  	[smem:$0x3FAB] =	sst s1  }
0xa: {  	[smem:$0x3FAC] =	sst s2  }
0xb: {  	[smem:$0x3FAD] =	sst s3  }
0xc: {  	[smem:$0x3FAE] =	sst s4  }
0xd: {  	[smem:$0x3FAF] =	sst s5  }
0xe: {  	[smem:$0x3FB0] =	sst s6  }
0xf: {  	[smem:$0x3FB1] =	sst s7  }
0x10: {  	[smem:$0x3FB2] =	sst s8  }
0x11: {  	[smem:$0x3FB3] =	sst s9;
	s0 =	simm.s32 @!p0 $0x0  }
0x12: {  	s1 =	sld [smem:$0x3F99];
	s0 =	simm.s32 @p0 $0x1  }
0x13: {  	[smem:$0x3FB4] =	sst s0;
	s0 =	simm.s32 @!p1 $0x0  }
0x14: {  	s2 =	sld [smem:$0x3F98];
	s0 =	simm.s32 @p1 $0x1  }
0x15: {  	[smem:$0x3FB5] =	sst s0;
	s0 =	simm.s32 @!p2 $0x0  }
0x16: {  	s3 =	sld [smem:$0x3FDB];
	s0 =	simm.s32 @p2 $0x1  }
0x17: {  	s4 =	simm.s32 $0x1BF5;
	[smem:$0x3FB7] =	sst s0  }
0x18: {  	s0 =	sld [smem:$0x3F9A];
	_ =	swait.ge [sflag:s4], $0x0  }
0x19: {  	s7 =	sld [smem:$0x3F9B]  }
0x1a: {  	s8 =	sadd.s32 $0xFFFFE003, lr  }
0x1b: {  	s9 =	sadd.s32 $0xFFFFFEF7, lr;
	s5 =	simm.s32 $0xFFFFFFFF;
	p2 =	slt.u32 s8, $0xFFFFF086  }
0x1c: {  	p1 =	slt.u32 s9, $0xF7A;
	s5 =	simm.s32 @!p2 $0x0  }
0x1d: {  	s5 =	simm.s32 @p1 $0x1;
	p0 =	seq.s32 s7, s2  }
0x1e: {  	s7 =	smul.u32 @!p0 $0xF7A, s2;
	p2 =	seq.s32 @!p0 s5, $0x0  }
0x1f: {  	s9 =	smul.u32 $0xF7A, s1;
	s8 =	simm.s32 @!p0 $0x1BF5;
	p2 =	por !p2, p0  }
0x20: {  	[sflag:s8] =	ssyncset.s32 @!p0 $0xFFFFF086;
	s6 =	sadd.s32 @!p0 s3, s7;
	s7 =	simm.s32 @!p0 $0x108  }
0x21: {  	s3 =	sadd.s32 s3, s9;
	s6 =	sadd.s32 @!p0 $0x88, s6;
	s7 =	simm.s32 @p2 $0x1082  }
0x22: {  	[simem:s7], [sflag:s8] =	dma.local @!p0 [hbm:s6], $0xF7A  }
0x23: {  	s9 =	sor.u32 $0xD0000000, s2;
	s6 =	simm.s32 $0x108;
	_ =	swait.ge @!p0 [sflag:s8], $0x0  }
0x24: {  	s3 =	sadd.s32 $0x88, s3;
	s6 =	simm.s32 @!p1 $0x1082;
	[sflag:s4] =	ssyncset.s32 $0xFFFFF086  }
0x25: {  	[simem:s6], [sflag:s4] =	dma.local [hbm:s3], $0xF7A  }
0x26: {  	[smem:$0x3F9B] =	sst s1;
	(tag) =	ssettag s2;
	_ =	strace s9  }
0x27: {  	s1 =	sld [smem:$0x3FAB]  }
0x28: {  	s2 =	sld [smem:$0x3FAC]  }
0x29: {  	s4 =	sld [smem:$0x3FAE]  }
0x2a: {  	p0 =	seq.s32 s5, $0x0;
	s5 =	sld [smem:$0x3FAF]  }
0x2b: {  	s6 =	sld [smem:$0x3FB0]  }
0x2c: {  	s7 =	sld [smem:$0x3FB1]  }
0x2d: {  	s3 =	simm.s32 $0x108;
	s8 =	sld [smem:$0x3FB2]  }
0x2e: {  	s3 =	simm.s32 @!p0 $0x1082;
	s9 =	sld [smem:$0x3FB3]  }
0x2f: {  	lr =	sadd.s32 s0, s3;
	s0 =	sld [smem:$0x3FAA]  }
0x30: {  	s3 =	sld [smem:$0x3FAD]  }
0x31: {  	[smem:$0x3FB6] =	sst s10  }
0x32: {  	s10 =	sld [smem:$0x3FB4];
	_ =	sdelay $0x3  }
0x33: {  	p0 =	seq.s32 s10, $0x1;
	s10 =	sld [smem:$0x3FB6];
	_ =	sdelay $0x3  }
0x34: {  	[smem:$0x3FB6] =	sst s10  }
0x35: {  	s10 =	sld [smem:$0x3FB5];
	_ =	sdelay $0x3  }
0x36: {  	p1 =	seq.s32 s10, $0x1;
	s10 =	sld [smem:$0x3FB6];
	_ =	sdelay $0x3  }
0x37: {  	[smem:$0x3FB6] =	sst s10  }
0x38: {  	s10 =	sld [smem:$0x3FB7]  }
0x39: {  	_ = 	snop;
	(pc) =	sbr.ind lr, $3  }
0x3a: {  	_ = 	snop  }
0x3b: {  	_ = 	snop  }
0x3c: {  	p2 =	seq.s32 s10, $0x1;
	s10 =	sld [smem:$0x3FB6]  }
0x3d: {  	_ =	shalt  }
0x3e: {  	_ =	shalt  }
0x3f: {  	_ =	shalt  }
0x40: {  	_ =	shalt  }
0x41: {  	_ =	shalt  }
0x42: {  	_ =	shalt  }
0x43: {  	_ =	shalt  }
0x44: {  	_ =	shalt  }
0x45: {  	_ =	shalt  }
0x46: {  	_ =	shalt  }
0x47: {  	_ =	shalt  }
0x48: {  	_ =	shalt  }
0x49: {  	_ =	shalt  }
0x4a: {  	_ =	shalt  }
0x4b: {  	_ =	shalt  }
0x4c: {  	_ =	shalt  }
0x4d: {  	_ =	shalt  }
0x4e: {  	_ =	shalt  }
0x4f: {  	_ =	shalt  }
0x50: {  	_ =	shalt  }
0x51: {  	_ =	shalt  }
0x52: {  	_ =	shalt  }
0x53: {  	_ =	shalt  }
0x54: {  	_ =	shalt  }
0x55: {  	_ =	shalt  }
0x56: {  	_ =	shalt  }
0x57: {  	_ =	shalt  }
0x58: {  	_ =	shalt  }
0x59: {  	_ =	shalt  }
0x5a: {  	_ =	shalt  }
0x5b: {  	_ =	shalt  }
0x5c: {  	_ =	shalt  }
0x5d: {  	_ =	shalt  }
0x5e: {  	_ =	shalt  }
0x5f: {  	_ =	shalt  }
0x60: {  	_ =	shalt  }
0x61: {  	_ =	shalt  }
0x62: {  	_ =	shalt  }
0x63: {  	_ =	shalt  }
0x64: {  	_ =	shalt  }
0x65: {  	_ =	shalt  }
0x66: {  	_ =	shalt  }
0x67: {  	_ =	shalt  }
0x68: {  	_ =	shalt  }
0x69: {  	_ =	shalt  }
0x6a: {  	_ =	shalt  }
0x6b: {  	_ =	shalt  }
0x6c: {  	_ =	shalt  }
0x6d: {  	_ =	shalt  }
0x6e: {  	_ =	shalt  }
0x6f: {  	_ =	shalt  }
0x70: {  	_ =	shalt  }
0x71: {  	_ =	shalt  }
0x72: {  	_ =	shalt  }
0x73: {  	_ =	shalt  }
0x74: {  	_ =	shalt  }
0x75: {  	_ =	shalt  }
0x76: {  	_ =	shalt  }
0x77: {  	_ =	shalt  }
0x78: {  	_ =	shalt  }
0x79: {  	_ =	shalt  }
0x7a: {  	_ =	shalt  }
0x7b: {  	_ =	shalt  }
0x7c: {  	_ =	shalt  }
0x7d: {  	_ =	shalt  }
0x7e: {  	_ =	shalt  }
0x7f: {  	_ =	shalt  }
0x80: {  	_ =	shalt  }
0x81: {  	_ =	shalt  }
0x82: {  	_ =	shalt  }
0x83: {  	_ =	shalt  }
0x84: {  	_ =	shalt  }
0x85: {  	_ =	shalt  }
0x86: {  	_ =	shalt  }
0x87: {  	_ =	shalt  }
.Lfunc_end0:
.L_simem_size_0:
called_computation.1_lowered:
.L_overlay_start_0:
0x88: {  	s2 =	sld [smem:$0x3FD9]  }
0x89: {  	s3 =	sld [smem:$0x3FFE];
	_ =	sdelay $0x1  }
0x8a: {  	s1 =	srdreg.scid  }
0x8b: {  	s0 =	sand.u32 $0x1, s1  }
0x8c: {  	s14 =	sshll.u32 s0, $0xA;
	s2 =	sadd.s32 s3, s2  }
0x8d: {  	s2 =	sadd.s32 s2, s14  }
0x8e: {  	[smem:$0x3FC2] =	sst s2  }
0x8f: {  	_ = 	snop  }
0x90: {  	s2 =	sld [smem:$0x3FD0];
	_ =	sdelay $0x2  }
0x91: {  	s15 =	simm.s32 $0xA;
	s4 =	simm.s32 $0x10  }
0x92: {  	[smem:s4], [sflag:s15] =	dma.local [hbm:s2], $0x1  }
0x93: {  	_ =	swait.eq [sflag:s15], $0x1  }
0x94: {  	[sflag:s15] =	ssyncset.done $0x0  }
0x95: {  	s16 =	sld [smem:$0x10];
	[sflag:s15] =	ssyncadd.s32 $0xFFFFFFFF  }
0x96: {  	s17 =	sld [smem:$0x11];
	(tm) =	ssettm $0x1  }
0x97: {  	s18 =	sld [smem:$0x3FFB];
	_ =	sdelay $0x3  }
0x98: {  	_ =	strace s18  }
0x99: {  	s4 =	sld [smem:$0x3FFC];
	_ =	sdelay $0x3  }
0x9a: {  	_ =	strace s4  }
0x9b: {  	s4 =	sld [smem:$0x3FFD];
	_ =	sdelay $0x3  }
0x9c: {  	_ =	strace s4  }
0x9d: {  	_ =	strace $0x8FFFFFFF  }
0x9e: {  	s19 =	sld [smem:$0x3FDB];
	_ =	sdelay $0x1  }
0x9f: {  	s5 =	simm.s32 $_scs_section_size  }
0xa0: {  	s6 =	simm.s32 $_size__tile_overlayer_lowered;
	s7 =	simm.s32 $_tile_overlayer_lowered  }
0xa1: {  	s22 =	simm.s32 $0x1BFF;
	s21 =	sshll.u32 s7, $0x1;
	s4 =	sadd.s32 s5, s19  }
0xa2: {  	s8 =	simm.s32 $0x0;
	s20 =	sshll.u32 s6, $0x1;
	s6 =	sadd.s32 s21, s4  }
0xa3: {  	[timem:s8], [sflag:s22] =	dma.local [hbm:s6], s20  }
0xa4: {  	_ =	swait.ge [sflag:s22], s20  }
0xa5: {  	s5 =	ssub.s32 $0x0, s20;
	[sflag:s22] =	ssyncset.done $0x0  }
0xa6: {  	[sflag:s22] =	ssyncadd.s32 s5;
	_ =	sdelay $0x1  }
0xa7: {  	s23 =	simm.s32 $0x1B8B  }
0xa8: {  	_ =	swait.ge [sflag:s23], $0x1  }
0xa9: {  	[sflag:s23] =	ssyncset.done $0x0  }
0xaa: {  	s25 =	simm.s32 $0x1B8E;
	s24 =	sld [smem:$0x3FFE];
	[sflag:s23] =	ssyncadd.s32 $0xFFFFFFFF  }
0xab: {  	s26 =	simm.s32 $execute0_lowered;
	[smem:$0x3FD2] =	sst s25  }
0xac: {  	s6 =	sshll.u32 s26, $0x1;
	_ =	strace $0x80000049;
	[dreg:$0x1] =	wrdreg $0xFFFFFFFF  }
0xad: {  	s28 =	simm.s32 $_size_execute0_lowered;
	s4 =	sadd.s32 s4, s6;
	[dreg:$0x0] =	wrdreg $0x0  }
0xae: {  	s6 =	sshll.u32 s28, $0x1;
	[dreg:$0x2] =	wrdreg s4  }
0xaf: {  	[dreg:$0x3] =	wrdreg s6  }
0xb0: {  	[dreg:$0x4] =	wrdreg $0xC0  }
0xb1: {  	_ =	task [dreg:s8], $0x5FFFF  }
0xb2: {  	[dreg:$0x1] =	wrdreg $0xFFFFFFFF  }
0xb3: {  	[dreg:$0x0] =	wrdreg $0x60  }
0xb4: {  	[dreg:$0x2] =	wrdreg s24  }
0xb5: {  	[dreg:$0x3] =	wrdreg s16  }
0xb6: {  	[dreg:$0x4] =	wrdreg s17  }
0xb7: {  	[dreg:$0x5] =	wrdreg $0xA8000  }
0xb8: {  	[dreg:$0x6] =	wrdreg $0x9  }
0xb9: {  	_ =	task.clear_ibuf [dreg:s8], $0x7FFFF;
	_ =	strace $0x90000049  }
0xba: {  	s29 =	simm.s32 $0x9;
	_ =	strace $0x8000004B  }
0xbb: {  	_ =	swait.ge [sflag:s29], $0x1  }
0xbc: {  	[sflag:s29] =	ssyncadd.s32 $0xFFFFFFFF  }
0xbd: {  	_ =	strace $0x9000004B  }
0xbe: {  	_ =	sfence  }
0xbf: {  	s30 =	sld [smem:$0x0];
	_ =	sdelay $0x2  }
0xc0: {  	s31 =	sshll.u32 s1, $0xD;
	s1 =	sshrl.u32 s1, $0x2  }
0xc1: {  	s3 =	sand.u32 $0x4000, s31;
	s1 =	sadd.s32 s1, s30  }
0xc2: {  	s0 =	sor.u32 s3, s0;
	s1 =	sshll.u32 s1, $0x11  }
0xc3: {  	s0 =	sor.u32 s1, s0  }
0xc4: {  	s0 =	sadd.s32 $0x8F2B, s0  }
0xc5: {  	[sflag:s0] =	ssyncadd.remote.s32 $0x1  }
0xc6: {  	_ =	sfence.sel $0xFFFF  }
0xc7: {  	[dreg:$0x0] =	wrdreg $0xFFFFFFFF;
	(pc) =	sbr.abs _section_cstart, $3  }
0xc8: {  	[dreg:$0x1] =	wrdreg $0xFFFFFFFF  }
0xc9: {  	_ =	task.clear_ibuf [dreg:s8], $0x2FFFF;
	_ =	strace $0x9FFFFFFF  }
0xca: {  	(tm) =	ssettm $0x7FFFFFFF  }
0xcb: {  	_ =	shalt  }
tec
execute0_lowered:
.L_overlay_start_1:
0x0: {  	(tag) =	ssettag $0x1  }
0x1: {  	s5 =	rddreg [dreg:$0x0]  }
0x2: {  	s9 =	rddreg [dreg:$0x1]  }
0x3: {  	s10 =	rddreg [dreg:$0x2]  }
0x4: {  	s2 =	rddreg [dreg:$0x3];
	s0 =	stileid.u32  }
0x5: {  	s4 =	srdreg.scid;
	s1 =	rddreg [dreg:$0x4]  }
0x6: {  	s3 =	simm.s32 $0x0;
	s17 =	simm.s32 $0x2800;
	s18 =	simm.s32 $0x1  }
0x7: {  	s19 =	simm.s32 $0x6800;
	s20 =	simm.s32 $0x2;
	s21 =	simm.s32 $0x1380  }
0x8: {  	s22 =	simm.s32 $0x2700;
	s23 =	simm.s32 $0x2780;
	s24 =	simm.s32 $0x0  }
0x9: {  	s6 =	smul.u32 $0x14000, s0;
	s7 =	sand.u32 $0x1, s4;
	[smem:$0x7FF] =	sst s3  }
0xa: {  	s4 =	sadd.s32 $0x2200, s5;
	s25 =	sshll.u32 s0, $0x1;
	s12 =	smul.u32 $0x50000, s0  }
0xb: {  	s28 =	sshll.u32 s0, $0x6;
	s11 =	smul.u32 $0x140000, s7;
	_ =	strace $0x8000004A  }
0xc: {  	s13 =	ssub.s32 $0x2, s7;
	s7 =	sor.u32 s7, s25;
	s8 =	sshrl.u32 s6, $0x3  }
0xd: {  	s26 =	sshrl.u32 s13, $0x1;
	s12 =	sshrl.u32 s12, $0x2;
	s14 =	smul.u32 $0x2800, s7  }
0xe: {  	s29 =	smul.u32 $0x500, s7;
	s8 =	sadd.s32 s8, s5;
	s6 =	sadd.s32 s6, s11  }
0xf: {  	s13 =	ssub.s32 s13, s26;
	s16 =	sadd.s32 s12, s2;
	s6 =	sshrl.u32 s6, $0x3  }
0x10: {  	s30 =	sshrl.u32 s14, $0x3;
	s7 =	sadd.s32 s9, s29;
	s12 =	smax.u32 s13, $0x1  }
0x11: {  	s13 =	sshrl.u32 s16, $0x3;
	s14 =	simm.s32 $0x3;
	s16 =	simm.s32 $0x80  }
0x12: {  	s15 =	sadd.s32 s6, s5;
	s5 =	sadd.s32 $0x2A200, s8;
	s31 =	sadd.s32 $0x280, s30  }
0x13: {  	s6 =	sor.u32 $0x1C03, s28;
	s8 =	sadd.s32 s10, s29;
	s9 =	sadd.s32 s9, s31  }
0x14: {  	s10 =	sadd.s32 s10, s31;
	s11 =	sadd.s32 $0x52200, s15;
	s15 =	simm.s32 $0x1400  }
.LBB2_1:
0x15: {  	[spmem:s13], [sflag:s6] =	dma.local [hbm:s5], $0x2800  }
0x16: {  	_ =	swait.ge [sflag:s14], $0x2800  }
0x17: {  	[sflag:s14] =	ssyncset.done $0x0  }
0x18: {  	[sflag:s14] =	ssyncadd.s32 $0xFFFFD800  }
0x19: {  	[bflag:$0x0] =	sbarrier.arrive $0xFFFF  }
0x1a: {  	[tilespmem:s3], [sflag:$0x3] =	stream.linear.gather [hbm4b:s7+s3], $0x1400, $0x38;
	[tilespmem:$0x1E800] =	vst v63  }
0x1b: {  	_ =	swait.ge [sflag:s14], $0x1400  }
0x1c: {  	[sflag:s14] =	ssyncset.done $0x0  }
0x1d: {  	[sflag:s14] =	ssyncadd.s32 $0xFFFFEC00  }
0x1e: {  	[tilespmem:s15], [sflag:$0x3] =	stream.linear.gather [hbm4b:s8+s3], $0x1400, $0x38;
	[tilespmem:$0x1E800] =	vst v63  }
0x1f: {  	_ =	swait.ge [sflag:s14], $0x1400  }
0x20: {  	[sflag:s14] =	ssyncset.done $0x0  }
0x21: {  	[sflag:s14] =	ssyncadd.s32 $0xFFFFEC00  }
0x22: {  	[tilespmem:s17], [sflag:$0x1] =	stream.indirect.gather [hbm4b:s4+s16], $0x80, s3, s16, $0xb8;
	[tilespmem:$0x1E800] =	vst v63  }
0x23: {  	_ =	swait.ge [sflag:s18], $0x4000  }
0x24: {  	[sflag:s18] =	ssyncset.done $0x0  }
0x25: {  	s25 =	simm.s32 $0x80;
	[sflag:s18] =	ssyncadd.s32 $0xFFFFC000  }
0x26: {  	[tilespmem:s19], [sflag:$0x2] =	stream.indirect.gather [hbm4b:s4+s16], $0x80, s25, s16, $0xb8;
	[tilespmem:$0x1E800] =	vst v63  }
0x27: {  	s29 =	simm.s32 $0x1400  }
0x28: {  	[spmem:s2] =	stream.indirect.scatter.add.f32 [tilespmem:s17], [sflag:$0x3], $0x80, s29, s16, $0xb8;
	[tilespmem:$0x1E800] =	vst v63  }
0x29: {  	_ =	swait.ge [sflag:s14], $0x4000  }
0x2a: {  	[sflag:s14] =	ssyncset.done $0x0  }
0x2b: {  	[sflag:s14] =	ssyncadd.s32 $0xFFFFC000  }
0x2c: {  	_ =	swait.ge [sflag:s20], $0x4000  }
0x2d: {  	[sflag:s20] =	ssyncset.done $0x0  }
0x2e: {  	s30 =	simm.s32 $0x100;
	[sflag:s20] =	ssyncadd.s32 $0xFFFFC000  }
0x2f: {  	[tilespmem:s17], [sflag:$0x1] =	stream.indirect.gather [hbm4b:s4+s16], $0x80, s30, s16, $0xb8;
	[tilespmem:$0x1E800] =	vst v63  }
0x30: {  	s31 =	simm.s32 $0x1480  }
0x31: {  	[spmem:s2] =	stream.indirect.scatter.add.f32 [tilespmem:s19], [sflag:$0x3], $0x80, s31, s16, $0xb8;
	[tilespmem:$0x1E800] =	vst v63  }
0x32: {  	_ =	swait.ge [sflag:s14], $0x4000  }
0x33: {  	s25 =	simm.s32 $0x400;
	[sflag:s14] =	ssyncset.done $0x0  }
.LBB2_2:
0x34: {  	p0 =	sne.s32 s25, $0x4800  }
0x35: {  	[sflag:s14] =	ssyncadd.s32 $0xFFFFC000;
	s26 =	smov.u32 s25;
	s25 =	sadd.s32 $0x400, s25  }
0x36: {  	_ = 	snop  }
0x37: {  	_ =	swait.ge [sflag:s18], $0x4000  }
0x38: {  	s26 =	sshra.s32 s26, $0x2;
	[sflag:s18] =	ssyncset.done $0x0  }
0x39: {  	s28 =	sadd.s32 $0x80, s26;
	[sflag:s18] =	ssyncadd.s32 $0xFFFFC000  }
0x3a: {  	[tilespmem:s19], [sflag:$0x2] =	stream.indirect.gather [hbm4b:s4+s16], $0x80, s28, s16, $0xb8;
	[tilespmem:$0x1E800] =	vst v63  }
0x3b: {  	s28 =	sadd.s32 $0x1400, s26  }
0x3c: {  	[spmem:s2] =	stream.indirect.scatter.add.f32 [tilespmem:s17], [sflag:$0x3], $0x80, s28, s16, $0xb8;
	[tilespmem:$0x1E800] =	vst v63  }
0x3d: {  	_ =	swait.ge [sflag:s14], $0x4000  }
0x3e: {  	[sflag:s14] =	ssyncset.done $0x0  }
0x3f: {  	[sflag:s14] =	ssyncadd.s32 $0xFFFFC000  }
0x40: {  	_ =	swait.ge [sflag:s20], $0x4000  }
0x41: {  	[sflag:s20] =	ssyncset.done $0x0  }
0x42: {  	s28 =	sadd.s32 $0x100, s26;
	[sflag:s20] =	ssyncadd.s32 $0xFFFFC000  }
0x43: {  	[tilespmem:s17], [sflag:$0x1] =	stream.indirect.gather [hbm4b:s4+s16], $0x80, s28, s16, $0xb8;
	[tilespmem:$0x1E800] =	vst v63  }
.Ltmp0:
0x44: {  	_ = 	snop;
	(pc) =	sbr.rel @p0 .LBB2_2-.Ltmp0, $4  }
0x45: {  	s26 =	sadd.s32 $0x1480, s26  }
0x46: {  	[spmem:s2] =	stream.indirect.scatter.add.f32 [tilespmem:s19], [sflag:$0x3], $0x80, s26, s16, $0xb8;
	[tilespmem:$0x1E800] =	vst v63  }
0x47: {  	_ =	swait.ge [sflag:s14], $0x4000  }
0x48: {  	[sflag:s14] =	ssyncset.done $0x0  }
0x49: {  	[sflag:s14] =	ssyncadd.s32 $0xFFFFC000  }
0x4a: {  	_ =	swait.ge [sflag:s18], $0x4000  }
0x4b: {  	[sflag:s18] =	ssyncset.done $0x0  }
0x4c: {  	[sflag:s18] =	ssyncadd.s32 $0xFFFFC000  }
0x4d: {  	[tilespmem:s19], [sflag:$0x2] =	stream.indirect.gather [hbm4b:s4+s16], $0x80, s21, s16, $0xb8;
	[tilespmem:$0x1E800] =	vst v63  }
0x4e: {  	_ = 	snop  }
0x4f: {  	[spmem:s2] =	stream.indirect.scatter.add.f32 [tilespmem:s17], [sflag:$0x3], $0x80, s22, s16, $0xb8;
	[tilespmem:$0x1E800] =	vst v63  }
0x50: {  	_ =	swait.ge [sflag:s14], $0x4000  }
0x51: {  	[sflag:s14] =	ssyncset.done $0x0  }
0x52: {  	[sflag:s14] =	ssyncadd.s32 $0xFFFFC000  }
0x53: {  	_ =	swait.ge [sflag:s20], $0x4000  }
0x54: {  	[sflag:s20] =	ssyncset.done $0x0  }
0x55: {  	[sflag:s20] =	ssyncadd.s32 $0xFFFFC000  }
0x56: {  	[spmem:s2] =	stream.indirect.scatter.add.f32 [tilespmem:s19], [sflag:$0x3], $0x80, s23, s16, $0xb8;
	[tilespmem:$0x1E800] =	vst v63  }
0x57: {  	_ =	swait.ge [sflag:s14], $0x4000  }
0x58: {  	[sflag:s14] =	ssyncset.done $0x0  }
0x59: {  	s25 =	simm.s32 $0x0;
	[sflag:s14] =	ssyncadd.s32 $0xFFFFC000  }
0x5a: {  	[tilespmem:s25], [sflag:$0x3] =	stream.linear.gather [hbm4b:s9+s25], $0x1400, $0x38;
	[tilespmem:$0x1E800] =	vst v63  }
0x5b: {  	_ =	swait.ge [sflag:s14], $0x1400  }
0x5c: {  	[sflag:s14] =	ssyncset.done $0x0  }
0x5d: {  	[sflag:s14] =	ssyncadd.s32 $0xFFFFEC00  }
0x5e: {  	[tilespmem:s15], [sflag:$0x3] =	stream.linear.gather [hbm4b:s10+s25], $0x1400, $0x38;
	[tilespmem:$0x1E800] =	vst v63  }
0x5f: {  	_ =	swait.ge [sflag:s14], $0x1400  }
0x60: {  	[sflag:s14] =	ssyncset.done $0x0  }
0x61: {  	[sflag:s14] =	ssyncadd.s32 $0xFFFFEC00  }
0x62: {  	[tilespmem:s17], [sflag:$0x1] =	stream.indirect.gather [hbm4b:s4+s16], $0x80, s25, s16, $0xb8;
	[tilespmem:$0x1E800] =	vst v63  }
0x63: {  	_ =	swait.ge [sflag:s18], $0x4000  }
0x64: {  	[sflag:s18] =	ssyncset.done $0x0  }
0x65: {  	s28 =	simm.s32 $0x80;
	[sflag:s18] =	ssyncadd.s32 $0xFFFFC000  }
0x66: {  	[tilespmem:s19], [sflag:$0x2] =	stream.indirect.gather [hbm4b:s4+s16], $0x80, s28, s16, $0xb8;
	[tilespmem:$0x1E800] =	vst v63  }
0x67: {  	s29 =	simm.s32 $0x1400  }
0x68: {  	[spmem:s2] =	stream.indirect.scatter.add.f32 [tilespmem:s17], [sflag:$0x3], $0x80, s29, s16, $0xb8;
	[tilespmem:$0x1E800] =	vst v63  }
0x69: {  	_ =	swait.ge [sflag:s14], $0x4000  }
0x6a: {  	[sflag:s14] =	ssyncset.done $0x0  }
0x6b: {  	[sflag:s14] =	ssyncadd.s32 $0xFFFFC000  }
0x6c: {  	_ =	swait.ge [sflag:s20], $0x4000  }
0x6d: {  	[sflag:s20] =	ssyncset.done $0x0  }
0x6e: {  	s30 =	simm.s32 $0x100;
	[sflag:s20] =	ssyncadd.s32 $0xFFFFC000  }
0x6f: {  	[tilespmem:s17], [sflag:$0x1] =	stream.indirect.gather [hbm4b:s4+s16], $0x80, s30, s16, $0xb8;
	[tilespmem:$0x1E800] =	vst v63  }
0x70: {  	s31 =	simm.s32 $0x1480  }
0x71: {  	[spmem:s2] =	stream.indirect.scatter.add.f32 [tilespmem:s19], [sflag:$0x3], $0x80, s31, s16, $0xb8;
	[tilespmem:$0x1E800] =	vst v63  }
0x72: {  	_ =	swait.ge [sflag:s14], $0x4000  }
0x73: {  	s25 =	simm.s32 $0x400;
	[sflag:s14] =	ssyncset.done $0x0  }
.LBB2_4:
0x74: {  	p0 =	sne.s32 s25, $0x4800  }
0x75: {  	[sflag:s14] =	ssyncadd.s32 $0xFFFFC000;
	s26 =	smov.u32 s25;
	s25 =	sadd.s32 $0x400, s25  }
0x76: {  	_ = 	snop  }
0x77: {  	_ =	swait.ge [sflag:s18], $0x4000  }
0x78: {  	s26 =	sshra.s32 s26, $0x2;
	[sflag:s18] =	ssyncset.done $0x0  }
0x79: {  	s28 =	sadd.s32 $0x80, s26;
	[sflag:s18] =	ssyncadd.s32 $0xFFFFC000  }
0x7a: {  	[tilespmem:s19], [sflag:$0x2] =	stream.indirect.gather [hbm4b:s4+s16], $0x80, s28, s16, $0xb8;
	[tilespmem:$0x1E800] =	vst v63  }
0x7b: {  	s28 =	sadd.s32 $0x1400, s26  }
0x7c: {  	[spmem:s2] =	stream.indirect.scatter.add.f32 [tilespmem:s17], [sflag:$0x3], $0x80, s28, s16, $0xb8;
	[tilespmem:$0x1E800] =	vst v63  }
0x7d: {  	_ =	swait.ge [sflag:s14], $0x4000  }
0x7e: {  	[sflag:s14] =	ssyncset.done $0x0  }
0x7f: {  	[sflag:s14] =	ssyncadd.s32 $0xFFFFC000  }
0x80: {  	_ =	swait.ge [sflag:s20], $0x4000  }
0x81: {  	[sflag:s20] =	ssyncset.done $0x0  }
0x82: {  	s28 =	sadd.s32 $0x100, s26;
	[sflag:s20] =	ssyncadd.s32 $0xFFFFC000  }
0x83: {  	[tilespmem:s17], [sflag:$0x1] =	stream.indirect.gather [hbm4b:s4+s16], $0x80, s28, s16, $0xb8;
	[tilespmem:$0x1E800] =	vst v63  }
.Ltmp1:
0x84: {  	_ = 	snop;
	(pc) =	sbr.rel @p0 .LBB2_4-.Ltmp1, $4  }
0x85: {  	s26 =	sadd.s32 $0x1480, s26  }
0x86: {  	[spmem:s2] =	stream.indirect.scatter.add.f32 [tilespmem:s19], [sflag:$0x3], $0x80, s26, s16, $0xb8;
	[tilespmem:$0x1E800] =	vst v63  }
0x87: {  	_ =	swait.ge [sflag:s14], $0x4000  }
0x88: {  	[sflag:s14] =	ssyncset.done $0x0  }
0x89: {  	[sflag:s14] =	ssyncadd.s32 $0xFFFFC000  }
0x8a: {  	_ =	swait.ge [sflag:s18], $0x4000  }
0x8b: {  	[sflag:s18] =	ssyncset.done $0x0  }
0x8c: {  	[sflag:s18] =	ssyncadd.s32 $0xFFFFC000  }
0x8d: {  	[tilespmem:s19], [sflag:$0x2] =	stream.indirect.gather [hbm4b:s4+s16], $0x80, s21, s16, $0xb8;
	[tilespmem:$0x1E800] =	vst v63  }
0x8e: {  	_ = 	snop  }
0x8f: {  	[spmem:s2] =	stream.indirect.scatter.add.f32 [tilespmem:s17], [sflag:$0x3], $0x80, s22, s16, $0xb8;
	[tilespmem:$0x1E800] =	vst v63  }
0x90: {  	_ =	swait.ge [sflag:s14], $0x4000  }
0x91: {  	[sflag:s14] =	ssyncset.done $0x0  }
0x92: {  	[sflag:s14] =	ssyncadd.s32 $0xFFFFC000  }
0x93: {  	_ =	swait.ge [sflag:s20], $0x4000  }
0x94: {  	[sflag:s20] =	ssyncset.done $0x0  }
0x95: {  	[sflag:s20] =	ssyncadd.s32 $0xFFFFC000  }
0x96: {  	[spmem:s2] =	stream.indirect.scatter.add.f32 [tilespmem:s19], [sflag:$0x3], $0x80, s23, s16, $0xb8;
	[tilespmem:$0x1E800] =	vst v63  }
0x97: {  	_ =	swait.ge [sflag:s14], $0x4000  }
0x98: {  	s24 =	sadd.s32 $0x1, s24;
	[sflag:s14] =	ssyncset.done $0x0  }
0x99: {  	p0 =	sne.s32 s24, s12;
	[sflag:s14] =	ssyncadd.s32 $0xFFFFC000  }
.Ltmp2:
0x9a: {  	[bflag:$0x0] =	sbarrier.arrive $0xFFFF;
	(pc) =	sbr.rel @p0 .LBB2_1-.Ltmp2, $4  }
0x9b: {  	[hbm:s11], [sflag:s6] =	dma.local [spmem:s13], $0x2800  }
0x9c: {  	_ =	swait.ge [sflag:s14], $0x2800  }
0x9d: {  	[sflag:s14] =	ssyncset.done $0x0  }
0x9e: {  	[sflag:s14] =	ssyncadd.s32 $0xFFFFD800  }
0x9f: {  	_ =	sfence.sel $0x180000  }
0xa0: {  	[bflag:$0x0] =	sbarrier.arrive $0xFFFF  }
0xa1: {  	p0 =	sne.s32 s0, $0x0;
	_ =	strace $0x9000004A  }
0xa2: {  	s0 =	sadd.s32 @!p0 $0x100000, s1;
	[bflag:$0x2] =	sbarrier.arrive $0xFFFF  }
0xa3: {  	[sflag:s0] =	ssyncadd.tile.s32 @!p0 $0x1;
	_ =	shalt  }
.Lfunc_end2:
_tile_overlayer_lowered:
.L_overlay_start_2:
0xa4: {  	(tag) =	ssettag $0x2  }
0xa5: {  	s0 =	rddreg [dreg:$0x0];
	s2 =	stileid.u32  }
0xa6: {  	s1 =	rddreg [dreg:$0x1];
	p0 =	sne.s32 s2, $0x0  }
0xa7: {  	s3 =	rddreg [dreg:$0x2];
	[bflag:$0x3] =	sbarrier.arrive $0xFFFF;
	s2 =	simm.s32 @!p0 $0x1C03  }
0xa8: {  	[timem:s3], [sflag:s2] =	dma.local @!p0 [hbm:s0], s1  }
0xa9: {  	s0 =	simm.s32 @!p0 $0x3  }
0xaa: {  	_ =	swait.ge @!p0 [sflag:s0], s1  }
0xab: {  	s1 =	ssub.s32 @!p0 $0x0, s1;
	[sflag:s0] =	ssyncset.done @!p0 $0x0  }
0xac: {  	[sflag:s0] =	ssyncadd.s32 @!p0 s1  }
0xad: {  	[bflag:$0x3] =	sbarrier.arrive $0xFFFF  }
0xae: {  	_ =	shalt  }

// kernel: kernel.17.cloned.1.call-start
scs
__scs_entry_jumppad:
0x0: {  	(pc) =	sbr.rel $0x88, $3  }
0x1: {  	(tag) =	ssettag $0x0;
	lr =	simm.s32 $0x1  }
0x2: {  	[smem:$0x3F9B] =	sst lr;
	_ =	strace $0xD0000000  }
0x3: {  	_ = 	snop  }
0x4: {  	_ = 	snop  }
0x5: {  	_ = 	snop  }
0x6: {  	_ = 	snop  }
0x7: {  	_ = 	snop  }
__scs_overlays_trampoline_lowered:
0x8: {  	[smem:$0x3FAA] =	sst s0  }
0x9: {  	[smem:$0x3FAB] =	sst s1  }
0xa: {  	[smem:$0x3FAC] =	sst s2  }
0xb: {  	[smem:$0x3FAD] =	sst s3  }
0xc: {  	[smem:$0x3FAE] =	sst s4  }
0xd: {  	[smem:$0x3FAF] =	sst s5  }
0xe: {  	[smem:$0x3FB0] =	sst s6  }
0xf: {  	[smem:$0x3FB1] =	sst s7  }
0x10: {  	[smem:$0x3FB2] =	sst s8  }
0x11: {  	[smem:$0x3FB3] =	sst s9;
	s0 =	simm.s32 @!p0 $0x0  }
0x12: {  	s1 =	sld [smem:$0x3F99];
	s0 =	simm.s32 @p0 $0x1  }
0x13: {  	[smem:$0x3FB4] =	sst s0;
	s0 =	simm.s32 @!p1 $0x0  }
0x14: {  	s2 =	sld [smem:$0x3F98];
	s0 =	simm.s32 @p1 $0x1  }
0x15: {  	[smem:$0x3FB5] =	sst s0;
	s0 =	simm.s32 @!p2 $0x0  }
0x16: {  	s3 =	sld [smem:$0x3FDB];
	s0 =	simm.s32 @p2 $0x1  }
0x17: {  	s4 =	simm.s32 $0x1BF5;
	[smem:$0x3FB7] =	sst s0  }
0x18: {  	s0 =	sld [smem:$0x3F9A];
	_ =	swait.ge [sflag:s4], $0x0  }
0x19: {  	s7 =	sld [smem:$0x3F9B]  }
0x1a: {  	s8 =	sadd.s32 $0xFFFFE003, lr  }
0x1b: {  	s9 =	sadd.s32 $0xFFFFFEF7, lr;
	s5 =	simm.s32 $0xFFFFFFFF;
	p2 =	slt.u32 s8, $0xFFFFF086  }
0x1c: {  	p1 =	slt.u32 s9, $0xF7A;
	s5 =	simm.s32 @!p2 $0x0  }
0x1d: {  	s5 =	simm.s32 @p1 $0x1;
	p0 =	seq.s32 s7, s2  }
0x1e: {  	s7 =	smul.u32 @!p0 $0xF7A, s2;
	p2 =	seq.s32 @!p0 s5, $0x0  }
0x1f: {  	s9 =	smul.u32 $0xF7A, s1;
	s8 =	simm.s32 @!p0 $0x1BF5;
	p2 =	por !p2, p0  }
0x20: {  	[sflag:s8] =	ssyncset.s32 @!p0 $0xFFFFF086;
	s6 =	sadd.s32 @!p0 s3, s7;
	s7 =	simm.s32 @!p0 $0x108  }
0x21: {  	s3 =	sadd.s32 s3, s9;
	s6 =	sadd.s32 @!p0 $0x88, s6;
	s7 =	simm.s32 @p2 $0x1082  }
0x22: {  	[simem:s7], [sflag:s8] =	dma.local @!p0 [hbm:s6], $0xF7A  }
0x23: {  	s9 =	sor.u32 $0xD0000000, s2;
	s6 =	simm.s32 $0x108;
	_ =	swait.ge @!p0 [sflag:s8], $0x0  }
0x24: {  	s3 =	sadd.s32 $0x88, s3;
	s6 =	simm.s32 @!p1 $0x1082;
	[sflag:s4] =	ssyncset.s32 $0xFFFFF086  }
0x25: {  	[simem:s6], [sflag:s4] =	dma.local [hbm:s3], $0xF7A  }
0x26: {  	[smem:$0x3F9B] =	sst s1;
	(tag) =	ssettag s2;
	_ =	strace s9  }
0x27: {  	s1 =	sld [smem:$0x3FAB]  }
0x28: {  	s2 =	sld [smem:$0x3FAC]  }
0x29: {  	s4 =	sld [smem:$0x3FAE]  }
0x2a: {  	p0 =	seq.s32 s5, $0x0;
	s5 =	sld [smem:$0x3FAF]  }
0x2b: {  	s6 =	sld [smem:$0x3FB0]  }
0x2c: {  	s7 =	sld [smem:$0x3FB1]  }
0x2d: {  	s3 =	simm.s32 $0x108;
	s8 =	sld [smem:$0x3FB2]  }
0x2e: {  	s3 =	simm.s32 @!p0 $0x1082;
	s9 =	sld [smem:$0x3FB3]  }
0x2f: {  	lr =	sadd.s32 s0, s3;
	s0 =	sld [smem:$0x3FAA]  }
0x30: {  	s3 =	sld [smem:$0x3FAD]  }
0x31: {  	[smem:$0x3FB6] =	sst s10  }
0x32: {  	s10 =	sld [smem:$0x3FB4];
	_ =	sdelay $0x3  }
0x33: {  	p0 =	seq.s32 s10, $0x1;
	s10 =	sld [smem:$0x3FB6];
	_ =	sdelay $0x3  }
0x34: {  	[smem:$0x3FB6] =	sst s10  }
0x35: {  	s10 =	sld [smem:$0x3FB5];
	_ =	sdelay $0x3  }
0x36: {  	p1 =	seq.s32 s10, $0x1;
	s10 =	sld [smem:$0x3FB6];
	_ =	sdelay $0x3  }
0x37: {  	[smem:$0x3FB6] =	sst s10  }
0x38: {  	s10 =	sld [smem:$0x3FB7]  }
0x39: {  	_ = 	snop;
	(pc) =	sbr.ind lr, $3  }
0x3a: {  	_ = 	snop  }
0x3b: {  	_ = 	snop  }
0x3c: {  	p2 =	seq.s32 s10, $0x1;
	s10 =	sld [smem:$0x3FB6]  }
0x3d: {  	_ =	shalt  }
0x3e: {  	_ =	shalt  }
0x3f: {  	_ =	shalt  }
0x40: {  	_ =	shalt  }
0x41: {  	_ =	shalt  }
0x42: {  	_ =	shalt  }
0x43: {  	_ =	shalt  }
0x44: {  	_ =	shalt  }
0x45: {  	_ =	shalt  }
0x46: {  	_ =	shalt  }
0x47: {  	_ =	shalt  }
0x48: {  	_ =	shalt  }
0x49: {  	_ =	shalt  }
0x4a: {  	_ =	shalt  }
0x4b: {  	_ =	shalt  }
0x4c: {  	_ =	shalt  }
0x4d: {  	_ =	shalt  }
0x4e: {  	_ =	shalt  }
0x4f: {  	_ =	shalt  }
0x50: {  	_ =	shalt  }
0x51: {  	_ =	shalt  }
0x52: {  	_ =	shalt  }
0x53: {  	_ =	shalt  }
0x54: {  	_ =	shalt  }
0x55: {  	_ =	shalt  }
0x56: {  	_ =	shalt  }
0x57: {  	_ =	shalt  }
0x58: {  	_ =	shalt  }
0x59: {  	_ =	shalt  }
0x5a: {  	_ =	shalt  }
0x5b: {  	_ =	shalt  }
0x5c: {  	_ =	shalt  }
0x5d: {  	_ =	shalt  }
0x5e: {  	_ =	shalt  }
0x5f: {  	_ =	shalt  }
0x60: {  	_ =	shalt  }
0x61: {  	_ =	shalt  }
0x62: {  	_ =	shalt  }
0x63: {  	_ =	shalt  }
0x64: {  	_ =	shalt  }
0x65: {  	_ =	shalt  }
0x66: {  	_ =	shalt  }
0x67: {  	_ =	shalt  }
0x68: {  	_ =	shalt  }
0x69: {  	_ =	shalt  }
0x6a: {  	_ =	shalt  }
0x6b: {  	_ =	shalt  }
0x6c: {  	_ =	shalt  }
0x6d: {  	_ =	shalt  }
0x6e: {  	_ =	shalt  }
0x6f: {  	_ =	shalt  }
0x70: {  	_ =	shalt  }
0x71: {  	_ =	shalt  }
0x72: {  	_ =	shalt  }
0x73: {  	_ =	shalt  }
0x74: {  	_ =	shalt  }
0x75: {  	_ =	shalt  }
0x76: {  	_ =	shalt  }
0x77: {  	_ =	shalt  }
0x78: {  	_ =	shalt  }
0x79: {  	_ =	shalt  }
0x7a: {  	_ =	shalt  }
0x7b: {  	_ =	shalt  }
0x7c: {  	_ =	shalt  }
0x7d: {  	_ =	shalt  }
0x7e: {  	_ =	shalt  }
0x7f: {  	_ =	shalt  }
0x80: {  	_ =	shalt  }
0x81: {  	_ =	shalt  }
0x82: {  	_ =	shalt  }
0x83: {  	_ =	shalt  }
0x84: {  	_ =	shalt  }
0x85: {  	_ =	shalt  }
0x86: {  	_ =	shalt  }
0x87: {  	_ =	shalt  }
.Lfunc_end0:
.L_simem_size_0:
called_computation.2_lowered:
.L_overlay_start_0:
0x88: {  	s2 =	sld [smem:$0x3FD9]  }
0x89: {  	s3 =	sld [smem:$0x3FFE];
	_ =	sdelay $0x1  }
0x8a: {  	s1 =	srdreg.scid  }
0x8b: {  	s0 =	sand.u32 $0x1, s1  }
0x8c: {  	s14 =	sshll.u32 s0, $0xA;
	s2 =	sadd.s32 s3, s2  }
0x8d: {  	s2 =	sadd.s32 s2, s14  }
0x8e: {  	[smem:$0x3FC2] =	sst s2  }
0x8f: {  	_ = 	snop  }
0x90: {  	s2 =	sld [smem:$0x3FD0];
	_ =	sdelay $0x2  }
0x91: {  	s15 =	simm.s32 $0xA;
	s4 =	simm.s32 $0x10  }
0x92: {  	[smem:s4], [sflag:s15] =	dma.local [hbm:s2], $0x1  }
0x93: {  	_ =	swait.eq [sflag:s15], $0x1  }
0x94: {  	[sflag:s15] =	ssyncset.done $0x0  }
0x95: {  	s16 =	sld [smem:$0x10];
	[sflag:s15] =	ssyncadd.s32 $0xFFFFFFFF  }
0x96: {  	s17 =	sld [smem:$0x11];
	(tm) =	ssettm $0x1  }
0x97: {  	s18 =	sld [smem:$0x3FFB];
	_ =	sdelay $0x3  }
0x98: {  	_ =	strace s18  }
0x99: {  	s4 =	sld [smem:$0x3FFC];
	_ =	sdelay $0x3  }
0x9a: {  	_ =	strace s4  }
0x9b: {  	s4 =	sld [smem:$0x3FFD];
	_ =	sdelay $0x3  }
0x9c: {  	_ =	strace s4  }
0x9d: {  	_ =	strace $0x8FFFFFFF  }
0x9e: {  	s19 =	sld [smem:$0x3FDB];
	_ =	sdelay $0x1  }
0x9f: {  	s5 =	simm.s32 $_scs_section_size  }
0xa0: {  	s6 =	simm.s32 $_size__tile_overlayer_lowered;
	s7 =	simm.s32 $_tile_overlayer_lowered  }
0xa1: {  	s22 =	simm.s32 $0x1BFF;
	s21 =	sshll.u32 s7, $0x1;
	s4 =	sadd.s32 s5, s19  }
0xa2: {  	s8 =	simm.s32 $0x0;
	s20 =	sshll.u32 s6, $0x1;
	s6 =	sadd.s32 s21, s4  }
0xa3: {  	[timem:s8], [sflag:s22] =	dma.local [hbm:s6], s20  }
0xa4: {  	_ =	swait.ge [sflag:s22], s20  }
0xa5: {  	s5 =	ssub.s32 $0x0, s20;
	[sflag:s22] =	ssyncset.done $0x0  }
0xa6: {  	[sflag:s22] =	ssyncadd.s32 s5;
	_ =	sdelay $0x1  }
0xa7: {  	s23 =	simm.s32 $0x1B8B  }
0xa8: {  	_ =	swait.ge [sflag:s23], $0x1  }
0xa9: {  	[sflag:s23] =	ssyncset.done $0x0  }
0xaa: {  	s25 =	simm.s32 $0x1B8E;
	s24 =	sld [smem:$0x3FFE];
	[sflag:s23] =	ssyncadd.s32 $0xFFFFFFFF  }
0xab: {  	s26 =	simm.s32 $execute0_lowered;
	[smem:$0x3FD2] =	sst s25  }
0xac: {  	s6 =	sshll.u32 s26, $0x1;
	_ =	strace $0x8000004C;
	[dreg:$0x1] =	wrdreg $0xFFFFFFFF  }
0xad: {  	s28 =	simm.s32 $_size_execute0_lowered;
	s4 =	sadd.s32 s4, s6;
	[dreg:$0x0] =	wrdreg $0x0  }
0xae: {  	s6 =	sshll.u32 s28, $0x1;
	[dreg:$0x2] =	wrdreg s4  }
0xaf: {  	[dreg:$0x3] =	wrdreg s6  }
0xb0: {  	[dreg:$0x4] =	wrdreg $0xC0  }
0xb1: {  	_ =	task [dreg:s8], $0x5FFFF  }
0xb2: {  	[dreg:$0x1] =	wrdreg $0xFFFFFFFF  }
0xb3: {  	[dreg:$0x0] =	wrdreg $0x60  }
0xb4: {  	[dreg:$0x2] =	wrdreg s24  }
0xb5: {  	[dreg:$0x3] =	wrdreg s16  }
0xb6: {  	[dreg:$0x4] =	wrdreg s17  }
0xb7: {  	[dreg:$0x5] =	wrdreg $0xA8000  }
0xb8: {  	[dreg:$0x6] =	wrdreg $0x9  }
0xb9: {  	_ =	task.clear_ibuf [dreg:s8], $0x7FFFF;
	_ =	strace $0x9000004C  }
0xba: {  	s29 =	simm.s32 $0x9;
	_ =	strace $0x8000004E  }
0xbb: {  	_ =	swait.ge [sflag:s29], $0x1  }
0xbc: {  	[sflag:s29] =	ssyncadd.s32 $0xFFFFFFFF  }
0xbd: {  	_ =	strace $0x9000004E  }
0xbe: {  	_ =	sfence  }
0xbf: {  	s30 =	sld [smem:$0x0];
	_ =	sdelay $0x2  }
0xc0: {  	s31 =	sshll.u32 s1, $0xD;
	s1 =	sshrl.u32 s1, $0x2  }
0xc1: {  	s3 =	sand.u32 $0x4000, s31;
	s1 =	sadd.s32 s1, s30  }
0xc2: {  	s0 =	sor.u32 s3, s0;
	s1 =	sshll.u32 s1, $0x11  }
0xc3: {  	s0 =	sor.u32 s1, s0  }
0xc4: {  	s0 =	sadd.s32 $0x8F2B, s0  }
0xc5: {  	[sflag:s0] =	ssyncadd.remote.s32 $0x1  }
0xc6: {  	_ =	sfence.sel $0xFFFF  }
0xc7: {  	[dreg:$0x0] =	wrdreg $0xFFFFFFFF;
	(pc) =	sbr.abs _section_cstart, $3  }
0xc8: {  	[dreg:$0x1] =	wrdreg $0xFFFFFFFF  }
0xc9: {  	_ =	task.clear_ibuf [dreg:s8], $0x2FFFF;
	_ =	strace $0x9FFFFFFF  }
0xca: {  	(tm) =	ssettm $0x7FFFFFFF  }
0xcb: {  	_ =	shalt  }
tec
execute0_lowered:
.L_overlay_start_1:
0x0: {  	(tag) =	ssettag $0x1  }
0x1: {  	s5 =	rddreg [dreg:$0x0]  }
0x2: {  	s9 =	rddreg [dreg:$0x1]  }
0x3: {  	s10 =	rddreg [dreg:$0x2]  }
0x4: {  	s2 =	rddreg [dreg:$0x3];
	s0 =	stileid.u32  }
0x5: {  	s4 =	srdreg.scid;
	s1 =	rddreg [dreg:$0x4]  }
0x6: {  	s3 =	simm.s32 $0x0;
	s17 =	simm.s32 $0x2800;
	s18 =	simm.s32 $0x1  }
0x7: {  	s19 =	simm.s32 $0x6800;
	s20 =	simm.s32 $0x2;
	s21 =	simm.s32 $0x1380  }
0x8: {  	s22 =	simm.s32 $0x2700;
	s23 =	simm.s32 $0x2780;
	s24 =	simm.s32 $0x0  }
0x9: {  	s6 =	smul.u32 $0x14000, s0;
	s7 =	sand.u32 $0x1, s4;
	[smem:$0x7FF] =	sst s3  }
0xa: {  	s4 =	sadd.s32 $0x2200, s5;
	s25 =	sshll.u32 s0, $0x1;
	s12 =	smul.u32 $0x50000, s0  }
0xb: {  	s28 =	sshll.u32 s0, $0x6;
	s11 =	smul.u32 $0x140000, s7;
	_ =	strace $0x8000004D  }
0xc: {  	s13 =	ssub.s32 $0x2, s7;
	s7 =	sor.u32 s7, s25;
	s8 =	sshrl.u32 s6, $0x3  }
0xd: {  	s26 =	sshrl.u32 s13, $0x1;
	s12 =	sshrl.u32 s12, $0x2;
	s14 =	smul.u32 $0x2800, s7  }
0xe: {  	s29 =	smul.u32 $0x500, s7;
	s8 =	sadd.s32 s8, s5;
	s6 =	sadd.s32 s6, s11  }
0xf: {  	s13 =	ssub.s32 s13, s26;
	s16 =	sadd.s32 s12, s2;
	s6 =	sshrl.u32 s6, $0x3  }
0x10: {  	s30 =	sshrl.u32 s14, $0x3;
	s7 =	sadd.s32 s9, s29;
	s12 =	smax.u32 s13, $0x1  }
0x11: {  	s13 =	sshrl.u32 s16, $0x3;
	s14 =	simm.s32 $0x3;
	s16 =	simm.s32 $0x80  }
0x12: {  	s15 =	sadd.s32 s6, s5;
	s5 =	sadd.s32 $0x2A200, s8;
	s31 =	sadd.s32 $0x280, s30  }
0x13: {  	s6 =	sor.u32 $0x1C03, s28;
	s8 =	sadd.s32 s10, s29;
	s9 =	sadd.s32 s9, s31  }
0x14: {  	s10 =	sadd.s32 s10, s31;
	s11 =	sadd.s32 $0x52200, s15;
	s15 =	simm.s32 $0x1400  }
.LBB2_1:
0x15: {  	[spmem:s13], [sflag:s6] =	dma.local [hbm:s5], $0x2800  }
0x16: {  	_ =	swait.ge [sflag:s14], $0x2800  }
0x17: {  	[sflag:s14] =	ssyncset.done $0x0  }
0x18: {  	[sflag:s14] =	ssyncadd.s32 $0xFFFFD800  }
0x19: {  	[bflag:$0x0] =	sbarrier.arrive $0xFFFF  }
0x1a: {  	[tilespmem:s3], [sflag:$0x3] =	stream.linear.gather [hbm4b:s7+s3], $0x1400, $0x38;
	[tilespmem:$0x1E800] =	vst v63  }
0x1b: {  	_ =	swait.ge [sflag:s14], $0x1400  }
0x1c: {  	[sflag:s14] =	ssyncset.done $0x0  }
0x1d: {  	[sflag:s14] =	ssyncadd.s32 $0xFFFFEC00  }
0x1e: {  	[tilespmem:s15], [sflag:$0x3] =	stream.linear.gather [hbm4b:s8+s3], $0x1400, $0x38;
	[tilespmem:$0x1E800] =	vst v63  }
0x1f: {  	_ =	swait.ge [sflag:s14], $0x1400  }
0x20: {  	[sflag:s14] =	ssyncset.done $0x0  }
0x21: {  	[sflag:s14] =	ssyncadd.s32 $0xFFFFEC00  }
0x22: {  	[tilespmem:s17], [sflag:$0x1] =	stream.indirect.gather [hbm4b:s4+s16], $0x80, s3, s16, $0xb8;
	[tilespmem:$0x1E800] =	vst v63  }
0x23: {  	_ =	swait.ge [sflag:s18], $0x4000  }
0x24: {  	[sflag:s18] =	ssyncset.done $0x0  }
0x25: {  	s25 =	simm.s32 $0x80;
	[sflag:s18] =	ssyncadd.s32 $0xFFFFC000  }
0x26: {  	[tilespmem:s19], [sflag:$0x2] =	stream.indirect.gather [hbm4b:s4+s16], $0x80, s25, s16, $0xb8;
	[tilespmem:$0x1E800] =	vst v63  }
0x27: {  	s29 =	simm.s32 $0x1400  }
0x28: {  	[spmem:s2] =	stream.indirect.scatter.add.f32 [tilespmem:s17], [sflag:$0x3], $0x80, s29, s16, $0xb8;
	[tilespmem:$0x1E800] =	vst v63  }
0x29: {  	_ =	swait.ge [sflag:s14], $0x4000  }
0x2a: {  	[sflag:s14] =	ssyncset.done $0x0  }
0x2b: {  	[sflag:s14] =	ssyncadd.s32 $0xFFFFC000  }
0x2c: {  	_ =	swait.ge [sflag:s20], $0x4000  }
0x2d: {  	[sflag:s20] =	ssyncset.done $0x0  }
0x2e: {  	s30 =	simm.s32 $0x100;
	[sflag:s20] =	ssyncadd.s32 $0xFFFFC000  }
0x2f: {  	[tilespmem:s17], [sflag:$0x1] =	stream.indirect.gather [hbm4b:s4+s16], $0x80, s30, s16, $0xb8;
	[tilespmem:$0x1E800] =	vst v63  }
0x30: {  	s31 =	simm.s32 $0x1480  }
0x31: {  	[spmem:s2] =	stream.indirect.scatter.add.f32 [tilespmem:s19], [sflag:$0x3], $0x80, s31, s16, $0xb8;
	[tilespmem:$0x1E800] =	vst v63  }
0x32: {  	_ =	swait.ge [sflag:s14], $0x4000  }
0x33: {  	s25 =	simm.s32 $0x400;
	[sflag:s14] =	ssyncset.done $0x0  }
.LBB2_2:
0x34: {  	p0 =	sne.s32 s25, $0x4800  }
0x35: {  	[sflag:s14] =	ssyncadd.s32 $0xFFFFC000;
	s26 =	smov.u32 s25;
	s25 =	sadd.s32 $0x400, s25  }
0x36: {  	_ = 	snop  }
0x37: {  	_ =	swait.ge [sflag:s18], $0x4000  }
0x38: {  	s26 =	sshra.s32 s26, $0x2;
	[sflag:s18] =	ssyncset.done $0x0  }
0x39: {  	s28 =	sadd.s32 $0x80, s26;
	[sflag:s18] =	ssyncadd.s32 $0xFFFFC000  }
0x3a: {  	[tilespmem:s19], [sflag:$0x2] =	stream.indirect.gather [hbm4b:s4+s16], $0x80, s28, s16, $0xb8;
	[tilespmem:$0x1E800] =	vst v63  }
0x3b: {  	s28 =	sadd.s32 $0x1400, s26  }
0x3c: {  	[spmem:s2] =	stream.indirect.scatter.add.f32 [tilespmem:s17], [sflag:$0x3], $0x80, s28, s16, $0xb8;
	[tilespmem:$0x1E800] =	vst v63  }
0x3d: {  	_ =	swait.ge [sflag:s14], $0x4000  }
0x3e: {  	[sflag:s14] =	ssyncset.done $0x0  }
0x3f: {  	[sflag:s14] =	ssyncadd.s32 $0xFFFFC000  }
0x40: {  	_ =	swait.ge [sflag:s20], $0x4000  }
0x41: {  	[sflag:s20] =	ssyncset.done $0x0  }
0x42: {  	s28 =	sadd.s32 $0x100, s26;
	[sflag:s20] =	ssyncadd.s32 $0xFFFFC000  }
0x43: {  	[tilespmem:s17], [sflag:$0x1] =	stream.indirect.gather [hbm4b:s4+s16], $0x80, s28, s16, $0xb8;
	[tilespmem:$0x1E800] =	vst v63  }
.Ltmp0:
0x44: {  	_ = 	snop;
	(pc) =	sbr.rel @p0 .LBB2_2-.Ltmp0, $4  }
0x45: {  	s26 =	sadd.s32 $0x1480, s26  }
0x46: {  	[spmem:s2] =	stream.indirect.scatter.add.f32 [tilespmem:s19], [sflag:$0x3], $0x80, s26, s16, $0xb8;
	[tilespmem:$0x1E800] =	vst v63  }
0x47: {  	_ =	swait.ge [sflag:s14], $0x4000  }
0x48: {  	[sflag:s14] =	ssyncset.done $0x0  }
0x49: {  	[sflag:s14] =	ssyncadd.s32 $0xFFFFC000  }
0x4a: {  	_ =	swait.ge [sflag:s18], $0x4000  }
0x4b: {  	[sflag:s18] =	ssyncset.done $0x0  }
0x4c: {  	[sflag:s18] =	ssyncadd.s32 $0xFFFFC000  }
0x4d: {  	[tilespmem:s19], [sflag:$0x2] =	stream.indirect.gather [hbm4b:s4+s16], $0x80, s21, s16, $0xb8;
	[tilespmem:$0x1E800] =	vst v63  }
0x4e: {  	_ = 	snop  }
0x4f: {  	[spmem:s2] =	stream.indirect.scatter.add.f32 [tilespmem:s17], [sflag:$0x3], $0x80, s22, s16, $0xb8;
	[tilespmem:$0x1E800] =	vst v63  }
0x50: {  	_ =	swait.ge [sflag:s14], $0x4000  }
0x51: {  	[sflag:s14] =	ssyncset.done $0x0  }
0x52: {  	[sflag:s14] =	ssyncadd.s32 $0xFFFFC000  }
0x53: {  	_ =	swait.ge [sflag:s20], $0x4000  }
0x54: {  	[sflag:s20] =	ssyncset.done $0x0  }
0x55: {  	[sflag:s20] =	ssyncadd.s32 $0xFFFFC000  }
0x56: {  	[spmem:s2] =	stream.indirect.scatter.add.f32 [tilespmem:s19], [sflag:$0x3], $0x80, s23, s16, $0xb8;
	[tilespmem:$0x1E800] =	vst v63  }
0x57: {  	_ =	swait.ge [sflag:s14], $0x4000  }
0x58: {  	[sflag:s14] =	ssyncset.done $0x0  }
0x59: {  	s25 =	simm.s32 $0x0;
	[sflag:s14] =	ssyncadd.s32 $0xFFFFC000  }
0x5a: {  	[tilespmem:s25], [sflag:$0x3] =	stream.linear.gather [hbm4b:s9+s25], $0x1400, $0x38;
	[tilespmem:$0x1E800] =	vst v63  }
0x5b: {  	_ =	swait.ge [sflag:s14], $0x1400  }
0x5c: {  	[sflag:s14] =	ssyncset.done $0x0  }
0x5d: {  	[sflag:s14] =	ssyncadd.s32 $0xFFFFEC00  }
0x5e: {  	[tilespmem:s15], [sflag:$0x3] =	stream.linear.gather [hbm4b:s10+s25], $0x1400, $0x38;
	[tilespmem:$0x1E800] =	vst v63  }
0x5f: {  	_ =	swait.ge [sflag:s14], $0x1400  }
0x60: {  	[sflag:s14] =	ssyncset.done $0x0  }
0x61: {  	[sflag:s14] =	ssyncadd.s32 $0xFFFFEC00  }
0x62: {  	[tilespmem:s17], [sflag:$0x1] =	stream.indirect.gather [hbm4b:s4+s16], $0x80, s25, s16, $0xb8;
	[tilespmem:$0x1E800] =	vst v63  }
0x63: {  	_ =	swait.ge [sflag:s18], $0x4000  }
0x64: {  	[sflag:s18] =	ssyncset.done $0x0  }
0x65: {  	s28 =	simm.s32 $0x80;
	[sflag:s18] =	ssyncadd.s32 $0xFFFFC000  }
0x66: {  	[tilespmem:s19], [sflag:$0x2] =	stream.indirect.gather [hbm4b:s4+s16], $0x80, s28, s16, $0xb8;
	[tilespmem:$0x1E800] =	vst v63  }
0x67: {  	s29 =	simm.s32 $0x1400  }
0x68: {  	[spmem:s2] =	stream.indirect.scatter.add.f32 [tilespmem:s17], [sflag:$0x3], $0x80, s29, s16, $0xb8;
	[tilespmem:$0x1E800] =	vst v63  }
0x69: {  	_ =	swait.ge [sflag:s14], $0x4000  }
0x6a: {  	[sflag:s14] =	ssyncset.done $0x0  }
0x6b: {  	[sflag:s14] =	ssyncadd.s32 $0xFFFFC000  }
0x6c: {  	_ =	swait.ge [sflag:s20], $0x4000  }
0x6d: {  	[sflag:s20] =	ssyncset.done $0x0  }
0x6e: {  	s30 =	simm.s32 $0x100;
	[sflag:s20] =	ssyncadd.s32 $0xFFFFC000  }
0x6f: {  	[tilespmem:s17], [sflag:$0x1] =	stream.indirect.gather [hbm4b:s4+s16], $0x80, s30, s16, $0xb8;
	[tilespmem:$0x1E800] =	vst v63  }
0x70: {  	s31 =	simm.s32 $0x1480  }
0x71: {  	[spmem:s2] =	stream.indirect.scatter.add.f32 [tilespmem:s19], [sflag:$0x3], $0x80, s31, s16, $0xb8;
	[tilespmem:$0x1E800] =	vst v63  }
0x72: {  	_ =	swait.ge [sflag:s14], $0x4000  }
0x73: {  	s25 =	simm.s32 $0x400;
	[sflag:s14] =	ssyncset.done $0x0  }
.LBB2_4:
0x74: {  	p0 =	sne.s32 s25, $0x4800  }
0x75: {  	[sflag:s14] =	ssyncadd.s32 $0xFFFFC000;
	s26 =	smov.u32 s25;
	s25 =	sadd.s32 $0x400, s25  }
0x76: {  	_ = 	snop  }
0x77: {  	_ =	swait.ge [sflag:s18], $0x4000  }
0x78: {  	s26 =	sshra.s32 s26, $0x2;
	[sflag:s18] =	ssyncset.done $0x0  }
0x79: {  	s28 =	sadd.s32 $0x80, s26;
	[sflag:s18] =	ssyncadd.s32 $0xFFFFC000  }
0x7a: {  	[tilespmem:s19], [sflag:$0x2] =	stream.indirect.gather [hbm4b:s4+s16], $0x80, s28, s16, $0xb8;
	[tilespmem:$0x1E800] =	vst v63  }
0x7b: {  	s28 =	sadd.s32 $0x1400, s26  }
0x7c: {  	[spmem:s2] =	stream.indirect.scatter.add.f32 [tilespmem:s17], [sflag:$0x3], $0x80, s28, s16, $0xb8;
	[tilespmem:$0x1E800] =	vst v63  }
0x7d: {  	_ =	swait.ge [sflag:s14], $0x4000  }
0x7e: {  	[sflag:s14] =	ssyncset.done $0x0  }
0x7f: {  	[sflag:s14] =	ssyncadd.s32 $0xFFFFC000  }
0x80: {  	_ =	swait.ge [sflag:s20], $0x4000  }
0x81: {  	[sflag:s20] =	ssyncset.done $0x0  }
0x82: {  	s28 =	sadd.s32 $0x100, s26;
	[sflag:s20] =	ssyncadd.s32 $0xFFFFC000  }
0x83: {  	[tilespmem:s17], [sflag:$0x1] =	stream.indirect.gather [hbm4b:s4+s16], $0x80, s28, s16, $0xb8;
	[tilespmem:$0x1E800] =	vst v63  }
.Ltmp1:
0x84: {  	_ = 	snop;
	(pc) =	sbr.rel @p0 .LBB2_4-.Ltmp1, $4  }
0x85: {  	s26 =	sadd.s32 $0x1480, s26  }
0x86: {  	[spmem:s2] =	stream.indirect.scatter.add.f32 [tilespmem:s19], [sflag:$0x3], $0x80, s26, s16, $0xb8;
	[tilespmem:$0x1E800] =	vst v63  }
0x87: {  	_ =	swait.ge [sflag:s14], $0x4000  }
0x88: {  	[sflag:s14] =	ssyncset.done $0x0  }
0x89: {  	[sflag:s14] =	ssyncadd.s32 $0xFFFFC000  }
0x8a: {  	_ =	swait.ge [sflag:s18], $0x4000  }
0x8b: {  	[sflag:s18] =	ssyncset.done $0x0  }
0x8c: {  	[sflag:s18] =	ssyncadd.s32 $0xFFFFC000  }
0x8d: {  	[tilespmem:s19], [sflag:$0x2] =	stream.indirect.gather [hbm4b:s4+s16], $0x80, s21, s16, $0xb8;
	[tilespmem:$0x1E800] =	vst v63  }
0x8e: {  	_ = 	snop  }
0x8f: {  	[spmem:s2] =	stream.indirect.scatter.add.f32 [tilespmem:s17], [sflag:$0x3], $0x80, s22, s16, $0xb8;
	[tilespmem:$0x1E800] =	vst v63  }
0x90: {  	_ =	swait.ge [sflag:s14], $0x4000  }
0x91: {  	[sflag:s14] =	ssyncset.done $0x0  }
0x92: {  	[sflag:s14] =	ssyncadd.s32 $0xFFFFC000  }
0x93: {  	_ =	swait.ge [sflag:s20], $0x4000  }
0x94: {  	[sflag:s20] =	ssyncset.done $0x0  }
0x95: {  	[sflag:s20] =	ssyncadd.s32 $0xFFFFC000  }
0x96: {  	[spmem:s2] =	stream.indirect.scatter.add.f32 [tilespmem:s19], [sflag:$0x3], $0x80, s23, s16, $0xb8;
	[tilespmem:$0x1E800] =	vst v63  }
0x97: {  	_ =	swait.ge [sflag:s14], $0x4000  }
0x98: {  	s24 =	sadd.s32 $0x1, s24;
	[sflag:s14] =	ssyncset.done $0x0  }
0x99: {  	p0 =	sne.s32 s24, s12;
	[sflag:s14] =	ssyncadd.s32 $0xFFFFC000  }
.Ltmp2:
0x9a: {  	[bflag:$0x0] =	sbarrier.arrive $0xFFFF;
	(pc) =	sbr.rel @p0 .LBB2_1-.Ltmp2, $4  }
0x9b: {  	[hbm:s11], [sflag:s6] =	dma.local [spmem:s13], $0x2800  }
0x9c: {  	_ =	swait.ge [sflag:s14], $0x2800  }
0x9d: {  	[sflag:s14] =	ssyncset.done $0x0  }
0x9e: {  	[sflag:s14] =	ssyncadd.s32 $0xFFFFD800  }
0x9f: {  	_ =	sfence.sel $0x180000  }
0xa0: {  	[bflag:$0x0] =	sbarrier.arrive $0xFFFF  }
0xa1: {  	p0 =	sne.s32 s0, $0x0;
	_ =	strace $0x9000004D  }
0xa2: {  	s0 =	sadd.s32 @!p0 $0x100000, s1;
	[bflag:$0x2] =	sbarrier.arrive $0xFFFF  }
0xa3: {  	[sflag:s0] =	ssyncadd.tile.s32 @!p0 $0x1;
	_ =	shalt  }
.Lfunc_end2:
_tile_overlayer_lowered:
.L_overlay_start_2:
0xa4: {  	(tag) =	ssettag $0x2  }
0xa5: {  	s0 =	rddreg [dreg:$0x0];
	s2 =	stileid.u32  }
0xa6: {  	s1 =	rddreg [dreg:$0x1];
	p0 =	sne.s32 s2, $0x0  }
0xa7: {  	s3 =	rddreg [dreg:$0x2];
	[bflag:$0x3] =	sbarrier.arrive $0xFFFF;
	s2 =	simm.s32 @!p0 $0x1C03  }
0xa8: {  	[timem:s3], [sflag:s2] =	dma.local @!p0 [hbm:s0], s1  }
0xa9: {  	s0 =	simm.s32 @!p0 $0x3  }
0xaa: {  	_ =	swait.ge @!p0 [sflag:s0], s1  }
0xab: {  	s1 =	ssub.s32 @!p0 $0x0, s1;
	[sflag:s0] =	ssyncset.done @!p0 $0x0  }
0xac: {  	[sflag:s0] =	ssyncadd.s32 @!p0 s1  }
0xad: {  	[bflag:$0x3] =	sbarrier.arrive $0xFFFF  }
0xae: {  	_ =	shalt  }

// kernel: kernel.20.cloned.1.call-start
scs
__scs_entry_jumppad:
0x0: {  	(pc) =	sbr.rel $0x88, $3  }
0x1: {  	(tag) =	ssettag $0x0;
	lr =	simm.s32 $0x1  }
0x2: {  	[smem:$0x3F9B] =	sst lr;
	_ =	strace $0xD0000000  }
0x3: {  	_ = 	snop  }
0x4: {  	_ = 	snop  }
0x5: {  	_ = 	snop  }
0x6: {  	_ = 	snop  }
0x7: {  	_ = 	snop  }
__scs_overlays_trampoline_lowered:
0x8: {  	[smem:$0x3FAA] =	sst s0  }
0x9: {  	[smem:$0x3FAB] =	sst s1  }
0xa: {  	[smem:$0x3FAC] =	sst s2  }
0xb: {  	[smem:$0x3FAD] =	sst s3  }
0xc: {  	[smem:$0x3FAE] =	sst s4  }
0xd: {  	[smem:$0x3FAF] =	sst s5  }
0xe: {  	[smem:$0x3FB0] =	sst s6  }
0xf: {  	[smem:$0x3FB1] =	sst s7  }
0x10: {  	[smem:$0x3FB2] =	sst s8  }
0x11: {  	[smem:$0x3FB3] =	sst s9;
	s0 =	simm.s32 @!p0 $0x0  }
0x12: {  	s1 =	sld [smem:$0x3F99];
	s0 =	simm.s32 @p0 $0x1  }
0x13: {  	[smem:$0x3FB4] =	sst s0;
	s0 =	simm.s32 @!p1 $0x0  }
0x14: {  	s2 =	sld [smem:$0x3F98];
	s0 =	simm.s32 @p1 $0x1  }
0x15: {  	[smem:$0x3FB5] =	sst s0;
	s0 =	simm.s32 @!p2 $0x0  }
0x16: {  	s3 =	sld [smem:$0x3FDB];
	s0 =	simm.s32 @p2 $0x1  }
0x17: {  	s4 =	simm.s32 $0x1BF5;
	[smem:$0x3FB7] =	sst s0  }
0x18: {  	s0 =	sld [smem:$0x3F9A];
	_ =	swait.ge [sflag:s4], $0x0  }
0x19: {  	s7 =	sld [smem:$0x3F9B]  }
0x1a: {  	s8 =	sadd.s32 $0xFFFFE003, lr  }
0x1b: {  	s9 =	sadd.s32 $0xFFFFFEF7, lr;
	s5 =	simm.s32 $0xFFFFFFFF;
	p2 =	slt.u32 s8, $0xFFFFF086  }
0x1c: {  	p1 =	slt.u32 s9, $0xF7A;
	s5 =	simm.s32 @!p2 $0x0  }
0x1d: {  	s5 =	simm.s32 @p1 $0x1;
	p0 =	seq.s32 s7, s2  }
0x1e: {  	s7 =	smul.u32 @!p0 $0xF7A, s2;
	p2 =	seq.s32 @!p0 s5, $0x0  }
0x1f: {  	s9 =	smul.u32 $0xF7A, s1;
	s8 =	simm.s32 @!p0 $0x1BF5;
	p2 =	por !p2, p0  }
0x20: {  	[sflag:s8] =	ssyncset.s32 @!p0 $0xFFFFF086;
	s6 =	sadd.s32 @!p0 s3, s7;
	s7 =	simm.s32 @!p0 $0x108  }
0x21: {  	s3 =	sadd.s32 s3, s9;
	s6 =	sadd.s32 @!p0 $0x88, s6;
	s7 =	simm.s32 @p2 $0x1082  }
0x22: {  	[simem:s7], [sflag:s8] =	dma.local @!p0 [hbm:s6], $0xF7A  }
0x23: {  	s9 =	sor.u32 $0xD0000000, s2;
	s6 =	simm.s32 $0x108;
	_ =	swait.ge @!p0 [sflag:s8], $0x0  }
0x24: {  	s3 =	sadd.s32 $0x88, s3;
	s6 =	simm.s32 @!p1 $0x1082;
	[sflag:s4] =	ssyncset.s32 $0xFFFFF086  }
0x25: {  	[simem:s6], [sflag:s4] =	dma.local [hbm:s3], $0xF7A  }
0x26: {  	[smem:$0x3F9B] =	sst s1;
	(tag) =	ssettag s2;
	_ =	strace s9  }
0x27: {  	s1 =	sld [smem:$0x3FAB]  }
0x28: {  	s2 =	sld [smem:$0x3FAC]  }
0x29: {  	s4 =	sld [smem:$0x3FAE]  }
0x2a: {  	p0 =	seq.s32 s5, $0x0;
	s5 =	sld [smem:$0x3FAF]  }
0x2b: {  	s6 =	sld [smem:$0x3FB0]  }
0x2c: {  	s7 =	sld [smem:$0x3FB1]  }
0x2d: {  	s3 =	simm.s32 $0x108;
	s8 =	sld [smem:$0x3FB2]  }
0x2e: {  	s3 =	simm.s32 @!p0 $0x1082;
	s9 =	sld [smem:$0x3FB3]  }
0x2f: {  	lr =	sadd.s32 s0, s3;
	s0 =	sld [smem:$0x3FAA]  }
0x30: {  	s3 =	sld [smem:$0x3FAD]  }
0x31: {  	[smem:$0x3FB6] =	sst s10  }
0x32: {  	s10 =	sld [smem:$0x3FB4];
	_ =	sdelay $0x3  }
0x33: {  	p0 =	seq.s32 s10, $0x1;
	s10 =	sld [smem:$0x3FB6];
	_ =	sdelay $0x3  }
0x34: {  	[smem:$0x3FB6] =	sst s10  }
0x35: {  	s10 =	sld [smem:$0x3FB5];
	_ =	sdelay $0x3  }
0x36: {  	p1 =	seq.s32 s10, $0x1;
	s10 =	sld [smem:$0x3FB6];
	_ =	sdelay $0x3  }
0x37: {  	[smem:$0x3FB6] =	sst s10  }
0x38: {  	s10 =	sld [smem:$0x3FB7]  }
0x39: {  	_ = 	snop;
	(pc) =	sbr.ind lr, $3  }
0x3a: {  	_ = 	snop  }
0x3b: {  	_ = 	snop  }
0x3c: {  	p2 =	seq.s32 s10, $0x1;
	s10 =	sld [smem:$0x3FB6]  }
0x3d: {  	_ =	shalt  }
0x3e: {  	_ =	shalt  }
0x3f: {  	_ =	shalt  }
0x40: {  	_ =	shalt  }
0x41: {  	_ =	shalt  }
0x42: {  	_ =	shalt  }
0x43: {  	_ =	shalt  }
0x44: {  	_ =	shalt  }
0x45: {  	_ =	shalt  }
0x46: {  	_ =	shalt  }
0x47: {  	_ =	shalt  }
0x48: {  	_ =	shalt  }
0x49: {  	_ =	shalt  }
0x4a: {  	_ =	shalt  }
0x4b: {  	_ =	shalt  }
0x4c: {  	_ =	shalt  }
0x4d: {  	_ =	shalt  }
0x4e: {  	_ =	shalt  }
0x4f: {  	_ =	shalt  }
0x50: {  	_ =	shalt  }
0x51: {  	_ =	shalt  }
0x52: {  	_ =	shalt  }
0x53: {  	_ =	shalt  }
0x54: {  	_ =	shalt  }
0x55: {  	_ =	shalt  }
0x56: {  	_ =	shalt  }
0x57: {  	_ =	shalt  }
0x58: {  	_ =	shalt  }
0x59: {  	_ =	shalt  }
0x5a: {  	_ =	shalt  }
0x5b: {  	_ =	shalt  }
0x5c: {  	_ =	shalt  }
0x5d: {  	_ =	shalt  }
0x5e: {  	_ =	shalt  }
0x5f: {  	_ =	shalt  }
0x60: {  	_ =	shalt  }
0x61: {  	_ =	shalt  }
0x62: {  	_ =	shalt  }
0x63: {  	_ =	shalt  }
0x64: {  	_ =	shalt  }
0x65: {  	_ =	shalt  }
0x66: {  	_ =	shalt  }
0x67: {  	_ =	shalt  }
0x68: {  	_ =	shalt  }
0x69: {  	_ =	shalt  }
0x6a: {  	_ =	shalt  }
0x6b: {  	_ =	shalt  }
0x6c: {  	_ =	shalt  }
0x6d: {  	_ =	shalt  }
0x6e: {  	_ =	shalt  }
0x6f: {  	_ =	shalt  }
0x70: {  	_ =	shalt  }
0x71: {  	_ =	shalt  }
0x72: {  	_ =	shalt  }
0x73: {  	_ =	shalt  }
0x74: {  	_ =	shalt  }
0x75: {  	_ =	shalt  }
0x76: {  	_ =	shalt  }
0x77: {  	_ =	shalt  }
0x78: {  	_ =	shalt  }
0x79: {  	_ =	shalt  }
0x7a: {  	_ =	shalt  }
0x7b: {  	_ =	shalt  }
0x7c: {  	_ =	shalt  }
0x7d: {  	_ =	shalt  }
0x7e: {  	_ =	shalt  }
0x7f: {  	_ =	shalt  }
0x80: {  	_ =	shalt  }
0x81: {  	_ =	shalt  }
0x82: {  	_ =	shalt  }
0x83: {  	_ =	shalt  }
0x84: {  	_ =	shalt  }
0x85: {  	_ =	shalt  }
0x86: {  	_ =	shalt  }
0x87: {  	_ =	shalt  }
.Lfunc_end0:
.L_simem_size_0:
called_computation.3_lowered:
.L_overlay_start_0:
0x88: {  	s2 =	sld [smem:$0x3FD9]  }
0x89: {  	s3 =	sld [smem:$0x3FFE];
	_ =	sdelay $0x1  }
0x8a: {  	s1 =	srdreg.scid  }
0x8b: {  	s0 =	sand.u32 $0x1, s1  }
0x8c: {  	s14 =	sshll.u32 s0, $0xA;
	s2 =	sadd.s32 s3, s2  }
0x8d: {  	s2 =	sadd.s32 s2, s14  }
0x8e: {  	[smem:$0x3FC2] =	sst s2  }
0x8f: {  	_ = 	snop  }
0x90: {  	s2 =	sld [smem:$0x3FD0];
	_ =	sdelay $0x2  }
0x91: {  	s15 =	simm.s32 $0xA;
	s4 =	simm.s32 $0x10  }
0x92: {  	[smem:s4], [sflag:s15] =	dma.local [hbm:s2], $0x1  }
0x93: {  	_ =	swait.eq [sflag:s15], $0x1  }
0x94: {  	[sflag:s15] =	ssyncset.done $0x0  }
0x95: {  	s16 =	sld [smem:$0x10];
	[sflag:s15] =	ssyncadd.s32 $0xFFFFFFFF  }
0x96: {  	s17 =	sld [smem:$0x11];
	(tm) =	ssettm $0x1  }
0x97: {  	s18 =	sld [smem:$0x3FFB];
	_ =	sdelay $0x3  }
0x98: {  	_ =	strace s18  }
0x99: {  	s4 =	sld [smem:$0x3FFC];
	_ =	sdelay $0x3  }
0x9a: {  	_ =	strace s4  }
0x9b: {  	s4 =	sld [smem:$0x3FFD];
	_ =	sdelay $0x3  }
0x9c: {  	_ =	strace s4  }
0x9d: {  	_ =	strace $0x8FFFFFFF  }
0x9e: {  	s19 =	sld [smem:$0x3FDB];
	_ =	sdelay $0x1  }
0x9f: {  	s5 =	simm.s32 $_scs_section_size  }
0xa0: {  	s6 =	simm.s32 $_size__tile_overlayer_lowered;
	s7 =	simm.s32 $_tile_overlayer_lowered  }
0xa1: {  	s22 =	simm.s32 $0x1BFF;
	s21 =	sshll.u32 s7, $0x1;
	s4 =	sadd.s32 s5, s19  }
0xa2: {  	s8 =	simm.s32 $0x0;
	s20 =	sshll.u32 s6, $0x1;
	s6 =	sadd.s32 s21, s4  }
0xa3: {  	[timem:s8], [sflag:s22] =	dma.local [hbm:s6], s20  }
0xa4: {  	_ =	swait.ge [sflag:s22], s20  }
0xa5: {  	s5 =	ssub.s32 $0x0, s20;
	[sflag:s22] =	ssyncset.done $0x0  }
0xa6: {  	[sflag:s22] =	ssyncadd.s32 s5;
	_ =	sdelay $0x1  }
0xa7: {  	s23 =	simm.s32 $0x1B8B  }
0xa8: {  	_ =	swait.ge [sflag:s23], $0x1  }
0xa9: {  	[sflag:s23] =	ssyncset.done $0x0  }
0xaa: {  	s25 =	simm.s32 $0x1B8E;
	s24 =	sld [smem:$0x3FFE];
	[sflag:s23] =	ssyncadd.s32 $0xFFFFFFFF  }
0xab: {  	s26 =	simm.s32 $execute0_lowered;
	[smem:$0x3FD2] =	sst s25  }
0xac: {  	s6 =	sshll.u32 s26, $0x1;
	_ =	strace $0x8000004F;
	[dreg:$0x1] =	wrdreg $0xFFFFFFFF  }
0xad: {  	s28 =	simm.s32 $_size_execute0_lowered;
	s4 =	sadd.s32 s4, s6;
	[dreg:$0x0] =	wrdreg $0x0  }
0xae: {  	s6 =	sshll.u32 s28, $0x1;
	[dreg:$0x2] =	wrdreg s4  }
0xaf: {  	[dreg:$0x3] =	wrdreg s6  }
0xb0: {  	[dreg:$0x4] =	wrdreg $0xC0  }
0xb1: {  	_ =	task [dreg:s8], $0x5FFFF  }
0xb2: {  	[dreg:$0x1] =	wrdreg $0xFFFFFFFF  }
0xb3: {  	[dreg:$0x0] =	wrdreg $0x60  }
0xb4: {  	[dreg:$0x2] =	wrdreg s24  }
0xb5: {  	[dreg:$0x3] =	wrdreg s16  }
0xb6: {  	[dreg:$0x4] =	wrdreg s17  }
0xb7: {  	[dreg:$0x5] =	wrdreg $0x68000  }
0xb8: {  	[dreg:$0x6] =	wrdreg $0x9  }
0xb9: {  	_ =	task.clear_ibuf [dreg:s8], $0x7FFFF;
	_ =	strace $0x9000004F  }
0xba: {  	s29 =	simm.s32 $0x9;
	_ =	strace $0x80000051  }
0xbb: {  	_ =	swait.ge [sflag:s29], $0x1  }
0xbc: {  	[sflag:s29] =	ssyncadd.s32 $0xFFFFFFFF  }
0xbd: {  	_ =	strace $0x90000051  }
0xbe: {  	_ =	sfence  }
0xbf: {  	s30 =	sld [smem:$0x0];
	_ =	sdelay $0x2  }
0xc0: {  	s31 =	sshll.u32 s1, $0xD;
	s1 =	sshrl.u32 s1, $0x2  }
0xc1: {  	s3 =	sand.u32 $0x4000, s31;
	s1 =	sadd.s32 s1, s30  }
0xc2: {  	s0 =	sor.u32 s3, s0;
	s1 =	sshll.u32 s1, $0x11  }
0xc3: {  	s0 =	sor.u32 s1, s0  }
0xc4: {  	s0 =	sadd.s32 $0x8F2B, s0  }
0xc5: {  	[sflag:s0] =	ssyncadd.remote.s32 $0x1  }
0xc6: {  	_ =	sfence.sel $0xFFFF  }
0xc7: {  	[dreg:$0x0] =	wrdreg $0xFFFFFFFF;
	(pc) =	sbr.abs _section_cstart, $3  }
0xc8: {  	[dreg:$0x1] =	wrdreg $0xFFFFFFFF  }
0xc9: {  	_ =	task.clear_ibuf [dreg:s8], $0x2FFFF;
	_ =	strace $0x9FFFFFFF  }
0xca: {  	(tm) =	ssettm $0x7FFFFFFF  }
0xcb: {  	_ =	shalt  }
tec
execute0_lowered:
.L_overlay_start_1:
0x0: {  	(tag) =	ssettag $0x1  }
0x1: {  	s5 =	rddreg [dreg:$0x0]  }
0x2: {  	s9 =	rddreg [dreg:$0x1]  }
0x3: {  	s10 =	rddreg [dreg:$0x2]  }
0x4: {  	s2 =	rddreg [dreg:$0x3]  }
0x5: {  	s0 =	rddreg [dreg:$0x4]  }
0x6: {  	s1 =	stileid.u32;
	s3 =	simm.s32 $0x0;
	s4 =	srdreg.scid  }
0x7: {  	s16 =	simm.s32 $0x80;
	s17 =	simm.s32 $0x2800;
	s18 =	simm.s32 $0x1  }
0x8: {  	s19 =	simm.s32 $0x4800;
	s20 =	simm.s32 $0x2;
	s21 =	simm.s32 $0x1380  }
0x9: {  	s22 =	simm.s32 $0x2700;
	s23 =	simm.s32 $0x2780;
	s24 =	simm.s32 $0x0  }
0xa: {  	s6 =	smul.u32 $0xA000, s1;
	[smem:$0x7FF] =	sst s3;
	s7 =	sand.u32 $0x1, s4  }
0xb: {  	s4 =	sadd.s32 $0x2200, s5;
	s12 =	sshll.u32 s1, $0x1;
	s30 =	sshll.u32 s1, $0x6  }
0xc: {  	s11 =	smul.u32 $0xA0000, s7;
	s13 =	ssub.s32 $0x2, s7;
	s7 =	sor.u32 s7, s12  }
0xd: {  	_ =	strace $0x80000050;
	s8 =	sshrl.u32 s6, $0x3;
	s14 =	smul.u32 $0x2800, s7  }
0xe: {  	s28 =	sshrl.u32 s13, $0x1;
	s29 =	sadd.s32 s6, s2;
	s15 =	smul.u32 $0x500, s7  }
0xf: {  	s8 =	sadd.s32 s8, s5;
	s11 =	sadd.s32 s6, s11;
	s12 =	ssub.s32 s13, s28  }
0x10: {  	s6 =	sor.u32 $0x1C03, s30;
	s13 =	sshrl.u32 s29, $0x3;
	s11 =	sshrl.u32 s11, $0x3  }
0x11: {  	s31 =	sshrl.u32 s14, $0x3;
	s7 =	sadd.s32 s9, s15;
	s12 =	smax.u32 s12, $0x1  }
0x12: {  	s11 =	sadd.s32 s11, s5;
	s5 =	sadd.s32 $0x16200, s8;
	s14 =	sadd.s32 $0x280, s31  }
0x13: {  	s8 =	sadd.s32 s10, s15;
	s15 =	simm.s32 $0x1400;
	s9 =	sadd.s32 s9, s14  }
0x14: {  	s10 =	sadd.s32 s10, s14;
	s11 =	sadd.s32 $0x2A200, s11;
	s14 =	simm.s32 $0x3  }
.LBB2_1:
0x15: {  	[spmem:s13], [sflag:s6] =	dma.local [hbm:s5], $0x1400  }
0x16: {  	_ =	swait.ge [sflag:s14], $0x1400  }
0x17: {  	[sflag:s14] =	ssyncset.done $0x0  }
0x18: {  	[sflag:s14] =	ssyncadd.s32 $0xFFFFEC00  }
0x19: {  	[bflag:$0x0] =	sbarrier.arrive $0xFFFF  }
0x1a: {  	[tilespmem:s3], [sflag:$0x3] =	stream.linear.gather [hbm4b:s7+s3], $0x1400, $0x38;
	[tilespmem:$0x10800] =	vst v63  }
0x1b: {  	_ =	swait.ge [sflag:s14], $0x1400  }
0x1c: {  	[sflag:s14] =	ssyncset.done $0x0  }
0x1d: {  	[sflag:s14] =	ssyncadd.s32 $0xFFFFEC00  }
0x1e: {  	[tilespmem:s15], [sflag:$0x3] =	stream.linear.gather [hbm4b:s8+s3], $0x1400, $0x38;
	[tilespmem:$0x10800] =	vst v63  }
0x1f: {  	_ =	swait.ge [sflag:s14], $0x1400  }
0x20: {  	[sflag:s14] =	ssyncset.done $0x0  }
0x21: {  	[sflag:s14] =	ssyncadd.s32 $0xFFFFEC00  }
0x22: {  	[tilespmem:s17], [sflag:$0x1] =	stream.indirect.gather [hbm4b:s4+s16], $0x40, s3, s16, $0xb8;
	[tilespmem:$0x10800] =	vst v63  }
0x23: {  	_ =	swait.ge [sflag:s18], $0x2000  }
0x24: {  	[sflag:s18] =	ssyncset.done $0x0  }
0x25: {  	s25 =	simm.s32 $0x80;
	[sflag:s18] =	ssyncadd.s32 $0xFFFFE000  }
0x26: {  	[tilespmem:s19], [sflag:$0x2] =	stream.indirect.gather [hbm4b:s4+s16], $0x40, s25, s16, $0xb8;
	[tilespmem:$0x10800] =	vst v63  }
0x27: {  	s29 =	simm.s32 $0x1400  }
0x28: {  	[spmem:s2] =	stream.indirect.scatter.add.f32 [tilespmem:s17], [sflag:$0x3], $0x40, s29, s16, $0xb8;
	[tilespmem:$0x10800] =	vst v63  }
0x29: {  	_ =	swait.ge [sflag:s14], $0x2000  }
0x2a: {  	[sflag:s14] =	ssyncset.done $0x0  }
0x2b: {  	[sflag:s14] =	ssyncadd.s32 $0xFFFFE000  }
0x2c: {  	_ =	swait.ge [sflag:s20], $0x2000  }
0x2d: {  	[sflag:s20] =	ssyncset.done $0x0  }
0x2e: {  	s30 =	simm.s32 $0x100;
	[sflag:s20] =	ssyncadd.s32 $0xFFFFE000  }
0x2f: {  	[tilespmem:s17], [sflag:$0x1] =	stream.indirect.gather [hbm4b:s4+s16], $0x40, s30, s16, $0xb8;
	[tilespmem:$0x10800] =	vst v63  }
0x30: {  	s31 =	simm.s32 $0x1480  }
0x31: {  	[spmem:s2] =	stream.indirect.scatter.add.f32 [tilespmem:s19], [sflag:$0x3], $0x40, s31, s16, $0xb8;
	[tilespmem:$0x10800] =	vst v63  }
0x32: {  	_ =	swait.ge [sflag:s14], $0x2000  }
0x33: {  	s25 =	simm.s32 $0x400;
	[sflag:s14] =	ssyncset.done $0x0  }
.LBB2_2:
0x34: {  	p0 =	sne.s32 s25, $0x4800  }
0x35: {  	[sflag:s14] =	ssyncadd.s32 $0xFFFFE000;
	s26 =	smov.u32 s25;
	s25 =	sadd.s32 $0x400, s25  }
0x36: {  	_ = 	snop  }
0x37: {  	_ =	swait.ge [sflag:s18], $0x2000  }
0x38: {  	s26 =	sshra.s32 s26, $0x2;
	[sflag:s18] =	ssyncset.done $0x0  }
0x39: {  	s28 =	sadd.s32 $0x80, s26;
	[sflag:s18] =	ssyncadd.s32 $0xFFFFE000  }
0x3a: {  	[tilespmem:s19], [sflag:$0x2] =	stream.indirect.gather [hbm4b:s4+s16], $0x40, s28, s16, $0xb8;
	[tilespmem:$0x10800] =	vst v63  }
0x3b: {  	s28 =	sadd.s32 $0x1400, s26  }
0x3c: {  	[spmem:s2] =	stream.indirect.scatter.add.f32 [tilespmem:s17], [sflag:$0x3], $0x40, s28, s16, $0xb8;
	[tilespmem:$0x10800] =	vst v63  }
0x3d: {  	_ =	swait.ge [sflag:s14], $0x2000  }
0x3e: {  	[sflag:s14] =	ssyncset.done $0x0  }
0x3f: {  	[sflag:s14] =	ssyncadd.s32 $0xFFFFE000  }
0x40: {  	_ =	swait.ge [sflag:s20], $0x2000  }
0x41: {  	[sflag:s20] =	ssyncset.done $0x0  }
0x42: {  	s28 =	sadd.s32 $0x100, s26;
	[sflag:s20] =	ssyncadd.s32 $0xFFFFE000  }
0x43: {  	[tilespmem:s17], [sflag:$0x1] =	stream.indirect.gather [hbm4b:s4+s16], $0x40, s28, s16, $0xb8;
	[tilespmem:$0x10800] =	vst v63  }
.Ltmp0:
0x44: {  	_ = 	snop;
	(pc) =	sbr.rel @p0 .LBB2_2-.Ltmp0, $4  }
0x45: {  	s26 =	sadd.s32 $0x1480, s26  }
0x46: {  	[spmem:s2] =	stream.indirect.scatter.add.f32 [tilespmem:s19], [sflag:$0x3], $0x40, s26, s16, $0xb8;
	[tilespmem:$0x10800] =	vst v63  }
0x47: {  	_ =	swait.ge [sflag:s14], $0x2000  }
0x48: {  	[sflag:s14] =	ssyncset.done $0x0  }
0x49: {  	[sflag:s14] =	ssyncadd.s32 $0xFFFFE000  }
0x4a: {  	_ =	swait.ge [sflag:s18], $0x2000  }
0x4b: {  	[sflag:s18] =	ssyncset.done $0x0  }
0x4c: {  	[sflag:s18] =	ssyncadd.s32 $0xFFFFE000  }
0x4d: {  	[tilespmem:s19], [sflag:$0x2] =	stream.indirect.gather [hbm4b:s4+s16], $0x40, s21, s16, $0xb8;
	[tilespmem:$0x10800] =	vst v63  }
0x4e: {  	_ = 	snop  }
0x4f: {  	[spmem:s2] =	stream.indirect.scatter.add.f32 [tilespmem:s17], [sflag:$0x3], $0x40, s22, s16, $0xb8;
	[tilespmem:$0x10800] =	vst v63  }
0x50: {  	_ =	swait.ge [sflag:s14], $0x2000  }
0x51: {  	[sflag:s14] =	ssyncset.done $0x0  }
0x52: {  	[sflag:s14] =	ssyncadd.s32 $0xFFFFE000  }
0x53: {  	_ =	swait.ge [sflag:s20], $0x2000  }
0x54: {  	[sflag:s20] =	ssyncset.done $0x0  }
0x55: {  	[sflag:s20] =	ssyncadd.s32 $0xFFFFE000  }
0x56: {  	[spmem:s2] =	stream.indirect.scatter.add.f32 [tilespmem:s19], [sflag:$0x3], $0x40, s23, s16, $0xb8;
	[tilespmem:$0x10800] =	vst v63  }
0x57: {  	_ =	swait.ge [sflag:s14], $0x2000  }
0x58: {  	[sflag:s14] =	ssyncset.done $0x0  }
0x59: {  	s25 =	simm.s32 $0x0;
	[sflag:s14] =	ssyncadd.s32 $0xFFFFE000  }
0x5a: {  	[tilespmem:s25], [sflag:$0x3] =	stream.linear.gather [hbm4b:s9+s25], $0x1400, $0x38;
	[tilespmem:$0x10800] =	vst v63  }
0x5b: {  	_ =	swait.ge [sflag:s14], $0x1400  }
0x5c: {  	[sflag:s14] =	ssyncset.done $0x0  }
0x5d: {  	[sflag:s14] =	ssyncadd.s32 $0xFFFFEC00  }
0x5e: {  	[tilespmem:s15], [sflag:$0x3] =	stream.linear.gather [hbm4b:s10+s25], $0x1400, $0x38;
	[tilespmem:$0x10800] =	vst v63  }
0x5f: {  	_ =	swait.ge [sflag:s14], $0x1400  }
0x60: {  	[sflag:s14] =	ssyncset.done $0x0  }
0x61: {  	[sflag:s14] =	ssyncadd.s32 $0xFFFFEC00  }
0x62: {  	[tilespmem:s17], [sflag:$0x1] =	stream.indirect.gather [hbm4b:s4+s16], $0x40, s25, s16, $0xb8;
	[tilespmem:$0x10800] =	vst v63  }
0x63: {  	_ =	swait.ge [sflag:s18], $0x2000  }
0x64: {  	[sflag:s18] =	ssyncset.done $0x0  }
0x65: {  	s28 =	simm.s32 $0x80;
	[sflag:s18] =	ssyncadd.s32 $0xFFFFE000  }
0x66: {  	[tilespmem:s19], [sflag:$0x2] =	stream.indirect.gather [hbm4b:s4+s16], $0x40, s28, s16, $0xb8;
	[tilespmem:$0x10800] =	vst v63  }
0x67: {  	s29 =	simm.s32 $0x1400  }
0x68: {  	[spmem:s2] =	stream.indirect.scatter.add.f32 [tilespmem:s17], [sflag:$0x3], $0x40, s29, s16, $0xb8;
	[tilespmem:$0x10800] =	vst v63  }
0x69: {  	_ =	swait.ge [sflag:s14], $0x2000  }
0x6a: {  	[sflag:s14] =	ssyncset.done $0x0  }
0x6b: {  	[sflag:s14] =	ssyncadd.s32 $0xFFFFE000  }
0x6c: {  	_ =	swait.ge [sflag:s20], $0x2000  }
0x6d: {  	[sflag:s20] =	ssyncset.done $0x0  }
0x6e: {  	s30 =	simm.s32 $0x100;
	[sflag:s20] =	ssyncadd.s32 $0xFFFFE000  }
0x6f: {  	[tilespmem:s17], [sflag:$0x1] =	stream.indirect.gather [hbm4b:s4+s16], $0x40, s30, s16, $0xb8;
	[tilespmem:$0x10800] =	vst v63  }
0x70: {  	s31 =	simm.s32 $0x1480  }
0x71: {  	[spmem:s2] =	stream.indirect.scatter.add.f32 [tilespmem:s19], [sflag:$0x3], $0x40, s31, s16, $0xb8;
	[tilespmem:$0x10800] =	vst v63  }
0x72: {  	_ =	swait.ge [sflag:s14], $0x2000  }
0x73: {  	s25 =	simm.s32 $0x400;
	[sflag:s14] =	ssyncset.done $0x0  }
.LBB2_4:
0x74: {  	p0 =	sne.s32 s25, $0x4800  }
0x75: {  	[sflag:s14] =	ssyncadd.s32 $0xFFFFE000;
	s26 =	smov.u32 s25;
	s25 =	sadd.s32 $0x400, s25  }
0x76: {  	_ = 	snop  }
0x77: {  	_ =	swait.ge [sflag:s18], $0x2000  }
0x78: {  	s26 =	sshra.s32 s26, $0x2;
	[sflag:s18] =	ssyncset.done $0x0  }
0x79: {  	s28 =	sadd.s32 $0x80, s26;
	[sflag:s18] =	ssyncadd.s32 $0xFFFFE000  }
0x7a: {  	[tilespmem:s19], [sflag:$0x2] =	stream.indirect.gather [hbm4b:s4+s16], $0x40, s28, s16, $0xb8;
	[tilespmem:$0x10800] =	vst v63  }
0x7b: {  	s28 =	sadd.s32 $0x1400, s26  }
0x7c: {  	[spmem:s2] =	stream.indirect.scatter.add.f32 [tilespmem:s17], [sflag:$0x3], $0x40, s28, s16, $0xb8;
	[tilespmem:$0x10800] =	vst v63  }
0x7d: {  	_ =	swait.ge [sflag:s14], $0x2000  }
0x7e: {  	[sflag:s14] =	ssyncset.done $0x0  }
0x7f: {  	[sflag:s14] =	ssyncadd.s32 $0xFFFFE000  }
0x80: {  	_ =	swait.ge [sflag:s20], $0x2000  }
0x81: {  	[sflag:s20] =	ssyncset.done $0x0  }
0x82: {  	s28 =	sadd.s32 $0x100, s26;
	[sflag:s20] =	ssyncadd.s32 $0xFFFFE000  }
0x83: {  	[tilespmem:s17], [sflag:$0x1] =	stream.indirect.gather [hbm4b:s4+s16], $0x40, s28, s16, $0xb8;
	[tilespmem:$0x10800] =	vst v63  }
.Ltmp1:
0x84: {  	_ = 	snop;
	(pc) =	sbr.rel @p0 .LBB2_4-.Ltmp1, $4  }
0x85: {  	s26 =	sadd.s32 $0x1480, s26  }
0x86: {  	[spmem:s2] =	stream.indirect.scatter.add.f32 [tilespmem:s19], [sflag:$0x3], $0x40, s26, s16, $0xb8;
	[tilespmem:$0x10800] =	vst v63  }
0x87: {  	_ =	swait.ge [sflag:s14], $0x2000  }
0x88: {  	[sflag:s14] =	ssyncset.done $0x0  }
0x89: {  	[sflag:s14] =	ssyncadd.s32 $0xFFFFE000  }
0x8a: {  	_ =	swait.ge [sflag:s18], $0x2000  }
0x8b: {  	[sflag:s18] =	ssyncset.done $0x0  }
0x8c: {  	[sflag:s18] =	ssyncadd.s32 $0xFFFFE000  }
0x8d: {  	[tilespmem:s19], [sflag:$0x2] =	stream.indirect.gather [hbm4b:s4+s16], $0x40, s21, s16, $0xb8;
	[tilespmem:$0x10800] =	vst v63  }
0x8e: {  	_ = 	snop  }
0x8f: {  	[spmem:s2] =	stream.indirect.scatter.add.f32 [tilespmem:s17], [sflag:$0x3], $0x40, s22, s16, $0xb8;
	[tilespmem:$0x10800] =	vst v63  }
0x90: {  	_ =	swait.ge [sflag:s14], $0x2000  }
0x91: {  	[sflag:s14] =	ssyncset.done $0x0  }
0x92: {  	[sflag:s14] =	ssyncadd.s32 $0xFFFFE000  }
0x93: {  	_ =	swait.ge [sflag:s20], $0x2000  }
0x94: {  	[sflag:s20] =	ssyncset.done $0x0  }
0x95: {  	[sflag:s20] =	ssyncadd.s32 $0xFFFFE000  }
0x96: {  	[spmem:s2] =	stream.indirect.scatter.add.f32 [tilespmem:s19], [sflag:$0x3], $0x40, s23, s16, $0xb8;
	[tilespmem:$0x10800] =	vst v63  }
0x97: {  	_ =	swait.ge [sflag:s14], $0x2000  }
0x98: {  	s24 =	sadd.s32 $0x1, s24;
	[sflag:s14] =	ssyncset.done $0x0  }
0x99: {  	p0 =	sne.s32 s24, s12;
	[sflag:s14] =	ssyncadd.s32 $0xFFFFE000  }
.Ltmp2:
0x9a: {  	[bflag:$0x0] =	sbarrier.arrive $0xFFFF;
	(pc) =	sbr.rel @p0 .LBB2_1-.Ltmp2, $4  }
0x9b: {  	[hbm:s11], [sflag:s6] =	dma.local [spmem:s13], $0x1400  }
0x9c: {  	_ =	swait.ge [sflag:s14], $0x1400  }
0x9d: {  	[sflag:s14] =	ssyncset.done $0x0  }
0x9e: {  	[sflag:s14] =	ssyncadd.s32 $0xFFFFEC00  }
0x9f: {  	_ =	sfence.sel $0x180000  }
0xa0: {  	[bflag:$0x0] =	sbarrier.arrive $0xFFFF  }
0xa1: {  	p0 =	sne.s32 s1, $0x0;
	_ =	strace $0x90000050  }
0xa2: {  	s0 =	sadd.s32 @!p0 $0x100000, s0;
	[bflag:$0x2] =	sbarrier.arrive $0xFFFF  }
0xa3: {  	[sflag:s0] =	ssyncadd.tile.s32 @!p0 $0x1;
	_ =	shalt  }
.Lfunc_end2:
_tile_overlayer_lowered:
.L_overlay_start_2:
0xa4: {  	(tag) =	ssettag $0x2  }
0xa5: {  	s0 =	rddreg [dreg:$0x0];
	s2 =	stileid.u32  }
0xa6: {  	s1 =	rddreg [dreg:$0x1];
	p0 =	sne.s32 s2, $0x0  }
0xa7: {  	s3 =	rddreg [dreg:$0x2];
	[bflag:$0x3] =	sbarrier.arrive $0xFFFF;
	s2 =	simm.s32 @!p0 $0x1C03  }
0xa8: {  	[timem:s3], [sflag:s2] =	dma.local @!p0 [hbm:s0], s1  }
0xa9: {  	s0 =	simm.s32 @!p0 $0x3  }
0xaa: {  	_ =	swait.ge @!p0 [sflag:s0], s1  }
0xab: {  	s1 =	ssub.s32 @!p0 $0x0, s1;
	[sflag:s0] =	ssyncset.done @!p0 $0x0  }
0xac: {  	[sflag:s0] =	ssyncadd.s32 @!p0 s1  }
0xad: {  	[bflag:$0x3] =	sbarrier.arrive $0xFFFF  }
0xae: {  	_ =	shalt  }

</sc_bundles>
